<compile_context>
chip_gen: v7x
topology: tpu7x:2x2x1
jax: 0.10.2.dev20260603
libtpu: 0.0.44.dev20260713+nightly
codegen_flags: <defaults>
</compile_context>

<pallas_src>
import jax
import jax.numpy as jnp
from jax import lax
from jax.experimental import pallas as pl
from jax.experimental.pallas import tpu as pltpu
from jax.experimental.pallas import tpu_sc as plsc

N = 10000
D = 128
E = 160000
NEG_SLOPE = 0.2

NUM_TILES = 16
EDGES_PER_TILE = E // NUM_TILES
CHUNK = 128
EDGES_PER_TILE_PAD = 10240
CHUNKS_PER_TILE = EDGES_PER_TILE_PAD // CHUNK
NPAD = 10240
ROWS_PER_TILE = NPAD // NUM_TILES
DEG_W = 16
NBUF = 4

_MESH = dict(core_axis_name="c", subcore_axis_name="s")


def _deg_body(dst_hbm, deg_out, dstv, onesv, zd, dega):
    c = lax.axis_index("c")
    s = lax.axis_index("s")
    rbase = s * ROWS_PER_TILE

    pltpu.sync_copy(dst_hbm.at[c, s], dstv)

    one16 = jnp.full((16,), 1.0, jnp.float32)
    zero16 = jnp.zeros((16,), jnp.float32)

    def fill(r, carry):
        onesv[r] = one16
        return carry

    lax.fori_loop(0, CHUNK, fill, 0)

    def fill_z(r, carry):
        zd[r] = zero16
        return carry

    lax.fori_loop(0, 128, fill_z, 0)
    for k in range(ROWS_PER_TILE // 128):
        pltpu.sync_copy(zd, dega.at[pl.ds(rbase + k * 128, 128)])
    plsc.subcore_barrier()

    def chunk_body(i, carry):
        pltpu.sync_copy(onesv, dega.at[dstv.at[i]], add=True)
        return carry

    lax.fori_loop(0, CHUNKS_PER_TILE, chunk_body, 0)
    plsc.subcore_barrier()
    pltpu.sync_copy(dega.at[pl.ds(rbase, ROWS_PER_TILE)],
                    deg_out.at[c, pl.ds(rbase, ROWS_PER_TILE)])


_sc_deg = pl.kernel(
    _deg_body,
    mesh=plsc.VectorSubcoreMesh(**_MESH),
    out_type=jax.ShapeDtypeStruct((2, NPAD, DEG_W), jnp.float32),
    scratch_types=[
        pltpu.VMEM((CHUNKS_PER_TILE, CHUNK), jnp.int32),
        pltpu.VMEM((CHUNK, DEG_W), jnp.float32),
        pltpu.VMEM((128, DEG_W), jnp.float32),
        pltpu.VMEM_SHARED((NPAD, DEG_W), jnp.float32),
    ],
    compiler_params=pltpu.CompilerParams(use_tc_tiling_on_sc=False),
)


def _agg_body(h_hbm, src_hbm, dst_hbm, a_out,
              srcv, dstv, rows, zbuf, acc, sem):
    c = lax.axis_index("c")
    s = lax.axis_index("s")
    rbase = s * ROWS_PER_TILE

    pltpu.sync_copy(src_hbm.at[c, s], srcv)
    pltpu.sync_copy(dst_hbm.at[c, s], dstv)

    zero32 = jnp.zeros((32,), jnp.bfloat16)

    def fill_zero(r, carry):
        for j in range(D // 32):
            zbuf[r, pl.ds(j * 32, 32)] = zero32
        return carry

    lax.fori_loop(0, 128, fill_zero, 0)

    for k in range(ROWS_PER_TILE // 128):
        pltpu.sync_copy(zbuf, acc.at[pl.ds(rbase + k * 128, 128)])
    plsc.subcore_barrier()

    for b in range(NBUF):
        pltpu.async_copy(h_hbm.at[srcv.at[b]], rows.at[b], sem)

    def group_body(g, carry):
        for b in range(NBUF):
            chunk = g * NBUF + b
            pltpu.make_async_copy(
                h_hbm.at[srcv.at[chunk]], rows.at[b], sem).wait()
            pltpu.sync_copy(rows.at[b], acc.at[dstv.at[chunk]], add=True)
            pltpu.async_copy(
                h_hbm.at[srcv.at[chunk + NBUF]], rows.at[b], sem)
        return carry

    lax.fori_loop(0, CHUNKS_PER_TILE // NBUF - 1, group_body, 0)
    for b in range(NBUF):
        chunk = CHUNKS_PER_TILE - NBUF + b
        pltpu.make_async_copy(
            h_hbm.at[srcv.at[chunk]], rows.at[b], sem).wait()
        pltpu.sync_copy(rows.at[b], acc.at[dstv.at[chunk]], add=True)
    plsc.subcore_barrier()

    pltpu.sync_copy(acc.at[pl.ds(rbase, ROWS_PER_TILE)],
                    a_out.at[c, pl.ds(rbase, ROWS_PER_TILE)])


_sc_agg = pl.kernel(
    _agg_body,
    mesh=plsc.VectorSubcoreMesh(**_MESH),
    out_type=jax.ShapeDtypeStruct((2, NPAD, D), jnp.bfloat16),
    scratch_types=[
        pltpu.VMEM((CHUNKS_PER_TILE, CHUNK), jnp.int32),
        pltpu.VMEM((CHUNKS_PER_TILE, CHUNK), jnp.int32),
        pltpu.VMEM((NBUF, CHUNK, D), jnp.bfloat16),
        pltpu.VMEM((128, D), jnp.bfloat16),
        pltpu.VMEM_SHARED((NPAD, D), jnp.bfloat16),
        pltpu.SemaphoreType.DMA,
    ],
    compiler_params=pltpu.CompilerParams(use_tc_tiling_on_sc=False),
)


def _dense_body(out_bf16, a_ref, deg_ref, w0_ref, w1_ref, b_ref, o_ref):
    d0 = deg_ref[0][:, 0:1]
    d1 = deg_ref[1][:, 0:1]
    inv0 = 1.0 / jnp.maximum(d0, 1.0)
    inv1 = 1.0 / jnp.maximum(d1, 1.0)
    a0 = a_ref[0].astype(jnp.float32) * inv0
    a1 = a_ref[1].astype(jnp.float32) * inv1
    h = (jnp.dot(a0, w0_ref[...], preferred_element_type=jnp.float32)
         + jnp.dot(a1, w1_ref[...], preferred_element_type=jnp.float32)
         + b_ref[...])
    h = jnp.where(h >= 0.0, h, NEG_SLOPE * h)
    if out_bf16:
        o_ref[...] = h.astype(jnp.bfloat16)
    else:
        o_ref[...] = h


def _dense(a, deg, w0, w1, b, out_bf16):
    BR = 2000
    grid = (N // BR,)
    odt = jnp.bfloat16 if out_bf16 else jnp.float32
    return pl.pallas_call(
        lambda *refs: _dense_body(out_bf16, *refs),
        grid=grid,
        in_specs=[
            pl.BlockSpec((2, BR, D), lambda i: (0, i, 0)),
            pl.BlockSpec((2, BR, DEG_W), lambda i: (0, i, 0)),
            pl.BlockSpec((D, D), lambda i: (0, 0)),
            pl.BlockSpec((D, D), lambda i: (0, 0)),
            pl.BlockSpec((1, D), lambda i: (0, 0)),
        ],
        out_specs=pl.BlockSpec((BR, D), lambda i: (i, 0)),
        out_shape=jax.ShapeDtypeStruct((N, D), odt),
    )(a, deg, w0, w1, b.reshape(1, D))


@jax.jit
def kernel(x, edge_index_r0, edge_index_r1, W0_r0, W0_r1, b0, W1_r0, W1_r1, b1):
    pad = EDGES_PER_TILE_PAD - EDGES_PER_TILE
    src = jnp.stack([edge_index_r0[0], edge_index_r1[0]]) \
             .reshape(2, NUM_TILES, EDGES_PER_TILE)
    src = jnp.pad(src, ((0, 0), (0, 0), (0, pad))) \
             .reshape(2, NUM_TILES, CHUNKS_PER_TILE, CHUNK)
    dst = jnp.stack([edge_index_r0[1], edge_index_r1[1]]) \
             .reshape(2, NUM_TILES, EDGES_PER_TILE)
    dst = jnp.pad(dst, ((0, 0), (0, 0), (0, pad)), constant_values=NPAD - 1) \
             .reshape(2, NUM_TILES, CHUNKS_PER_TILE, CHUNK)

    deg = _sc_deg(dst)
    a1 = _sc_agg(x.astype(jnp.bfloat16), src, dst)
    h1 = _dense(a1, deg, W0_r0, W0_r1, b0, out_bf16=True)
    a2 = _sc_agg(h1, src, dst)
    h2 = _dense(a2, deg, W1_r0, W1_r1, b1, out_bf16=False)
    return h2

# --- scband reference (transcript-rebuilt; emitter-appended) ---
"""Pipeline reference for scband-hidden-rgcn-52218212384771 (READ-ONLY COPY).

The authoritative reference and input builder live on the scoring server;
editing this copy changes nothing except your own understanding.
"""

import jax, jax.numpy as jnp
import numpy as np

N = 10000
D = 128
E = 160000
NEG_SLOPE = 0.2


def setup_inputs(seed: int = 0) -> dict:
    key = jax.random.key(seed)
    ks = jax.random.split(key, 12)
    x = jax.random.normal(ks[0], (N, D), dtype=jnp.float32)
    edge_index_r0 = jax.random.randint(ks[1], (2, E), 0, N, dtype=jnp.int32)
    edge_index_r1 = jax.random.randint(ks[2], (2, E), 0, N, dtype=jnp.int32)
    scale = 1.0 / np.sqrt(D)
    # 2 hidden layers (dims 128->128->128), each with a per-etype weight and a per-layer bias
    W0_r0 = jax.random.normal(ks[3], (D, D), dtype=jnp.float32) * scale
    W0_r1 = jax.random.normal(ks[4], (D, D), dtype=jnp.float32) * scale
    b0 = jnp.zeros((D,), dtype=jnp.float32)
    W1_r0 = jax.random.normal(ks[5], (D, D), dtype=jnp.float32) * scale
    W1_r1 = jax.random.normal(ks[6], (D, D), dtype=jnp.float32) * scale
    b1 = jnp.zeros((D,), dtype=jnp.float32)
    return {
        "x": x,
        "edge_index_r0": edge_index_r0,
        "edge_index_r1": edge_index_r1,
        "W0_r0": W0_r0,
        "W0_r1": W0_r1,
        "b0": b0,
        "W1_r0": W1_r0,
        "W1_r1": W1_r1,
        "b1": b1,
    }


def _rel_conv(h, src, dst, W):
    # DGL GraphConv with norm='right': aggregate messages then divide by dst in-degree
    m = h[src] @ W
    agg = jax.ops.segment_sum(m, dst, num_segments=N)
    deg = jax.ops.segment_sum(jnp.ones_like(dst, dtype=h.dtype), dst, num_segments=N)
    return agg / jnp.clip(deg, 1.0, None)[:, None]


def _rgc_layer(h, edges, Ws, b, activate=True):
    # HeteroGraphConv aggregate='sum' across canonical etypes
    out = jnp.zeros((N, Ws[0].shape[1]), dtype=h.dtype)
    for (src, dst), W in zip(edges, Ws):
        out = out + _rel_conv(h, src, dst, W)
    out = out + b
    if activate:
        out = jax.nn.leaky_relu(out, negative_slope=NEG_SLOPE)
    return out  # dropout=0.0 -> identity


def reference(x, edge_index_r0, edge_index_r1, W0_r0, W0_r1, b0, W1_r0, W1_r1, b1):
    e0 = (edge_index_r0[0], edge_index_r0[1])
    e1 = (edge_index_r1[0], edge_index_r1[1])
    edges = [e0, e1]
    h = _rgc_layer(x, edges, [W0_r0, W0_r1], b0, activate=True)
    h = _rgc_layer(h, edges, [W1_r0, W1_r1], b1, activate=True)  # activate_out=True
    return h

if __name__ == "__main__":
    import jax
    _d = setup_inputs()
    print(jax.jit(kernel)(*tuple(_d.values())))

</pallas_src>

<mosaic_0001>
#map = affine_map<(d0, d1) -> (0, 0, 0, 0)>
#map1 = affine_map<(d0, d1) -> (0, 0, 0)>
module attributes {stable_mosaic.version = 14 : i64} {
  func.func @_deg_body(%arg0: i32, %arg1: i32, %arg2: memref<2x16x80x128xi32, #tpu.memory_space<hbm>>, %arg3: memref<2x10240x16xf32, #tpu.memory_space<hbm>>, %arg4: memref<80x128xi32, #tpu.memory_space<vmem>>, %arg5: memref<128x16xf32, #tpu.memory_space<vmem>>, %arg6: memref<128x16xf32, #tpu.memory_space<vmem>>, %arg7: memref<10240x16xf32, #tpu.memory_space<vmem_shared>>) attributes {dimension_semantics = [#tpu.dimension_semantics<core_parallel>, #tpu.dimension_semantics<subcore_parallel>], iteration_bounds = array<i64: 2, 16>, scalar_prefetch = 0 : i64, scratch_operands = 4 : i64, tpu.core_type = #tpu.core_type<sc_vector_subcore>, window_params = [{transform_indices = #map}, {transform_indices = #map1}]} {
    %mul3A = arith.constant 640 : i32
    %mul3A_0 = arith.muli %arg1, %mul3A : i32
    "tpu.region"() ({
      %run_scoped3A = tpu.sem_alloc : memref<!tpu.dma_semaphore, #tpu.memory_space<semaphore_mem>>
      %dma_start3A = arith.constant 0 : i32
      %dma_start3A_31 = arith.constant 0 : i32
      %dma_start3A_32 = tpu.memref_slice %arg2[%arg0, %arg1, %dma_start3A, %dma_start3A_31] : memref<2x16x80x128xi32, #tpu.memory_space<hbm>> -> memref<1x1x80x128xi32, #tpu.memory_space<hbm>>
      %dma_start3A_33 = tpu.memref_squeeze %dma_start3A_32 : memref<1x1x80x128xi32, #tpu.memory_space<hbm>> -> memref<80x128xi32, #tpu.memory_space<hbm>>
      %dma_start3A_34 = arith.constant 0 : i32
      %dma_start3A_35 = arith.constant 0 : i32
      %dma_start3A_36 = tpu.memref_slice %arg2[%arg0, %arg1, %dma_start3A_34, %dma_start3A_35] : memref<2x16x80x128xi32, #tpu.memory_space<hbm>> -> memref<1x1x80x128xi32, #tpu.memory_space<hbm>>
      %dma_start3A_37 = tpu.memref_squeeze %dma_start3A_36 : memref<1x1x80x128xi32, #tpu.memory_space<hbm>> -> memref<80x128xi32, #tpu.memory_space<hbm>>
      tpu.enqueue_dma source(%dma_start3A_37 : memref<80x128xi32, #tpu.memory_space<hbm>>) target(%arg4 : memref<80x128xi32, #tpu.memory_space<vmem>>) target_semaphore(%run_scoped3A : memref<!tpu.dma_semaphore, #tpu.memory_space<semaphore_mem>>)
      %dma_wait3A = arith.constant 0 : i32
      %dma_wait3A_38 = arith.constant 0 : i32
      %dma_wait3A_39 = tpu.memref_slice %arg2[%arg0, %arg1, %dma_wait3A, %dma_wait3A_38] : memref<2x16x80x128xi32, #tpu.memory_space<hbm>> -> memref<1x1x80x128xi32, #tpu.memory_space<hbm>>
      %dma_wait3A_40 = tpu.memref_squeeze %dma_wait3A_39 : memref<1x1x80x128xi32, #tpu.memory_space<hbm>> -> memref<80x128xi32, #tpu.memory_space<hbm>>
      %dma_wait3A_41 = arith.constant 0 : i32
      %dma_wait3A_42 = arith.constant 0 : i32
      %dma_wait3A_43 = tpu.memref_slice %arg2[%arg0, %arg1, %dma_wait3A_41, %dma_wait3A_42] : memref<2x16x80x128xi32, #tpu.memory_space<hbm>> -> memref<1x1x80x128xi32, #tpu.memory_space<hbm>>
      %dma_wait3A_44 = tpu.memref_squeeze %dma_wait3A_43 : memref<1x1x80x128xi32, #tpu.memory_space<hbm>> -> memref<80x128xi32, #tpu.memory_space<hbm>>
      tpu.wait_dma2 semaphore(%run_scoped3A : memref<!tpu.dma_semaphore, #tpu.memory_space<semaphore_mem>>) src(%dma_wait3A_44 : memref<80x128xi32, #tpu.memory_space<hbm>>) dst(%arg4 : memref<80x128xi32, #tpu.memory_space<vmem>>)
      tpu.yield
    }) : () -> ()
    %broadcast_in_dim3A = arith.constant 1.000000e+00 : f32
    %broadcast_in_dim3A_1 = vector.broadcast %broadcast_in_dim3A : f32 to vector<16xf32>
    %broadcast_in_dim3A_2 = arith.constant 0.000000e+00 : f32
    %broadcast_in_dim3A_3 = vector.broadcast %broadcast_in_dim3A_2 : f32 to vector<16xf32>
    %scan3A = arith.constant 0 : i32
    %scan3A_4 = arith.constant 0 : i32
    %scan3A_5 = arith.constant 128 : i32
    %scan3A_6 = arith.addi %scan3A_4, %scan3A_5 : i32
    %scan3A_7 = arith.constant 1 : i32
    scf.for %scan3A_31 = %scan3A_4 to %scan3A_6 step %scan3A_7  : i32 {
      %swap3A = arith.index_cast %scan3A_31 : i32 to index
      %swap3A_32 = arith.constant 0 : index
      %swap3A_33 = tpu.vector_load %arg5[%swap3A, %swap3A_32] {strides = array<i32>} : memref<128x16xf32, #tpu.memory_space<vmem>>, vector<1x16xf32>,
      %swap3A_34 = vector.shape_cast %swap3A_33 : vector<1x16xf32> to vector<16xf32>
      %swap3A_35 = vector.shape_cast %broadcast_in_dim3A_1 : vector<16xf32> to vector<1x16xf32>
      tpu.vector_store %arg5[%swap3A, %swap3A_32], %swap3A_35 {strides = array<i32>} : memref<128x16xf32, #tpu.memory_space<vmem>>, vector<1x16xf32>,
    }
    %scan3A_8 = arith.constant 128 : i32
    %scan3A_9 = arith.constant 0 : i32
    %scan3A_10 = arith.constant 0 : i32
    %scan3A_11 = arith.constant 128 : i32
    %scan3A_12 = arith.addi %scan3A_10, %scan3A_11 : i32
    %scan3A_13 = arith.constant 1 : i32
    scf.for %scan3A_31 = %scan3A_10 to %scan3A_12 step %scan3A_13  : i32 {
      %swap3A = arith.index_cast %scan3A_31 : i32 to index
      %swap3A_32 = arith.constant 0 : index
      %swap3A_33 = tpu.vector_load %arg6[%swap3A, %swap3A_32] {strides = array<i32>} : memref<128x16xf32, #tpu.memory_space<vmem>>, vector<1x16xf32>,
      %swap3A_34 = vector.shape_cast %swap3A_33 : vector<1x16xf32> to vector<16xf32>
      %swap3A_35 = vector.shape_cast %broadcast_in_dim3A_3 : vector<16xf32> to vector<1x16xf32>
      tpu.vector_store %arg6[%swap3A, %swap3A_32], %swap3A_35 {strides = array<i32>} : memref<128x16xf32, #tpu.memory_space<vmem>>, vector<1x16xf32>,
    }
    %scan3A_14 = arith.constant 128 : i32
    %add3A = arith.constant 0 : i32
    %add3A_15 = arith.addi %mul3A_0, %add3A : i32
    "tpu.region"() ({
      %run_scoped3A = tpu.sem_alloc : memref<!tpu.dma_semaphore, #tpu.memory_space<semaphore_mem>>
      %dma_start3A = arith.constant 0 : i32
      %dma_start3A_31 = tpu.memref_slice %arg7[%add3A_15, %dma_start3A] : memref<10240x16xf32, #tpu.memory_space<vmem_shared>> -> memref<128x16xf32, #tpu.memory_space<vmem_shared>>
      %dma_start3A_32 = arith.constant 0 : i32
      %dma_start3A_33 = tpu.memref_slice %arg7[%add3A_15, %dma_start3A_32] : memref<10240x16xf32, #tpu.memory_space<vmem_shared>> -> memref<128x16xf32, #tpu.memory_space<vmem_shared>>
      tpu.enqueue_dma source(%arg6 : memref<128x16xf32, #tpu.memory_space<vmem>>) target(%dma_start3A_33 : memref<128x16xf32, #tpu.memory_space<vmem_shared>>) target_semaphore(%run_scoped3A : memref<!tpu.dma_semaphore, #tpu.memory_space<semaphore_mem>>)
      %dma_wait3A = arith.constant 0 : i32
      %dma_wait3A_34 = tpu.memref_slice %arg7[%add3A_15, %dma_wait3A] : memref<10240x16xf32, #tpu.memory_space<vmem_shared>> -> memref<128x16xf32, #tpu.memory_space<vmem_shared>>
      %dma_wait3A_35 = arith.constant 0 : i32
      %dma_wait3A_36 = tpu.memref_slice %arg7[%add3A_15, %dma_wait3A_35] : memref<10240x16xf32, #tpu.memory_space<vmem_shared>> -> memref<128x16xf32, #tpu.memory_space<vmem_shared>>
      tpu.wait_dma2 semaphore(%run_scoped3A : memref<!tpu.dma_semaphore, #tpu.memory_space<semaphore_mem>>) src(%arg6 : memref<128x16xf32, #tpu.memory_space<vmem>>) dst(%dma_wait3A_36 : memref<128x16xf32, #tpu.memory_space<vmem_shared>>)
      tpu.yield
    }) : () -> ()
    %add3A_16 = arith.constant 128 : i32
    %add3A_17 = arith.addi %mul3A_0, %add3A_16 : i32
    "tpu.region"() ({
      %run_scoped3A = tpu.sem_alloc : memref<!tpu.dma_semaphore, #tpu.memory_space<semaphore_mem>>
      %dma_start3A = arith.constant 0 : i32
      %dma_start3A_31 = tpu.memref_slice %arg7[%add3A_17, %dma_start3A] : memref<10240x16xf32, #tpu.memory_space<vmem_shared>> -> memref<128x16xf32, #tpu.memory_space<vmem_shared>>
      %dma_start3A_32 = arith.constant 0 : i32
      %dma_start3A_33 = tpu.memref_slice %arg7[%add3A_17, %dma_start3A_32] : memref<10240x16xf32, #tpu.memory_space<vmem_shared>> -> memref<128x16xf32, #tpu.memory_space<vmem_shared>>
      tpu.enqueue_dma source(%arg6 : memref<128x16xf32, #tpu.memory_space<vmem>>) target(%dma_start3A_33 : memref<128x16xf32, #tpu.memory_space<vmem_shared>>) target_semaphore(%run_scoped3A : memref<!tpu.dma_semaphore, #tpu.memory_space<semaphore_mem>>)
      %dma_wait3A = arith.constant 0 : i32
      %dma_wait3A_34 = tpu.memref_slice %arg7[%add3A_17, %dma_wait3A] : memref<10240x16xf32, #tpu.memory_space<vmem_shared>> -> memref<128x16xf32, #tpu.memory_space<vmem_shared>>
      %dma_wait3A_35 = arith.constant 0 : i32
      %dma_wait3A_36 = tpu.memref_slice %arg7[%add3A_17, %dma_wait3A_35] : memref<10240x16xf32, #tpu.memory_space<vmem_shared>> -> memref<128x16xf32, #tpu.memory_space<vmem_shared>>
      tpu.wait_dma2 semaphore(%run_scoped3A : memref<!tpu.dma_semaphore, #tpu.memory_space<semaphore_mem>>) src(%arg6 : memref<128x16xf32, #tpu.memory_space<vmem>>) dst(%dma_wait3A_36 : memref<128x16xf32, #tpu.memory_space<vmem_shared>>)
      tpu.yield
    }) : () -> ()
    %add3A_18 = arith.constant 256 : i32
    %add3A_19 = arith.addi %mul3A_0, %add3A_18 : i32
    "tpu.region"() ({
      %run_scoped3A = tpu.sem_alloc : memref<!tpu.dma_semaphore, #tpu.memory_space<semaphore_mem>>
      %dma_start3A = arith.constant 0 : i32
      %dma_start3A_31 = tpu.memref_slice %arg7[%add3A_19, %dma_start3A] : memref<10240x16xf32, #tpu.memory_space<vmem_shared>> -> memref<128x16xf32, #tpu.memory_space<vmem_shared>>
      %dma_start3A_32 = arith.constant 0 : i32
      %dma_start3A_33 = tpu.memref_slice %arg7[%add3A_19, %dma_start3A_32] : memref<10240x16xf32, #tpu.memory_space<vmem_shared>> -> memref<128x16xf32, #tpu.memory_space<vmem_shared>>
      tpu.enqueue_dma source(%arg6 : memref<128x16xf32, #tpu.memory_space<vmem>>) target(%dma_start3A_33 : memref<128x16xf32, #tpu.memory_space<vmem_shared>>) target_semaphore(%run_scoped3A : memref<!tpu.dma_semaphore, #tpu.memory_space<semaphore_mem>>)
      %dma_wait3A = arith.constant 0 : i32
      %dma_wait3A_34 = tpu.memref_slice %arg7[%add3A_19, %dma_wait3A] : memref<10240x16xf32, #tpu.memory_space<vmem_shared>> -> memref<128x16xf32, #tpu.memory_space<vmem_shared>>
      %dma_wait3A_35 = arith.constant 0 : i32
      %dma_wait3A_36 = tpu.memref_slice %arg7[%add3A_19, %dma_wait3A_35] : memref<10240x16xf32, #tpu.memory_space<vmem_shared>> -> memref<128x16xf32, #tpu.memory_space<vmem_shared>>
      tpu.wait_dma2 semaphore(%run_scoped3A : memref<!tpu.dma_semaphore, #tpu.memory_space<semaphore_mem>>) src(%arg6 : memref<128x16xf32, #tpu.memory_space<vmem>>) dst(%dma_wait3A_36 : memref<128x16xf32, #tpu.memory_space<vmem_shared>>)
      tpu.yield
    }) : () -> ()
    %add3A_20 = arith.constant 384 : i32
    %add3A_21 = arith.addi %mul3A_0, %add3A_20 : i32
    "tpu.region"() ({
      %run_scoped3A = tpu.sem_alloc : memref<!tpu.dma_semaphore, #tpu.memory_space<semaphore_mem>>
      %dma_start3A = arith.constant 0 : i32
      %dma_start3A_31 = tpu.memref_slice %arg7[%add3A_21, %dma_start3A] : memref<10240x16xf32, #tpu.memory_space<vmem_shared>> -> memref<128x16xf32, #tpu.memory_space<vmem_shared>>
      %dma_start3A_32 = arith.constant 0 : i32
      %dma_start3A_33 = tpu.memref_slice %arg7[%add3A_21, %dma_start3A_32] : memref<10240x16xf32, #tpu.memory_space<vmem_shared>> -> memref<128x16xf32, #tpu.memory_space<vmem_shared>>
      tpu.enqueue_dma source(%arg6 : memref<128x16xf32, #tpu.memory_space<vmem>>) target(%dma_start3A_33 : memref<128x16xf32, #tpu.memory_space<vmem_shared>>) target_semaphore(%run_scoped3A : memref<!tpu.dma_semaphore, #tpu.memory_space<semaphore_mem>>)
      %dma_wait3A = arith.constant 0 : i32
      %dma_wait3A_34 = tpu.memref_slice %arg7[%add3A_21, %dma_wait3A] : memref<10240x16xf32, #tpu.memory_space<vmem_shared>> -> memref<128x16xf32, #tpu.memory_space<vmem_shared>>
      %dma_wait3A_35 = arith.constant 0 : i32
      %dma_wait3A_36 = tpu.memref_slice %arg7[%add3A_21, %dma_wait3A_35] : memref<10240x16xf32, #tpu.memory_space<vmem_shared>> -> memref<128x16xf32, #tpu.memory_space<vmem_shared>>
      tpu.wait_dma2 semaphore(%run_scoped3A : memref<!tpu.dma_semaphore, #tpu.memory_space<semaphore_mem>>) src(%arg6 : memref<128x16xf32, #tpu.memory_space<vmem>>) dst(%dma_wait3A_36 : memref<128x16xf32, #tpu.memory_space<vmem_shared>>)
      tpu.yield
    }) : () -> ()
    %add3A_22 = arith.constant 512 : i32
    %add3A_23 = arith.addi %mul3A_0, %add3A_22 : i32
    "tpu.region"() ({
      %run_scoped3A = tpu.sem_alloc : memref<!tpu.dma_semaphore, #tpu.memory_space<semaphore_mem>>
      %dma_start3A = arith.constant 0 : i32
      %dma_start3A_31 = tpu.memref_slice %arg7[%add3A_23, %dma_start3A] : memref<10240x16xf32, #tpu.memory_space<vmem_shared>> -> memref<128x16xf32, #tpu.memory_space<vmem_shared>>
      %dma_start3A_32 = arith.constant 0 : i32
      %dma_start3A_33 = tpu.memref_slice %arg7[%add3A_23, %dma_start3A_32] : memref<10240x16xf32, #tpu.memory_space<vmem_shared>> -> memref<128x16xf32, #tpu.memory_space<vmem_shared>>
      tpu.enqueue_dma source(%arg6 : memref<128x16xf32, #tpu.memory_space<vmem>>) target(%dma_start3A_33 : memref<128x16xf32, #tpu.memory_space<vmem_shared>>) target_semaphore(%run_scoped3A : memref<!tpu.dma_semaphore, #tpu.memory_space<semaphore_mem>>)
      %dma_wait3A = arith.constant 0 : i32
      %dma_wait3A_34 = tpu.memref_slice %arg7[%add3A_23, %dma_wait3A] : memref<10240x16xf32, #tpu.memory_space<vmem_shared>> -> memref<128x16xf32, #tpu.memory_space<vmem_shared>>
      %dma_wait3A_35 = arith.constant 0 : i32
      %dma_wait3A_36 = tpu.memref_slice %arg7[%add3A_23, %dma_wait3A_35] : memref<10240x16xf32, #tpu.memory_space<vmem_shared>> -> memref<128x16xf32, #tpu.memory_space<vmem_shared>>
      tpu.wait_dma2 semaphore(%run_scoped3A : memref<!tpu.dma_semaphore, #tpu.memory_space<semaphore_mem>>) src(%arg6 : memref<128x16xf32, #tpu.memory_space<vmem>>) dst(%dma_wait3A_36 : memref<128x16xf32, #tpu.memory_space<vmem_shared>>)
      tpu.yield
    }) : () -> ()
    %barrier3A = arith.constant 0 : index
    tpu.barrier barrier_id(%barrier3A)
    %scan3A_24 = arith.constant 0 : i32
    %scan3A_25 = arith.constant 0 : i32
    %scan3A_26 = arith.constant 80 : i32
    %scan3A_27 = arith.addi %scan3A_25, %scan3A_26 : i32
    %scan3A_28 = arith.constant 1 : i32
    scf.for %scan3A_31 = %scan3A_25 to %scan3A_27 step %scan3A_28  : i32 {
      "tpu.region"() ({
        %run_scoped3A = tpu.sem_alloc : memref<!tpu.dma_semaphore, #tpu.memory_space<semaphore_mem>>
        %dma_start3A = arith.constant 0 : i32
        %dma_start3A_32 = tpu.memref_slice %arg4[%scan3A_31, %dma_start3A] : memref<80x128xi32, #tpu.memory_space<vmem>> -> memref<1x128xi32, #tpu.memory_space<vmem>>
        %dma_start3A_33 = tpu.memref_squeeze %dma_start3A_32 : memref<1x128xi32, #tpu.memory_space<vmem>> -> memref<128xi32, #tpu.memory_space<vmem>>
        %dma_start3A_34 = arith.constant 0 : i32
        %dma_start3A_35 = arith.constant 0 : i32
        %dma_start3A_36 = tpu.memref_slice %arg7[%dma_start3A_34, %dma_start3A_35] : memref<10240x16xf32, #tpu.memory_space<vmem_shared>> -> memref<10240x16xf32, #tpu.memory_space<vmem_shared>>
        tpu.enqueue_indirect_dma source(%arg5 : memref<128x16xf32, #tpu.memory_space<vmem>>) target(%dma_start3A_36 : memref<10240x16xf32, #tpu.memory_space<vmem_shared>>) offsets(%dma_start3A_33 : memref<128xi32, #tpu.memory_space<vmem>>) semaphore(%run_scoped3A : memref<!tpu.dma_semaphore, #tpu.memory_space<semaphore_mem>>) {add = true}
        %dma_wait3A = arith.constant 0 : i32
        %dma_wait3A_37 = tpu.memref_slice %arg4[%scan3A_31, %dma_wait3A] : memref<80x128xi32, #tpu.memory_space<vmem>> -> memref<1x128xi32, #tpu.memory_space<vmem>>
        %dma_wait3A_38 = tpu.memref_squeeze %dma_wait3A_37 : memref<1x128xi32, #tpu.memory_space<vmem>> -> memref<128xi32, #tpu.memory_space<vmem>>
        %dma_wait3A_39 = arith.constant 0 : i32
        %dma_wait3A_40 = arith.constant 0 : i32
        %dma_wait3A_41 = tpu.memref_slice %arg7[%dma_wait3A_39, %dma_wait3A_40] : memref<10240x16xf32, #tpu.memory_space<vmem_shared>> -> memref<10240x16xf32, #tpu.memory_space<vmem_shared>>
        tpu.wait_indirect_dma semaphore(%run_scoped3A : memref<!tpu.dma_semaphore, #tpu.memory_space<semaphore_mem>>) src(%arg5 : memref<128x16xf32, #tpu.memory_space<vmem>>) dst(%dma_wait3A_41 : memref<10240x16xf32, #tpu.memory_space<vmem_shared>>)
        tpu.yield
      }) : () -> ()
    }
    %scan3A_29 = arith.constant 80 : i32
    %barrier3A_30 = arith.constant 0 : index
    tpu.barrier barrier_id(%barrier3A_30)
    "tpu.region"() ({
      %run_scoped3A = tpu.sem_alloc : memref<!tpu.dma_semaphore, #tpu.memory_space<semaphore_mem>>
      %dma_start3A = arith.constant 0 : i32
      %dma_start3A_31 = tpu.memref_slice %arg3[%arg0, %mul3A_0, %dma_start3A] : memref<2x10240x16xf32, #tpu.memory_space<hbm>> -> memref<1x640x16xf32, #tpu.memory_space<hbm>>
      %dma_start3A_32 = tpu.memref_squeeze %dma_start3A_31 : memref<1x640x16xf32, #tpu.memory_space<hbm>> -> memref<640x16xf32, #tpu.memory_space<hbm>>
      %dma_start3A_33 = arith.constant 0 : i32
      %dma_start3A_34 = tpu.memref_slice %arg7[%mul3A_0, %dma_start3A_33] : memref<10240x16xf32, #tpu.memory_space<vmem_shared>> -> memref<640x16xf32, #tpu.memory_space<vmem_shared>>
      tpu.enqueue_dma source(%dma_start3A_34 : memref<640x16xf32, #tpu.memory_space<vmem_shared>>) target(%dma_start3A_32 : memref<640x16xf32, #tpu.memory_space<hbm>>) target_semaphore(%run_scoped3A : memref<!tpu.dma_semaphore, #tpu.memory_space<semaphore_mem>>)
      %dma_wait3A = arith.constant 0 : i32
      %dma_wait3A_35 = tpu.memref_slice %arg3[%arg0, %mul3A_0, %dma_wait3A] : memref<2x10240x16xf32, #tpu.memory_space<hbm>> -> memref<1x640x16xf32, #tpu.memory_space<hbm>>
      %dma_wait3A_36 = tpu.memref_squeeze %dma_wait3A_35 : memref<1x640x16xf32, #tpu.memory_space<hbm>> -> memref<640x16xf32, #tpu.memory_space<hbm>>
      %dma_wait3A_37 = arith.constant 0 : i32
      %dma_wait3A_38 = tpu.memref_slice %arg7[%mul3A_0, %dma_wait3A_37] : memref<10240x16xf32, #tpu.memory_space<vmem_shared>> -> memref<640x16xf32, #tpu.memory_space<vmem_shared>>
      tpu.wait_dma2 semaphore(%run_scoped3A : memref<!tpu.dma_semaphore, #tpu.memory_space<semaphore_mem>>) src(%dma_wait3A_38 : memref<640x16xf32, #tpu.memory_space<vmem_shared>>) dst(%dma_wait3A_36 : memref<640x16xf32, #tpu.memory_space<hbm>>)
      tpu.yield
    }) : () -> ()
    return
  }
}

#map = affine_map<(d0, d1) -> (0, 0)>
#map1 = affine_map<(d0, d1) -> (0, 0, 0, 0)>
#map2 = affine_map<(d0, d1) -> (0, 0, 0)>
module attributes {stable_mosaic.version = 14 : i64} {
  func.func @_agg_body(%arg0: i32, %arg1: i32, %arg2: memref<10000x128xbf16, #tpu.memory_space<hbm>>, %arg3: memref<2x16x80x128xi32, #tpu.memory_space<hbm>>, %arg4: memref<2x16x80x128xi32, #tpu.memory_space<hbm>>, %arg5: memref<2x10240x128xbf16, #tpu.memory_space<hbm>>, %arg6: memref<80x128xi32, #tpu.memory_space<vmem>>, %arg7: memref<80x128xi32, #tpu.memory_space<vmem>>, %arg8: memref<4x128x128xbf16, #tpu.memory_space<vmem>>, %arg9: memref<128x128xbf16, #tpu.memory_space<vmem>>, %arg10: memref<10240x128xbf16, #tpu.memory_space<vmem_shared>>, %arg11: memref<!tpu.dma_semaphore, #tpu.memory_space<semaphore_mem>>) attributes {dimension_semantics = [#tpu.dimension_semantics<core_parallel>, #tpu.dimension_semantics<subcore_parallel>], iteration_bounds = array<i64: 2, 16>, scalar_prefetch = 0 : i64, scratch_operands = 6 : i64, tpu.core_type = #tpu.core_type<sc_vector_subcore>, window_params = [{transform_indices = #map}, {transform_indices = #map1}, {transform_indices = #map1}, {transform_indices = #map2}]} {
    %mul3A = arith.constant 640 : i32
    %mul3A_0 = arith.muli %arg1, %mul3A : i32
    "tpu.region"() ({
      %run_scoped3A_124 = tpu.sem_alloc : memref<!tpu.dma_semaphore, #tpu.memory_space<semaphore_mem>>
      %dma_start3A_125 = arith.constant 0 : i32
      %dma_start3A_126 = arith.constant 0 : i32
      %dma_start3A_127 = tpu.memref_slice %arg3[%arg0, %arg1, %dma_start3A_125, %dma_start3A_126] : memref<2x16x80x128xi32, #tpu.memory_space<hbm>> -> memref<1x1x80x128xi32, #tpu.memory_space<hbm>>
      %dma_start3A_128 = tpu.memref_squeeze %dma_start3A_127 : memref<1x1x80x128xi32, #tpu.memory_space<hbm>> -> memref<80x128xi32, #tpu.memory_space<hbm>>
      %dma_start3A_129 = arith.constant 0 : i32
      %dma_start3A_130 = arith.constant 0 : i32
      %dma_start3A_131 = tpu.memref_slice %arg3[%arg0, %arg1, %dma_start3A_129, %dma_start3A_130] : memref<2x16x80x128xi32, #tpu.memory_space<hbm>> -> memref<1x1x80x128xi32, #tpu.memory_space<hbm>>
      %dma_start3A_132 = tpu.memref_squeeze %dma_start3A_131 : memref<1x1x80x128xi32, #tpu.memory_space<hbm>> -> memref<80x128xi32, #tpu.memory_space<hbm>>
      tpu.enqueue_dma source(%dma_start3A_132 : memref<80x128xi32, #tpu.memory_space<hbm>>) target(%arg6 : memref<80x128xi32, #tpu.memory_space<vmem>>) target_semaphore(%run_scoped3A_124 : memref<!tpu.dma_semaphore, #tpu.memory_space<semaphore_mem>>)
      %dma_wait3A_133 = arith.constant 0 : i32
      %dma_wait3A_134 = arith.constant 0 : i32
      %dma_wait3A_135 = tpu.memref_slice %arg3[%arg0, %arg1, %dma_wait3A_133, %dma_wait3A_134] : memref<2x16x80x128xi32, #tpu.memory_space<hbm>> -> memref<1x1x80x128xi32, #tpu.memory_space<hbm>>
      %dma_wait3A_136 = tpu.memref_squeeze %dma_wait3A_135 : memref<1x1x80x128xi32, #tpu.memory_space<hbm>> -> memref<80x128xi32, #tpu.memory_space<hbm>>
      %dma_wait3A_137 = arith.constant 0 : i32
      %dma_wait3A_138 = arith.constant 0 : i32
      %dma_wait3A_139 = tpu.memref_slice %arg3[%arg0, %arg1, %dma_wait3A_137, %dma_wait3A_138] : memref<2x16x80x128xi32, #tpu.memory_space<hbm>> -> memref<1x1x80x128xi32, #tpu.memory_space<hbm>>
      %dma_wait3A_140 = tpu.memref_squeeze %dma_wait3A_139 : memref<1x1x80x128xi32, #tpu.memory_space<hbm>> -> memref<80x128xi32, #tpu.memory_space<hbm>>
      tpu.wait_dma2 semaphore(%run_scoped3A_124 : memref<!tpu.dma_semaphore, #tpu.memory_space<semaphore_mem>>) src(%dma_wait3A_140 : memref<80x128xi32, #tpu.memory_space<hbm>>) dst(%arg6 : memref<80x128xi32, #tpu.memory_space<vmem>>)
      tpu.yield
    }) : () -> ()
    "tpu.region"() ({
      %run_scoped3A_124 = tpu.sem_alloc : memref<!tpu.dma_semaphore, #tpu.memory_space<semaphore_mem>>
      %dma_start3A_125 = arith.constant 0 : i32
      %dma_start3A_126 = arith.constant 0 : i32
      %dma_start3A_127 = tpu.memref_slice %arg4[%arg0, %arg1, %dma_start3A_125, %dma_start3A_126] : memref<2x16x80x128xi32, #tpu.memory_space<hbm>> -> memref<1x1x80x128xi32, #tpu.memory_space<hbm>>
      %dma_start3A_128 = tpu.memref_squeeze %dma_start3A_127 : memref<1x1x80x128xi32, #tpu.memory_space<hbm>> -> memref<80x128xi32, #tpu.memory_space<hbm>>
      %dma_start3A_129 = arith.constant 0 : i32
      %dma_start3A_130 = arith.constant 0 : i32
      %dma_start3A_131 = tpu.memref_slice %arg4[%arg0, %arg1, %dma_start3A_129, %dma_start3A_130] : memref<2x16x80x128xi32, #tpu.memory_space<hbm>> -> memref<1x1x80x128xi32, #tpu.memory_space<hbm>>
      %dma_start3A_132 = tpu.memref_squeeze %dma_start3A_131 : memref<1x1x80x128xi32, #tpu.memory_space<hbm>> -> memref<80x128xi32, #tpu.memory_space<hbm>>
      tpu.enqueue_dma source(%dma_start3A_132 : memref<80x128xi32, #tpu.memory_space<hbm>>) target(%arg7 : memref<80x128xi32, #tpu.memory_space<vmem>>) target_semaphore(%run_scoped3A_124 : memref<!tpu.dma_semaphore, #tpu.memory_space<semaphore_mem>>)
      %dma_wait3A_133 = arith.constant 0 : i32
      %dma_wait3A_134 = arith.constant 0 : i32
      %dma_wait3A_135 = tpu.memref_slice %arg4[%arg0, %arg1, %dma_wait3A_133, %dma_wait3A_134] : memref<2x16x80x128xi32, #tpu.memory_space<hbm>> -> memref<1x1x80x128xi32, #tpu.memory_space<hbm>>
      %dma_wait3A_136 = tpu.memref_squeeze %dma_wait3A_135 : memref<1x1x80x128xi32, #tpu.memory_space<hbm>> -> memref<80x128xi32, #tpu.memory_space<hbm>>
      %dma_wait3A_137 = arith.constant 0 : i32
      %dma_wait3A_138 = arith.constant 0 : i32
      %dma_wait3A_139 = tpu.memref_slice %arg4[%arg0, %arg1, %dma_wait3A_137, %dma_wait3A_138] : memref<2x16x80x128xi32, #tpu.memory_space<hbm>> -> memref<1x1x80x128xi32, #tpu.memory_space<hbm>>
      %dma_wait3A_140 = tpu.memref_squeeze %dma_wait3A_139 : memref<1x1x80x128xi32, #tpu.memory_space<hbm>> -> memref<80x128xi32, #tpu.memory_space<hbm>>
      tpu.wait_dma2 semaphore(%run_scoped3A_124 : memref<!tpu.dma_semaphore, #tpu.memory_space<semaphore_mem>>) src(%dma_wait3A_140 : memref<80x128xi32, #tpu.memory_space<hbm>>) dst(%arg7 : memref<80x128xi32, #tpu.memory_space<vmem>>)
      tpu.yield
    }) : () -> ()
    %broadcast_in_dim3A = arith.constant 0.000000e+00 : bf16
    %broadcast_in_dim3A_1 = vector.broadcast %broadcast_in_dim3A : bf16 to vector<32xbf16>
    %scan3A = arith.constant 0 : i32
    %scan3A_2 = arith.constant 0 : i32
    %scan3A_3 = arith.constant 128 : i32
    %scan3A_4 = arith.addi %scan3A_2, %scan3A_3 : i32
    %scan3A_5 = arith.constant 1 : i32
    scf.for %scan3A_124 = %scan3A_2 to %scan3A_4 step %scan3A_5  : i32 {
      %swap3A = arith.index_cast %scan3A_124 : i32 to index
      %swap3A_125 = arith.constant 0 : index
      %swap3A_126 = tpu.vector_load %arg9[%swap3A, %swap3A_125] {strides = array<i32>} : memref<128x128xbf16, #tpu.memory_space<vmem>>, vector<1x32xbf16>,
      %swap3A_127 = vector.shape_cast %swap3A_126 : vector<1x32xbf16> to vector<32xbf16>
      %swap3A_128 = vector.shape_cast %broadcast_in_dim3A_1 : vector<32xbf16> to vector<1x32xbf16>
      tpu.vector_store %arg9[%swap3A, %swap3A_125], %swap3A_128 {strides = array<i32>} : memref<128x128xbf16, #tpu.memory_space<vmem>>, vector<1x32xbf16>,
      %swap3A_129 = arith.index_cast %scan3A_124 : i32 to index
      %swap3A_130 = arith.constant 32 : index
      %swap3A_131 = tpu.vector_load %arg9[%swap3A_129, %swap3A_130] {strides = array<i32>} : memref<128x128xbf16, #tpu.memory_space<vmem>>, vector<1x32xbf16>,
      %swap3A_132 = vector.shape_cast %swap3A_131 : vector<1x32xbf16> to vector<32xbf16>
      %swap3A_133 = vector.shape_cast %broadcast_in_dim3A_1 : vector<32xbf16> to vector<1x32xbf16>
      tpu.vector_store %arg9[%swap3A_129, %swap3A_130], %swap3A_133 {strides = array<i32>} : memref<128x128xbf16, #tpu.memory_space<vmem>>, vector<1x32xbf16>,
      %swap3A_134 = arith.index_cast %scan3A_124 : i32 to index
      %swap3A_135 = arith.constant 64 : index
      %swap3A_136 = tpu.vector_load %arg9[%swap3A_134, %swap3A_135] {strides = array<i32>} : memref<128x128xbf16, #tpu.memory_space<vmem>>, vector<1x32xbf16>,
      %swap3A_137 = vector.shape_cast %swap3A_136 : vector<1x32xbf16> to vector<32xbf16>
      %swap3A_138 = vector.shape_cast %broadcast_in_dim3A_1 : vector<32xbf16> to vector<1x32xbf16>
      tpu.vector_store %arg9[%swap3A_134, %swap3A_135], %swap3A_138 {strides = array<i32>} : memref<128x128xbf16, #tpu.memory_space<vmem>>, vector<1x32xbf16>,
      %swap3A_139 = arith.index_cast %scan3A_124 : i32 to index
      %swap3A_140 = arith.constant 96 : index
      %swap3A_141 = tpu.vector_load %arg9[%swap3A_139, %swap3A_140] {strides = array<i32>} : memref<128x128xbf16, #tpu.memory_space<vmem>>, vector<1x32xbf16>,
      %swap3A_142 = vector.shape_cast %swap3A_141 : vector<1x32xbf16> to vector<32xbf16>
      %swap3A_143 = vector.shape_cast %broadcast_in_dim3A_1 : vector<32xbf16> to vector<1x32xbf16>
      tpu.vector_store %arg9[%swap3A_139, %swap3A_140], %swap3A_143 {strides = array<i32>} : memref<128x128xbf16, #tpu.memory_space<vmem>>, vector<1x32xbf16>,
    }
    %scan3A_6 = arith.constant 128 : i32
    %add3A = arith.constant 0 : i32
    %add3A_7 = arith.addi %mul3A_0, %add3A : i32
    "tpu.region"() ({
      %run_scoped3A_124 = tpu.sem_alloc : memref<!tpu.dma_semaphore, #tpu.memory_space<semaphore_mem>>
      %dma_start3A_125 = arith.constant 0 : i32
      %dma_start3A_126 = tpu.memref_slice %arg10[%add3A_7, %dma_start3A_125] : memref<10240x128xbf16, #tpu.memory_space<vmem_shared>> -> memref<128x128xbf16, #tpu.memory_space<vmem_shared>>
      %dma_start3A_127 = arith.constant 0 : i32
      %dma_start3A_128 = tpu.memref_slice %arg10[%add3A_7, %dma_start3A_127] : memref<10240x128xbf16, #tpu.memory_space<vmem_shared>> -> memref<128x128xbf16, #tpu.memory_space<vmem_shared>>
      tpu.enqueue_dma source(%arg9 : memref<128x128xbf16, #tpu.memory_space<vmem>>) target(%dma_start3A_128 : memref<128x128xbf16, #tpu.memory_space<vmem_shared>>) target_semaphore(%run_scoped3A_124 : memref<!tpu.dma_semaphore, #tpu.memory_space<semaphore_mem>>)
      %dma_wait3A_129 = arith.constant 0 : i32
      %dma_wait3A_130 = tpu.memref_slice %arg10[%add3A_7, %dma_wait3A_129] : memref<10240x128xbf16, #tpu.memory_space<vmem_shared>> -> memref<128x128xbf16, #tpu.memory_space<vmem_shared>>
      %dma_wait3A_131 = arith.constant 0 : i32
      %dma_wait3A_132 = tpu.memref_slice %arg10[%add3A_7, %dma_wait3A_131] : memref<10240x128xbf16, #tpu.memory_space<vmem_shared>> -> memref<128x128xbf16, #tpu.memory_space<vmem_shared>>
      tpu.wait_dma2 semaphore(%run_scoped3A_124 : memref<!tpu.dma_semaphore, #tpu.memory_space<semaphore_mem>>) src(%arg9 : memref<128x128xbf16, #tpu.memory_space<vmem>>) dst(%dma_wait3A_132 : memref<128x128xbf16, #tpu.memory_space<vmem_shared>>)
      tpu.yield
    }) : () -> ()
    %add3A_8 = arith.constant 128 : i32
    %add3A_9 = arith.addi %mul3A_0, %add3A_8 : i32
    "tpu.region"() ({
      %run_scoped3A_124 = tpu.sem_alloc : memref<!tpu.dma_semaphore, #tpu.memory_space<semaphore_mem>>
      %dma_start3A_125 = arith.constant 0 : i32
      %dma_start3A_126 = tpu.memref_slice %arg10[%add3A_9, %dma_start3A_125] : memref<10240x128xbf16, #tpu.memory_space<vmem_shared>> -> memref<128x128xbf16, #tpu.memory_space<vmem_shared>>
      %dma_start3A_127 = arith.constant 0 : i32
      %dma_start3A_128 = tpu.memref_slice %arg10[%add3A_9, %dma_start3A_127] : memref<10240x128xbf16, #tpu.memory_space<vmem_shared>> -> memref<128x128xbf16, #tpu.memory_space<vmem_shared>>
      tpu.enqueue_dma source(%arg9 : memref<128x128xbf16, #tpu.memory_space<vmem>>) target(%dma_start3A_128 : memref<128x128xbf16, #tpu.memory_space<vmem_shared>>) target_semaphore(%run_scoped3A_124 : memref<!tpu.dma_semaphore, #tpu.memory_space<semaphore_mem>>)
      %dma_wait3A_129 = arith.constant 0 : i32
      %dma_wait3A_130 = tpu.memref_slice %arg10[%add3A_9, %dma_wait3A_129] : memref<10240x128xbf16, #tpu.memory_space<vmem_shared>> -> memref<128x128xbf16, #tpu.memory_space<vmem_shared>>
      %dma_wait3A_131 = arith.constant 0 : i32
      %dma_wait3A_132 = tpu.memref_slice %arg10[%add3A_9, %dma_wait3A_131] : memref<10240x128xbf16, #tpu.memory_space<vmem_shared>> -> memref<128x128xbf16, #tpu.memory_space<vmem_shared>>
      tpu.wait_dma2 semaphore(%run_scoped3A_124 : memref<!tpu.dma_semaphore, #tpu.memory_space<semaphore_mem>>) src(%arg9 : memref<128x128xbf16, #tpu.memory_space<vmem>>) dst(%dma_wait3A_132 : memref<128x128xbf16, #tpu.memory_space<vmem_shared>>)
      tpu.yield
    }) : () -> ()
    %add3A_10 = arith.constant 256 : i32
    %add3A_11 = arith.addi %mul3A_0, %add3A_10 : i32
    "tpu.region"() ({
      %run_scoped3A_124 = tpu.sem_alloc : memref<!tpu.dma_semaphore, #tpu.memory_space<semaphore_mem>>
      %dma_start3A_125 = arith.constant 0 : i32
      %dma_start3A_126 = tpu.memref_slice %arg10[%add3A_11, %dma_start3A_125] : memref<10240x128xbf16, #tpu.memory_space<vmem_shared>> -> memref<128x128xbf16, #tpu.memory_space<vmem_shared>>
      %dma_start3A_127 = arith.constant 0 : i32
      %dma_start3A_128 = tpu.memref_slice %arg10[%add3A_11, %dma_start3A_127] : memref<10240x128xbf16, #tpu.memory_space<vmem_shared>> -> memref<128x128xbf16, #tpu.memory_space<vmem_shared>>
      tpu.enqueue_dma source(%arg9 : memref<128x128xbf16, #tpu.memory_space<vmem>>) target(%dma_start3A_128 : memref<128x128xbf16, #tpu.memory_space<vmem_shared>>) target_semaphore(%run_scoped3A_124 : memref<!tpu.dma_semaphore, #tpu.memory_space<semaphore_mem>>)
      %dma_wait3A_129 = arith.constant 0 : i32
      %dma_wait3A_130 = tpu.memref_slice %arg10[%add3A_11, %dma_wait3A_129] : memref<10240x128xbf16, #tpu.memory_space<vmem_shared>> -> memref<128x128xbf16, #tpu.memory_space<vmem_shared>>
      %dma_wait3A_131 = arith.constant 0 : i32
      %dma_wait3A_132 = tpu.memref_slice %arg10[%add3A_11, %dma_wait3A_131] : memref<10240x128xbf16, #tpu.memory_space<vmem_shared>> -> memref<128x128xbf16, #tpu.memory_space<vmem_shared>>
      tpu.wait_dma2 semaphore(%run_scoped3A_124 : memref<!tpu.dma_semaphore, #tpu.memory_space<semaphore_mem>>) src(%arg9 : memref<128x128xbf16, #tpu.memory_space<vmem>>) dst(%dma_wait3A_132 : memref<128x128xbf16, #tpu.memory_space<vmem_shared>>)
      tpu.yield
    }) : () -> ()
    %add3A_12 = arith.constant 384 : i32
    %add3A_13 = arith.addi %mul3A_0, %add3A_12 : i32
    "tpu.region"() ({
      %run_scoped3A_124 = tpu.sem_alloc : memref<!tpu.dma_semaphore, #tpu.memory_space<semaphore_mem>>
      %dma_start3A_125 = arith.constant 0 : i32
      %dma_start3A_126 = tpu.memref_slice %arg10[%add3A_13, %dma_start3A_125] : memref<10240x128xbf16, #tpu.memory_space<vmem_shared>> -> memref<128x128xbf16, #tpu.memory_space<vmem_shared>>
      %dma_start3A_127 = arith.constant 0 : i32
      %dma_start3A_128 = tpu.memref_slice %arg10[%add3A_13, %dma_start3A_127] : memref<10240x128xbf16, #tpu.memory_space<vmem_shared>> -> memref<128x128xbf16, #tpu.memory_space<vmem_shared>>
      tpu.enqueue_dma source(%arg9 : memref<128x128xbf16, #tpu.memory_space<vmem>>) target(%dma_start3A_128 : memref<128x128xbf16, #tpu.memory_space<vmem_shared>>) target_semaphore(%run_scoped3A_124 : memref<!tpu.dma_semaphore, #tpu.memory_space<semaphore_mem>>)
      %dma_wait3A_129 = arith.constant 0 : i32
      %dma_wait3A_130 = tpu.memref_slice %arg10[%add3A_13, %dma_wait3A_129] : memref<10240x128xbf16, #tpu.memory_space<vmem_shared>> -> memref<128x128xbf16, #tpu.memory_space<vmem_shared>>
      %dma_wait3A_131 = arith.constant 0 : i32
      %dma_wait3A_132 = tpu.memref_slice %arg10[%add3A_13, %dma_wait3A_131] : memref<10240x128xbf16, #tpu.memory_space<vmem_shared>> -> memref<128x128xbf16, #tpu.memory_space<vmem_shared>>
      tpu.wait_dma2 semaphore(%run_scoped3A_124 : memref<!tpu.dma_semaphore, #tpu.memory_space<semaphore_mem>>) src(%arg9 : memref<128x128xbf16, #tpu.memory_space<vmem>>) dst(%dma_wait3A_132 : memref<128x128xbf16, #tpu.memory_space<vmem_shared>>)
      tpu.yield
    }) : () -> ()
    %add3A_14 = arith.constant 512 : i32
    %add3A_15 = arith.addi %mul3A_0, %add3A_14 : i32
    "tpu.region"() ({
      %run_scoped3A_124 = tpu.sem_alloc : memref<!tpu.dma_semaphore, #tpu.memory_space<semaphore_mem>>
      %dma_start3A_125 = arith.constant 0 : i32
      %dma_start3A_126 = tpu.memref_slice %arg10[%add3A_15, %dma_start3A_125] : memref<10240x128xbf16, #tpu.memory_space<vmem_shared>> -> memref<128x128xbf16, #tpu.memory_space<vmem_shared>>
      %dma_start3A_127 = arith.constant 0 : i32
      %dma_start3A_128 = tpu.memref_slice %arg10[%add3A_15, %dma_start3A_127] : memref<10240x128xbf16, #tpu.memory_space<vmem_shared>> -> memref<128x128xbf16, #tpu.memory_space<vmem_shared>>
      tpu.enqueue_dma source(%arg9 : memref<128x128xbf16, #tpu.memory_space<vmem>>) target(%dma_start3A_128 : memref<128x128xbf16, #tpu.memory_space<vmem_shared>>) target_semaphore(%run_scoped3A_124 : memref<!tpu.dma_semaphore, #tpu.memory_space<semaphore_mem>>)
      %dma_wait3A_129 = arith.constant 0 : i32
      %dma_wait3A_130 = tpu.memref_slice %arg10[%add3A_15, %dma_wait3A_129] : memref<10240x128xbf16, #tpu.memory_space<vmem_shared>> -> memref<128x128xbf16, #tpu.memory_space<vmem_shared>>
      %dma_wait3A_131 = arith.constant 0 : i32
      %dma_wait3A_132 = tpu.memref_slice %arg10[%add3A_15, %dma_wait3A_131] : memref<10240x128xbf16, #tpu.memory_space<vmem_shared>> -> memref<128x128xbf16, #tpu.memory_space<vmem_shared>>
      tpu.wait_dma2 semaphore(%run_scoped3A_124 : memref<!tpu.dma_semaphore, #tpu.memory_space<semaphore_mem>>) src(%arg9 : memref<128x128xbf16, #tpu.memory_space<vmem>>) dst(%dma_wait3A_132 : memref<128x128xbf16, #tpu.memory_space<vmem_shared>>)
      tpu.yield
    }) : () -> ()
    %barrier3A = arith.constant 0 : index
    tpu.barrier barrier_id(%barrier3A)
    %dma_start3A = arith.constant 0 : i32
    %dma_start3A_16 = arith.constant 0 : i32
    %dma_start3A_17 = arith.constant 0 : i32
    %dma_start3A_18 = arith.constant 0 : i32
    %dma_start3A_19 = tpu.memref_slice %arg8[%dma_start3A_16, %dma_start3A_17, %dma_start3A_18] : memref<4x128x128xbf16, #tpu.memory_space<vmem>> -> memref<1x128x128xbf16, #tpu.memory_space<vmem>>
    %dma_start3A_20 = tpu.memref_squeeze %dma_start3A_19 : memref<1x128x128xbf16, #tpu.memory_space<vmem>> -> memref<128x128xbf16, #tpu.memory_space<vmem>>
    %dma_start3A_21 = arith.constant 0 : i32
    %dma_start3A_22 = tpu.memref_slice %arg6[%dma_start3A, %dma_start3A_21] : memref<80x128xi32, #tpu.memory_space<vmem>> -> memref<1x128xi32, #tpu.memory_space<vmem>>
    %dma_start3A_23 = tpu.memref_squeeze %dma_start3A_22 : memref<1x128xi32, #tpu.memory_space<vmem>> -> memref<128xi32, #tpu.memory_space<vmem>>
    %dma_start3A_24 = arith.constant 0 : i32
    %dma_start3A_25 = arith.constant 0 : i32
    %dma_start3A_26 = tpu.memref_slice %arg2[%dma_start3A_24, %dma_start3A_25] : memref<10000x128xbf16, #tpu.memory_space<hbm>> -> memref<10000x128xbf16, #tpu.memory_space<hbm>>
    tpu.enqueue_indirect_dma source(%dma_start3A_26 : memref<10000x128xbf16, #tpu.memory_space<hbm>>) target(%dma_start3A_20 : memref<128x128xbf16, #tpu.memory_space<vmem>>) offsets(%dma_start3A_23 : memref<128xi32, #tpu.memory_space<vmem>>) semaphore(%arg11 : memref<!tpu.dma_semaphore, #tpu.memory_space<semaphore_mem>>)
    %dma_start3A_27 = arith.constant 1 : i32
    %dma_start3A_28 = arith.constant 1 : i32
    %dma_start3A_29 = arith.constant 0 : i32
    %dma_start3A_30 = arith.constant 0 : i32
    %dma_start3A_31 = tpu.memref_slice %arg8[%dma_start3A_28, %dma_start3A_29, %dma_start3A_30] : memref<4x128x128xbf16, #tpu.memory_space<vmem>> -> memref<1x128x128xbf16, #tpu.memory_space<vmem>>
    %dma_start3A_32 = tpu.memref_squeeze %dma_start3A_31 : memref<1x128x128xbf16, #tpu.memory_space<vmem>> -> memref<128x128xbf16, #tpu.memory_space<vmem>>
    %dma_start3A_33 = arith.constant 0 : i32
    %dma_start3A_34 = tpu.memref_slice %arg6[%dma_start3A_27, %dma_start3A_33] : memref<80x128xi32, #tpu.memory_space<vmem>> -> memref<1x128xi32, #tpu.memory_space<vmem>>
    %dma_start3A_35 = tpu.memref_squeeze %dma_start3A_34 : memref<1x128xi32, #tpu.memory_space<vmem>> -> memref<128xi32, #tpu.memory_space<vmem>>
    %dma_start3A_36 = arith.constant 0 : i32
    %dma_start3A_37 = arith.constant 0 : i32
    %dma_start3A_38 = tpu.memref_slice %arg2[%dma_start3A_36, %dma_start3A_37] : memref<10000x128xbf16, #tpu.memory_space<hbm>> -> memref<10000x128xbf16, #tpu.memory_space<hbm>>
    tpu.enqueue_indirect_dma source(%dma_start3A_38 : memref<10000x128xbf16, #tpu.memory_space<hbm>>) target(%dma_start3A_32 : memref<128x128xbf16, #tpu.memory_space<vmem>>) offsets(%dma_start3A_35 : memref<128xi32, #tpu.memory_space<vmem>>) semaphore(%arg11 : memref<!tpu.dma_semaphore, #tpu.memory_space<semaphore_mem>>)
    %dma_start3A_39 = arith.constant 2 : i32
    %dma_start3A_40 = arith.constant 2 : i32
    %dma_start3A_41 = arith.constant 0 : i32
    %dma_start3A_42 = arith.constant 0 : i32
    %dma_start3A_43 = tpu.memref_slice %arg8[%dma_start3A_40, %dma_start3A_41, %dma_start3A_42] : memref<4x128x128xbf16, #tpu.memory_space<vmem>> -> memref<1x128x128xbf16, #tpu.memory_space<vmem>>
    %dma_start3A_44 = tpu.memref_squeeze %dma_start3A_43 : memref<1x128x128xbf16, #tpu.memory_space<vmem>> -> memref<128x128xbf16, #tpu.memory_space<vmem>>
    %dma_start3A_45 = arith.constant 0 : i32
    %dma_start3A_46 = tpu.memref_slice %arg6[%dma_start3A_39, %dma_start3A_45] : memref<80x128xi32, #tpu.memory_space<vmem>> -> memref<1x128xi32, #tpu.memory_space<vmem>>
    %dma_start3A_47 = tpu.memref_squeeze %dma_start3A_46 : memref<1x128xi32, #tpu.memory_space<vmem>> -> memref<128xi32, #tpu.memory_space<vmem>>
    %dma_start3A_48 = arith.constant 0 : i32
    %dma_start3A_49 = arith.constant 0 : i32
    %dma_start3A_50 = tpu.memref_slice %arg2[%dma_start3A_48, %dma_start3A_49] : memref<10000x128xbf16, #tpu.memory_space<hbm>> -> memref<10000x128xbf16, #tpu.memory_space<hbm>>
    tpu.enqueue_indirect_dma source(%dma_start3A_50 : memref<10000x128xbf16, #tpu.memory_space<hbm>>) target(%dma_start3A_44 : memref<128x128xbf16, #tpu.memory_space<vmem>>) offsets(%dma_start3A_47 : memref<128xi32, #tpu.memory_space<vmem>>) semaphore(%arg11 : memref<!tpu.dma_semaphore, #tpu.memory_space<semaphore_mem>>)
    %dma_start3A_51 = arith.constant 3 : i32
    %dma_start3A_52 = arith.constant 3 : i32
    %dma_start3A_53 = arith.constant 0 : i32
    %dma_start3A_54 = arith.constant 0 : i32
    %dma_start3A_55 = tpu.memref_slice %arg8[%dma_start3A_52, %dma_start3A_53, %dma_start3A_54] : memref<4x128x128xbf16, #tpu.memory_space<vmem>> -> memref<1x128x128xbf16, #tpu.memory_space<vmem>>
    %dma_start3A_56 = tpu.memref_squeeze %dma_start3A_55 : memref<1x128x128xbf16, #tpu.memory_space<vmem>> -> memref<128x128xbf16, #tpu.memory_space<vmem>>
    %dma_start3A_57 = arith.constant 0 : i32
    %dma_start3A_58 = tpu.memref_slice %arg6[%dma_start3A_51, %dma_start3A_57] : memref<80x128xi32, #tpu.memory_space<vmem>> -> memref<1x128xi32, #tpu.memory_space<vmem>>
    %dma_start3A_59 = tpu.memref_squeeze %dma_start3A_58 : memref<1x128xi32, #tpu.memory_space<vmem>> -> memref<128xi32, #tpu.memory_space<vmem>>
    %dma_start3A_60 = arith.constant 0 : i32
    %dma_start3A_61 = arith.constant 0 : i32
    %dma_start3A_62 = tpu.memref_slice %arg2[%dma_start3A_60, %dma_start3A_61] : memref<10000x128xbf16, #tpu.memory_space<hbm>> -> memref<10000x128xbf16, #tpu.memory_space<hbm>>
    tpu.enqueue_indirect_dma source(%dma_start3A_62 : memref<10000x128xbf16, #tpu.memory_space<hbm>>) target(%dma_start3A_56 : memref<128x128xbf16, #tpu.memory_space<vmem>>) offsets(%dma_start3A_59 : memref<128xi32, #tpu.memory_space<vmem>>) semaphore(%arg11 : memref<!tpu.dma_semaphore, #tpu.memory_space<semaphore_mem>>)
    %scan3A_63 = arith.constant 0 : i32
    %scan3A_64 = arith.constant 0 : i32
    %scan3A_65 = arith.constant 19 : i32
    %scan3A_66 = arith.addi %scan3A_64, %scan3A_65 : i32
    %scan3A_67 = arith.constant 1 : i32
    scf.for %scan3A_124 = %scan3A_64 to %scan3A_66 step %scan3A_67  : i32 {
      %mul3A_125 = arith.constant 4 : i32
      %mul3A_126 = arith.muli %scan3A_124, %mul3A_125 : i32
      %add3A_127 = arith.constant 0 : i32
      %add3A_128 = arith.addi %mul3A_126, %add3A_127 : i32
      %dma_wait3A_129 = arith.constant 0 : i32
      %dma_wait3A_130 = arith.constant 0 : i32
      %dma_wait3A_131 = arith.constant 0 : i32
      %dma_wait3A_132 = tpu.memref_slice %arg8[%dma_wait3A_129, %dma_wait3A_130, %dma_wait3A_131] : memref<4x128x128xbf16, #tpu.memory_space<vmem>> -> memref<1x128x128xbf16, #tpu.memory_space<vmem>>
      %dma_wait3A_133 = tpu.memref_squeeze %dma_wait3A_132 : memref<1x128x128xbf16, #tpu.memory_space<vmem>> -> memref<128x128xbf16, #tpu.memory_space<vmem>>
      %dma_wait3A_134 = arith.constant 0 : i32
      %dma_wait3A_135 = tpu.memref_slice %arg6[%add3A_128, %dma_wait3A_134] : memref<80x128xi32, #tpu.memory_space<vmem>> -> memref<1x128xi32, #tpu.memory_space<vmem>>
      %dma_wait3A_136 = tpu.memref_squeeze %dma_wait3A_135 : memref<1x128xi32, #tpu.memory_space<vmem>> -> memref<128xi32, #tpu.memory_space<vmem>>
      %dma_wait3A_137 = arith.constant 0 : i32
      %dma_wait3A_138 = arith.constant 0 : i32
      %dma_wait3A_139 = tpu.memref_slice %arg2[%dma_wait3A_137, %dma_wait3A_138] : memref<10000x128xbf16, #tpu.memory_space<hbm>> -> memref<10000x128xbf16, #tpu.memory_space<hbm>>
      tpu.wait_indirect_dma semaphore(%arg11 : memref<!tpu.dma_semaphore, #tpu.memory_space<semaphore_mem>>) src(%dma_wait3A_139 : memref<10000x128xbf16, #tpu.memory_space<hbm>>) dst(%dma_wait3A_133 : memref<128x128xbf16, #tpu.memory_space<vmem>>)
      %run_scoped3A_140 = arith.constant 0 : i32
      "tpu.region"() ({
        %run_scoped3A_241 = tpu.sem_alloc : memref<!tpu.dma_semaphore, #tpu.memory_space<semaphore_mem>>
        %dma_start3A_242 = arith.constant 0 : i32
        %dma_start3A_243 = arith.constant 0 : i32
        %dma_start3A_244 = tpu.memref_slice %arg8[%run_scoped3A_140, %dma_start3A_242, %dma_start3A_243] : memref<4x128x128xbf16, #tpu.memory_space<vmem>> -> memref<1x128x128xbf16, #tpu.memory_space<vmem>>
        %dma_start3A_245 = tpu.memref_squeeze %dma_start3A_244 : memref<1x128x128xbf16, #tpu.memory_space<vmem>> -> memref<128x128xbf16, #tpu.memory_space<vmem>>
        %dma_start3A_246 = arith.constant 0 : i32
        %dma_start3A_247 = tpu.memref_slice %arg7[%add3A_128, %dma_start3A_246] : memref<80x128xi32, #tpu.memory_space<vmem>> -> memref<1x128xi32, #tpu.memory_space<vmem>>
        %dma_start3A_248 = tpu.memref_squeeze %dma_start3A_247 : memref<1x128xi32, #tpu.memory_space<vmem>> -> memref<128xi32, #tpu.memory_space<vmem>>
        %dma_start3A_249 = arith.constant 0 : i32
        %dma_start3A_250 = arith.constant 0 : i32
        %dma_start3A_251 = tpu.memref_slice %arg10[%dma_start3A_249, %dma_start3A_250] : memref<10240x128xbf16, #tpu.memory_space<vmem_shared>> -> memref<10240x128xbf16, #tpu.memory_space<vmem_shared>>
        tpu.enqueue_indirect_dma source(%dma_start3A_245 : memref<128x128xbf16, #tpu.memory_space<vmem>>) target(%dma_start3A_251 : memref<10240x128xbf16, #tpu.memory_space<vmem_shared>>) offsets(%dma_start3A_248 : memref<128xi32, #tpu.memory_space<vmem>>) semaphore(%run_scoped3A_241 : memref<!tpu.dma_semaphore, #tpu.memory_space<semaphore_mem>>) {add = true}
        %dma_wait3A_252 = arith.constant 0 : i32
        %dma_wait3A_253 = arith.constant 0 : i32
        %dma_wait3A_254 = tpu.memref_slice %arg8[%run_scoped3A_140, %dma_wait3A_252, %dma_wait3A_253] : memref<4x128x128xbf16, #tpu.memory_space<vmem>> -> memref<1x128x128xbf16, #tpu.memory_space<vmem>>
        %dma_wait3A_255 = tpu.memref_squeeze %dma_wait3A_254 : memref<1x128x128xbf16, #tpu.memory_space<vmem>> -> memref<128x128xbf16, #tpu.memory_space<vmem>>
        %dma_wait3A_256 = arith.constant 0 : i32
        %dma_wait3A_257 = tpu.memref_slice %arg7[%add3A_128, %dma_wait3A_256] : memref<80x128xi32, #tpu.memory_space<vmem>> -> memref<1x128xi32, #tpu.memory_space<vmem>>
        %dma_wait3A_258 = tpu.memref_squeeze %dma_wait3A_257 : memref<1x128xi32, #tpu.memory_space<vmem>> -> memref<128xi32, #tpu.memory_space<vmem>>
        %dma_wait3A_259 = arith.constant 0 : i32
        %dma_wait3A_260 = arith.constant 0 : i32
        %dma_wait3A_261 = tpu.memref_slice %arg10[%dma_wait3A_259, %dma_wait3A_260] : memref<10240x128xbf16, #tpu.memory_space<vmem_shared>> -> memref<10240x128xbf16, #tpu.memory_space<vmem_shared>>
        tpu.wait_indirect_dma semaphore(%run_scoped3A_241 : memref<!tpu.dma_semaphore, #tpu.memory_space<semaphore_mem>>) src(%dma_wait3A_255 : memref<128x128xbf16, #tpu.memory_space<vmem>>) dst(%dma_wait3A_261 : memref<10240x128xbf16, #tpu.memory_space<vmem_shared>>)
        tpu.yield
      }) : () -> ()
      %add3A_141 = arith.constant 4 : i32
      %add3A_142 = arith.addi %add3A_128, %add3A_141 : i32
      %dma_start3A_143 = arith.constant 0 : i32
      %dma_start3A_144 = arith.constant 0 : i32
      %dma_start3A_145 = arith.constant 0 : i32
      %dma_start3A_146 = tpu.memref_slice %arg8[%dma_start3A_143, %dma_start3A_144, %dma_start3A_145] : memref<4x128x128xbf16, #tpu.memory_space<vmem>> -> memref<1x128x128xbf16, #tpu.memory_space<vmem>>
      %dma_start3A_147 = tpu.memref_squeeze %dma_start3A_146 : memref<1x128x128xbf16, #tpu.memory_space<vmem>> -> memref<128x128xbf16, #tpu.memory_space<vmem>>
      %dma_start3A_148 = arith.constant 0 : i32
      %dma_start3A_149 = tpu.memref_slice %arg6[%add3A_142, %dma_start3A_148] : memref<80x128xi32, #tpu.memory_space<vmem>> -> memref<1x128xi32, #tpu.memory_space<vmem>>
      %dma_start3A_150 = tpu.memref_squeeze %dma_start3A_149 : memref<1x128xi32, #tpu.memory_space<vmem>> -> memref<128xi32, #tpu.memory_space<vmem>>
      %dma_start3A_151 = arith.constant 0 : i32
      %dma_start3A_152 = arith.constant 0 : i32
      %dma_start3A_153 = tpu.memref_slice %arg2[%dma_start3A_151, %dma_start3A_152] : memref<10000x128xbf16, #tpu.memory_space<hbm>> -> memref<10000x128xbf16, #tpu.memory_space<hbm>>
      tpu.enqueue_indirect_dma source(%dma_start3A_153 : memref<10000x128xbf16, #tpu.memory_space<hbm>>) target(%dma_start3A_147 : memref<128x128xbf16, #tpu.memory_space<vmem>>) offsets(%dma_start3A_150 : memref<128xi32, #tpu.memory_space<vmem>>) semaphore(%arg11 : memref<!tpu.dma_semaphore, #tpu.memory_space<semaphore_mem>>)
      %mul3A_154 = arith.constant 4 : i32
      %mul3A_155 = arith.muli %scan3A_124, %mul3A_154 : i32
      %add3A_156 = arith.constant 1 : i32
      %add3A_157 = arith.addi %mul3A_155, %add3A_156 : i32
      %dma_wait3A_158 = arith.constant 1 : i32
      %dma_wait3A_159 = arith.constant 0 : i32
      %dma_wait3A_160 = arith.constant 0 : i32
      %dma_wait3A_161 = tpu.memref_slice %arg8[%dma_wait3A_158, %dma_wait3A_159, %dma_wait3A_160] : memref<4x128x128xbf16, #tpu.memory_space<vmem>> -> memref<1x128x128xbf16, #tpu.memory_space<vmem>>
      %dma_wait3A_162 = tpu.memref_squeeze %dma_wait3A_161 : memref<1x128x128xbf16, #tpu.memory_space<vmem>> -> memref<128x128xbf16, #tpu.memory_space<vmem>>
      %dma_wait3A_163 = arith.constant 0 : i32
      %dma_wait3A_164 = tpu.memref_slice %arg6[%add3A_157, %dma_wait3A_163] : memref<80x128xi32, #tpu.memory_space<vmem>> -> memref<1x128xi32, #tpu.memory_space<vmem>>
      %dma_wait3A_165 = tpu.memref_squeeze %dma_wait3A_164 : memref<1x128xi32, #tpu.memory_space<vmem>> -> memref<128xi32, #tpu.memory_space<vmem>>
      %dma_wait3A_166 = arith.constant 0 : i32
      %dma_wait3A_167 = arith.constant 0 : i32
      %dma_wait3A_168 = tpu.memref_slice %arg2[%dma_wait3A_166, %dma_wait3A_167] : memref<10000x128xbf16, #tpu.memory_space<hbm>> -> memref<10000x128xbf16, #tpu.memory_space<hbm>>
      tpu.wait_indirect_dma semaphore(%arg11 : memref<!tpu.dma_semaphore, #tpu.memory_space<semaphore_mem>>) src(%dma_wait3A_168 : memref<10000x128xbf16, #tpu.memory_space<hbm>>) dst(%dma_wait3A_162 : memref<128x128xbf16, #tpu.memory_space<vmem>>)
      %run_scoped3A_169 = arith.constant 1 : i32
      "tpu.region"() ({
        %run_scoped3A_241 = tpu.sem_alloc : memref<!tpu.dma_semaphore, #tpu.memory_space<semaphore_mem>>
        %dma_start3A_242 = arith.constant 0 : i32
        %dma_start3A_243 = arith.constant 0 : i32
        %dma_start3A_244 = tpu.memref_slice %arg8[%run_scoped3A_169, %dma_start3A_242, %dma_start3A_243] : memref<4x128x128xbf16, #tpu.memory_space<vmem>> -> memref<1x128x128xbf16, #tpu.memory_space<vmem>>
        %dma_start3A_245 = tpu.memref_squeeze %dma_start3A_244 : memref<1x128x128xbf16, #tpu.memory_space<vmem>> -> memref<128x128xbf16, #tpu.memory_space<vmem>>
        %dma_start3A_246 = arith.constant 0 : i32
        %dma_start3A_247 = tpu.memref_slice %arg7[%add3A_157, %dma_start3A_246] : memref<80x128xi32, #tpu.memory_space<vmem>> -> memref<1x128xi32, #tpu.memory_space<vmem>>
        %dma_start3A_248 = tpu.memref_squeeze %dma_start3A_247 : memref<1x128xi32, #tpu.memory_space<vmem>> -> memref<128xi32, #tpu.memory_space<vmem>>
        %dma_start3A_249 = arith.constant 0 : i32
        %dma_start3A_250 = arith.constant 0 : i32
        %dma_start3A_251 = tpu.memref_slice %arg10[%dma_start3A_249, %dma_start3A_250] : memref<10240x128xbf16, #tpu.memory_space<vmem_shared>> -> memref<10240x128xbf16, #tpu.memory_space<vmem_shared>>
        tpu.enqueue_indirect_dma source(%dma_start3A_245 : memref<128x128xbf16, #tpu.memory_space<vmem>>) target(%dma_start3A_251 : memref<10240x128xbf16, #tpu.memory_space<vmem_shared>>) offsets(%dma_start3A_248 : memref<128xi32, #tpu.memory_space<vmem>>) semaphore(%run_scoped3A_241 : memref<!tpu.dma_semaphore, #tpu.memory_space<semaphore_mem>>) {add = true}
        %dma_wait3A_252 = arith.constant 0 : i32
        %dma_wait3A_253 = arith.constant 0 : i32
        %dma_wait3A_254 = tpu.memref_slice %arg8[%run_scoped3A_169, %dma_wait3A_252, %dma_wait3A_253] : memref<4x128x128xbf16, #tpu.memory_space<vmem>> -> memref<1x128x128xbf16, #tpu.memory_space<vmem>>
        %dma_wait3A_255 = tpu.memref_squeeze %dma_wait3A_254 : memref<1x128x128xbf16, #tpu.memory_space<vmem>> -> memref<128x128xbf16, #tpu.memory_space<vmem>>
        %dma_wait3A_256 = arith.constant 0 : i32
        %dma_wait3A_257 = tpu.memref_slice %arg7[%add3A_157, %dma_wait3A_256] : memref<80x128xi32, #tpu.memory_space<vmem>> -> memref<1x128xi32, #tpu.memory_space<vmem>>
        %dma_wait3A_258 = tpu.memref_squeeze %dma_wait3A_257 : memref<1x128xi32, #tpu.memory_space<vmem>> -> memref<128xi32, #tpu.memory_space<vmem>>
        %dma_wait3A_259 = arith.constant 0 : i32
        %dma_wait3A_260 = arith.constant 0 : i32
        %dma_wait3A_261 = tpu.memref_slice %arg10[%dma_wait3A_259, %dma_wait3A_260] : memref<10240x128xbf16, #tpu.memory_space<vmem_shared>> -> memref<10240x128xbf16, #tpu.memory_space<vmem_shared>>
        tpu.wait_indirect_dma semaphore(%run_scoped3A_241 : memref<!tpu.dma_semaphore, #tpu.memory_space<semaphore_mem>>) src(%dma_wait3A_255 : memref<128x128xbf16, #tpu.memory_space<vmem>>) dst(%dma_wait3A_261 : memref<10240x128xbf16, #tpu.memory_space<vmem_shared>>)
        tpu.yield
      }) : () -> ()
      %add3A_170 = arith.constant 4 : i32
      %add3A_171 = arith.addi %add3A_157, %add3A_170 : i32
      %dma_start3A_172 = arith.constant 1 : i32
      %dma_start3A_173 = arith.constant 0 : i32
      %dma_start3A_174 = arith.constant 0 : i32
      %dma_start3A_175 = tpu.memref_slice %arg8[%dma_start3A_172, %dma_start3A_173, %dma_start3A_174] : memref<4x128x128xbf16, #tpu.memory_space<vmem>> -> memref<1x128x128xbf16, #tpu.memory_space<vmem>>
      %dma_start3A_176 = tpu.memref_squeeze %dma_start3A_175 : memref<1x128x128xbf16, #tpu.memory_space<vmem>> -> memref<128x128xbf16, #tpu.memory_space<vmem>>
      %dma_start3A_177 = arith.constant 0 : i32
      %dma_start3A_178 = tpu.memref_slice %arg6[%add3A_171, %dma_start3A_177] : memref<80x128xi32, #tpu.memory_space<vmem>> -> memref<1x128xi32, #tpu.memory_space<vmem>>
      %dma_start3A_179 = tpu.memref_squeeze %dma_start3A_178 : memref<1x128xi32, #tpu.memory_space<vmem>> -> memref<128xi32, #tpu.memory_space<vmem>>
      %dma_start3A_180 = arith.constant 0 : i32
      %dma_start3A_181 = arith.constant 0 : i32
      %dma_start3A_182 = tpu.memref_slice %arg2[%dma_start3A_180, %dma_start3A_181] : memref<10000x128xbf16, #tpu.memory_space<hbm>> -> memref<10000x128xbf16, #tpu.memory_space<hbm>>
      tpu.enqueue_indirect_dma source(%dma_start3A_182 : memref<10000x128xbf16, #tpu.memory_space<hbm>>) target(%dma_start3A_176 : memref<128x128xbf16, #tpu.memory_space<vmem>>) offsets(%dma_start3A_179 : memref<128xi32, #tpu.memory_space<vmem>>) semaphore(%arg11 : memref<!tpu.dma_semaphore, #tpu.memory_space<semaphore_mem>>)
      %mul3A_183 = arith.constant 4 : i32
      %mul3A_184 = arith.muli %scan3A_124, %mul3A_183 : i32
      %add3A_185 = arith.constant 2 : i32
      %add3A_186 = arith.addi %mul3A_184, %add3A_185 : i32
      %dma_wait3A_187 = arith.constant 2 : i32
      %dma_wait3A_188 = arith.constant 0 : i32
      %dma_wait3A_189 = arith.constant 0 : i32
      %dma_wait3A_190 = tpu.memref_slice %arg8[%dma_wait3A_187, %dma_wait3A_188, %dma_wait3A_189] : memref<4x128x128xbf16, #tpu.memory_space<vmem>> -> memref<1x128x128xbf16, #tpu.memory_space<vmem>>
      %dma_wait3A_191 = tpu.memref_squeeze %dma_wait3A_190 : memref<1x128x128xbf16, #tpu.memory_space<vmem>> -> memref<128x128xbf16, #tpu.memory_space<vmem>>
      %dma_wait3A_192 = arith.constant 0 : i32
      %dma_wait3A_193 = tpu.memref_slice %arg6[%add3A_186, %dma_wait3A_192] : memref<80x128xi32, #tpu.memory_space<vmem>> -> memref<1x128xi32, #tpu.memory_space<vmem>>
      %dma_wait3A_194 = tpu.memref_squeeze %dma_wait3A_193 : memref<1x128xi32, #tpu.memory_space<vmem>> -> memref<128xi32, #tpu.memory_space<vmem>>
      %dma_wait3A_195 = arith.constant 0 : i32
      %dma_wait3A_196 = arith.constant 0 : i32
      %dma_wait3A_197 = tpu.memref_slice %arg2[%dma_wait3A_195, %dma_wait3A_196] : memref<10000x128xbf16, #tpu.memory_space<hbm>> -> memref<10000x128xbf16, #tpu.memory_space<hbm>>
      tpu.wait_indirect_dma semaphore(%arg11 : memref<!tpu.dma_semaphore, #tpu.memory_space<semaphore_mem>>) src(%dma_wait3A_197 : memref<10000x128xbf16, #tpu.memory_space<hbm>>) dst(%dma_wait3A_191 : memref<128x128xbf16, #tpu.memory_space<vmem>>)
      %run_scoped3A_198 = arith.constant 2 : i32
      "tpu.region"() ({
        %run_scoped3A_241 = tpu.sem_alloc : memref<!tpu.dma_semaphore, #tpu.memory_space<semaphore_mem>>
        %dma_start3A_242 = arith.constant 0 : i32
        %dma_start3A_243 = arith.constant 0 : i32
        %dma_start3A_244 = tpu.memref_slice %arg8[%run_scoped3A_198, %dma_start3A_242, %dma_start3A_243] : memref<4x128x128xbf16, #tpu.memory_space<vmem>> -> memref<1x128x128xbf16, #tpu.memory_space<vmem>>
        %dma_start3A_245 = tpu.memref_squeeze %dma_start3A_244 : memref<1x128x128xbf16, #tpu.memory_space<vmem>> -> memref<128x128xbf16, #tpu.memory_space<vmem>>
        %dma_start3A_246 = arith.constant 0 : i32
        %dma_start3A_247 = tpu.memref_slice %arg7[%add3A_186, %dma_start3A_246] : memref<80x128xi32, #tpu.memory_space<vmem>> -> memref<1x128xi32, #tpu.memory_space<vmem>>
        %dma_start3A_248 = tpu.memref_squeeze %dma_start3A_247 : memref<1x128xi32, #tpu.memory_space<vmem>> -> memref<128xi32, #tpu.memory_space<vmem>>
        %dma_start3A_249 = arith.constant 0 : i32
        %dma_start3A_250 = arith.constant 0 : i32
        %dma_start3A_251 = tpu.memref_slice %arg10[%dma_start3A_249, %dma_start3A_250] : memref<10240x128xbf16, #tpu.memory_space<vmem_shared>> -> memref<10240x128xbf16, #tpu.memory_space<vmem_shared>>
        tpu.enqueue_indirect_dma source(%dma_start3A_245 : memref<128x128xbf16, #tpu.memory_space<vmem>>) target(%dma_start3A_251 : memref<10240x128xbf16, #tpu.memory_space<vmem_shared>>) offsets(%dma_start3A_248 : memref<128xi32, #tpu.memory_space<vmem>>) semaphore(%run_scoped3A_241 : memref<!tpu.dma_semaphore, #tpu.memory_space<semaphore_mem>>) {add = true}
        %dma_wait3A_252 = arith.constant 0 : i32
        %dma_wait3A_253 = arith.constant 0 : i32
        %dma_wait3A_254 = tpu.memref_slice %arg8[%run_scoped3A_198, %dma_wait3A_252, %dma_wait3A_253] : memref<4x128x128xbf16, #tpu.memory_space<vmem>> -> memref<1x128x128xbf16, #tpu.memory_space<vmem>>
        %dma_wait3A_255 = tpu.memref_squeeze %dma_wait3A_254 : memref<1x128x128xbf16, #tpu.memory_space<vmem>> -> memref<128x128xbf16, #tpu.memory_space<vmem>>
        %dma_wait3A_256 = arith.constant 0 : i32
        %dma_wait3A_257 = tpu.memref_slice %arg7[%add3A_186, %dma_wait3A_256] : memref<80x128xi32, #tpu.memory_space<vmem>> -> memref<1x128xi32, #tpu.memory_space<vmem>>
        %dma_wait3A_258 = tpu.memref_squeeze %dma_wait3A_257 : memref<1x128xi32, #tpu.memory_space<vmem>> -> memref<128xi32, #tpu.memory_space<vmem>>
        %dma_wait3A_259 = arith.constant 0 : i32
        %dma_wait3A_260 = arith.constant 0 : i32
        %dma_wait3A_261 = tpu.memref_slice %arg10[%dma_wait3A_259, %dma_wait3A_260] : memref<10240x128xbf16, #tpu.memory_space<vmem_shared>> -> memref<10240x128xbf16, #tpu.memory_space<vmem_shared>>
        tpu.wait_indirect_dma semaphore(%run_scoped3A_241 : memref<!tpu.dma_semaphore, #tpu.memory_space<semaphore_mem>>) src(%dma_wait3A_255 : memref<128x128xbf16, #tpu.memory_space<vmem>>) dst(%dma_wait3A_261 : memref<10240x128xbf16, #tpu.memory_space<vmem_shared>>)
        tpu.yield
      }) : () -> ()
      %add3A_199 = arith.constant 4 : i32
      %add3A_200 = arith.addi %add3A_186, %add3A_199 : i32
      %dma_start3A_201 = arith.constant 2 : i32
      %dma_start3A_202 = arith.constant 0 : i32
      %dma_start3A_203 = arith.constant 0 : i32
      %dma_start3A_204 = tpu.memref_slice %arg8[%dma_start3A_201, %dma_start3A_202, %dma_start3A_203] : memref<4x128x128xbf16, #tpu.memory_space<vmem>> -> memref<1x128x128xbf16, #tpu.memory_space<vmem>>
      %dma_start3A_205 = tpu.memref_squeeze %dma_start3A_204 : memref<1x128x128xbf16, #tpu.memory_space<vmem>> -> memref<128x128xbf16, #tpu.memory_space<vmem>>
      %dma_start3A_206 = arith.constant 0 : i32
      %dma_start3A_207 = tpu.memref_slice %arg6[%add3A_200, %dma_start3A_206] : memref<80x128xi32, #tpu.memory_space<vmem>> -> memref<1x128xi32, #tpu.memory_space<vmem>>
      %dma_start3A_208 = tpu.memref_squeeze %dma_start3A_207 : memref<1x128xi32, #tpu.memory_space<vmem>> -> memref<128xi32, #tpu.memory_space<vmem>>
      %dma_start3A_209 = arith.constant 0 : i32
      %dma_start3A_210 = arith.constant 0 : i32
      %dma_start3A_211 = tpu.memref_slice %arg2[%dma_start3A_209, %dma_start3A_210] : memref<10000x128xbf16, #tpu.memory_space<hbm>> -> memref<10000x128xbf16, #tpu.memory_space<hbm>>
      tpu.enqueue_indirect_dma source(%dma_start3A_211 : memref<10000x128xbf16, #tpu.memory_space<hbm>>) target(%dma_start3A_205 : memref<128x128xbf16, #tpu.memory_space<vmem>>) offsets(%dma_start3A_208 : memref<128xi32, #tpu.memory_space<vmem>>) semaphore(%arg11 : memref<!tpu.dma_semaphore, #tpu.memory_space<semaphore_mem>>)
      %mul3A_212 = arith.constant 4 : i32
      %mul3A_213 = arith.muli %scan3A_124, %mul3A_212 : i32
      %add3A_214 = arith.constant 3 : i32
      %add3A_215 = arith.addi %mul3A_213, %add3A_214 : i32
      %dma_wait3A_216 = arith.constant 3 : i32
      %dma_wait3A_217 = arith.constant 0 : i32
      %dma_wait3A_218 = arith.constant 0 : i32
      %dma_wait3A_219 = tpu.memref_slice %arg8[%dma_wait3A_216, %dma_wait3A_217, %dma_wait3A_218] : memref<4x128x128xbf16, #tpu.memory_space<vmem>> -> memref<1x128x128xbf16, #tpu.memory_space<vmem>>
      %dma_wait3A_220 = tpu.memref_squeeze %dma_wait3A_219 : memref<1x128x128xbf16, #tpu.memory_space<vmem>> -> memref<128x128xbf16, #tpu.memory_space<vmem>>
      %dma_wait3A_221 = arith.constant 0 : i32
      %dma_wait3A_222 = tpu.memref_slice %arg6[%add3A_215, %dma_wait3A_221] : memref<80x128xi32, #tpu.memory_space<vmem>> -> memref<1x128xi32, #tpu.memory_space<vmem>>
      %dma_wait3A_223 = tpu.memref_squeeze %dma_wait3A_222 : memref<1x128xi32, #tpu.memory_space<vmem>> -> memref<128xi32, #tpu.memory_space<vmem>>
      %dma_wait3A_224 = arith.constant 0 : i32
      %dma_wait3A_225 = arith.constant 0 : i32
      %dma_wait3A_226 = tpu.memref_slice %arg2[%dma_wait3A_224, %dma_wait3A_225] : memref<10000x128xbf16, #tpu.memory_space<hbm>> -> memref<10000x128xbf16, #tpu.memory_space<hbm>>
      tpu.wait_indirect_dma semaphore(%arg11 : memref<!tpu.dma_semaphore, #tpu.memory_space<semaphore_mem>>) src(%dma_wait3A_226 : memref<10000x128xbf16, #tpu.memory_space<hbm>>) dst(%dma_wait3A_220 : memref<128x128xbf16, #tpu.memory_space<vmem>>)
      %run_scoped3A_227 = arith.constant 3 : i32
      "tpu.region"() ({
        %run_scoped3A_241 = tpu.sem_alloc : memref<!tpu.dma_semaphore, #tpu.memory_space<semaphore_mem>>
        %dma_start3A_242 = arith.constant 0 : i32
        %dma_start3A_243 = arith.constant 0 : i32
        %dma_start3A_244 = tpu.memref_slice %arg8[%run_scoped3A_227, %dma_start3A_242, %dma_start3A_243] : memref<4x128x128xbf16, #tpu.memory_space<vmem>> -> memref<1x128x128xbf16, #tpu.memory_space<vmem>>
        %dma_start3A_245 = tpu.memref_squeeze %dma_start3A_244 : memref<1x128x128xbf16, #tpu.memory_space<vmem>> -> memref<128x128xbf16, #tpu.memory_space<vmem>>
        %dma_start3A_246 = arith.constant 0 : i32
        %dma_start3A_247 = tpu.memref_slice %arg7[%add3A_215, %dma_start3A_246] : memref<80x128xi32, #tpu.memory_space<vmem>> -> memref<1x128xi32, #tpu.memory_space<vmem>>
        %dma_start3A_248 = tpu.memref_squeeze %dma_start3A_247 : memref<1x128xi32, #tpu.memory_space<vmem>> -> memref<128xi32, #tpu.memory_space<vmem>>
        %dma_start3A_249 = arith.constant 0 : i32
        %dma_start3A_250 = arith.constant 0 : i32
        %dma_start3A_251 = tpu.memref_slice %arg10[%dma_start3A_249, %dma_start3A_250] : memref<10240x128xbf16, #tpu.memory_space<vmem_shared>> -> memref<10240x128xbf16, #tpu.memory_space<vmem_shared>>
        tpu.enqueue_indirect_dma source(%dma_start3A_245 : memref<128x128xbf16, #tpu.memory_space<vmem>>) target(%dma_start3A_251 : memref<10240x128xbf16, #tpu.memory_space<vmem_shared>>) offsets(%dma_start3A_248 : memref<128xi32, #tpu.memory_space<vmem>>) semaphore(%run_scoped3A_241 : memref<!tpu.dma_semaphore, #tpu.memory_space<semaphore_mem>>) {add = true}
        %dma_wait3A_252 = arith.constant 0 : i32
        %dma_wait3A_253 = arith.constant 0 : i32
        %dma_wait3A_254 = tpu.memref_slice %arg8[%run_scoped3A_227, %dma_wait3A_252, %dma_wait3A_253] : memref<4x128x128xbf16, #tpu.memory_space<vmem>> -> memref<1x128x128xbf16, #tpu.memory_space<vmem>>
        %dma_wait3A_255 = tpu.memref_squeeze %dma_wait3A_254 : memref<1x128x128xbf16, #tpu.memory_space<vmem>> -> memref<128x128xbf16, #tpu.memory_space<vmem>>
        %dma_wait3A_256 = arith.constant 0 : i32
        %dma_wait3A_257 = tpu.memref_slice %arg7[%add3A_215, %dma_wait3A_256] : memref<80x128xi32, #tpu.memory_space<vmem>> -> memref<1x128xi32, #tpu.memory_space<vmem>>
        %dma_wait3A_258 = tpu.memref_squeeze %dma_wait3A_257 : memref<1x128xi32, #tpu.memory_space<vmem>> -> memref<128xi32, #tpu.memory_space<vmem>>
        %dma_wait3A_259 = arith.constant 0 : i32
        %dma_wait3A_260 = arith.constant 0 : i32
        %dma_wait3A_261 = tpu.memref_slice %arg10[%dma_wait3A_259, %dma_wait3A_260] : memref<10240x128xbf16, #tpu.memory_space<vmem_shared>> -> memref<10240x128xbf16, #tpu.memory_space<vmem_shared>>
        tpu.wait_indirect_dma semaphore(%run_scoped3A_241 : memref<!tpu.dma_semaphore, #tpu.memory_space<semaphore_mem>>) src(%dma_wait3A_255 : memref<128x128xbf16, #tpu.memory_space<vmem>>) dst(%dma_wait3A_261 : memref<10240x128xbf16, #tpu.memory_space<vmem_shared>>)
        tpu.yield
      }) : () -> ()
      %add3A_228 = arith.constant 4 : i32
      %add3A_229 = arith.addi %add3A_215, %add3A_228 : i32
      %dma_start3A_230 = arith.constant 3 : i32
      %dma_start3A_231 = arith.constant 0 : i32
      %dma_start3A_232 = arith.constant 0 : i32
      %dma_start3A_233 = tpu.memref_slice %arg8[%dma_start3A_230, %dma_start3A_231, %dma_start3A_232] : memref<4x128x128xbf16, #tpu.memory_space<vmem>> -> memref<1x128x128xbf16, #tpu.memory_space<vmem>>
      %dma_start3A_234 = tpu.memref_squeeze %dma_start3A_233 : memref<1x128x128xbf16, #tpu.memory_space<vmem>> -> memref<128x128xbf16, #tpu.memory_space<vmem>>
      %dma_start3A_235 = arith.constant 0 : i32
      %dma_start3A_236 = tpu.memref_slice %arg6[%add3A_229, %dma_start3A_235] : memref<80x128xi32, #tpu.memory_space<vmem>> -> memref<1x128xi32, #tpu.memory_space<vmem>>
      %dma_start3A_237 = tpu.memref_squeeze %dma_start3A_236 : memref<1x128xi32, #tpu.memory_space<vmem>> -> memref<128xi32, #tpu.memory_space<vmem>>
      %dma_start3A_238 = arith.constant 0 : i32
      %dma_start3A_239 = arith.constant 0 : i32
      %dma_start3A_240 = tpu.memref_slice %arg2[%dma_start3A_238, %dma_start3A_239] : memref<10000x128xbf16, #tpu.memory_space<hbm>> -> memref<10000x128xbf16, #tpu.memory_space<hbm>>
      tpu.enqueue_indirect_dma source(%dma_start3A_240 : memref<10000x128xbf16, #tpu.memory_space<hbm>>) target(%dma_start3A_234 : memref<128x128xbf16, #tpu.memory_space<vmem>>) offsets(%dma_start3A_237 : memref<128xi32, #tpu.memory_space<vmem>>) semaphore(%arg11 : memref<!tpu.dma_semaphore, #tpu.memory_space<semaphore_mem>>)
    }
    %scan3A_68 = arith.constant 19 : i32
    %dma_wait3A = arith.constant 76 : i32
    %dma_wait3A_69 = arith.constant 0 : i32
    %dma_wait3A_70 = arith.constant 0 : i32
    %dma_wait3A_71 = arith.constant 0 : i32
    %dma_wait3A_72 = tpu.memref_slice %arg8[%dma_wait3A_69, %dma_wait3A_70, %dma_wait3A_71] : memref<4x128x128xbf16, #tpu.memory_space<vmem>> -> memref<1x128x128xbf16, #tpu.memory_space<vmem>>
    %dma_wait3A_73 = tpu.memref_squeeze %dma_wait3A_72 : memref<1x128x128xbf16, #tpu.memory_space<vmem>> -> memref<128x128xbf16, #tpu.memory_space<vmem>>
    %dma_wait3A_74 = arith.constant 0 : i32
    %dma_wait3A_75 = tpu.memref_slice %arg6[%dma_wait3A, %dma_wait3A_74] : memref<80x128xi32, #tpu.memory_space<vmem>> -> memref<1x128xi32, #tpu.memory_space<vmem>>
    %dma_wait3A_76 = tpu.memref_squeeze %dma_wait3A_75 : memref<1x128xi32, #tpu.memory_space<vmem>> -> memref<128xi32, #tpu.memory_space<vmem>>
    %dma_wait3A_77 = arith.constant 0 : i32
    %dma_wait3A_78 = arith.constant 0 : i32
    %dma_wait3A_79 = tpu.memref_slice %arg2[%dma_wait3A_77, %dma_wait3A_78] : memref<10000x128xbf16, #tpu.memory_space<hbm>> -> memref<10000x128xbf16, #tpu.memory_space<hbm>>
    tpu.wait_indirect_dma semaphore(%arg11 : memref<!tpu.dma_semaphore, #tpu.memory_space<semaphore_mem>>) src(%dma_wait3A_79 : memref<10000x128xbf16, #tpu.memory_space<hbm>>) dst(%dma_wait3A_73 : memref<128x128xbf16, #tpu.memory_space<vmem>>)
    %run_scoped3A = arith.constant 0 : i32
    %run_scoped3A_80 = arith.constant 76 : i32
    "tpu.region"() ({
      %run_scoped3A_124 = tpu.sem_alloc : memref<!tpu.dma_semaphore, #tpu.memory_space<semaphore_mem>>
      %dma_start3A_125 = arith.constant 0 : i32
      %dma_start3A_126 = arith.constant 0 : i32
      %dma_start3A_127 = tpu.memref_slice %arg8[%run_scoped3A, %dma_start3A_125, %dma_start3A_126] : memref<4x128x128xbf16, #tpu.memory_space<vmem>> -> memref<1x128x128xbf16, #tpu.memory_space<vmem>>
      %dma_start3A_128 = tpu.memref_squeeze %dma_start3A_127 : memref<1x128x128xbf16, #tpu.memory_space<vmem>> -> memref<128x128xbf16, #tpu.memory_space<vmem>>
      %dma_start3A_129 = arith.constant 0 : i32
      %dma_start3A_130 = tpu.memref_slice %arg7[%run_scoped3A_80, %dma_start3A_129] : memref<80x128xi32, #tpu.memory_space<vmem>> -> memref<1x128xi32, #tpu.memory_space<vmem>>
      %dma_start3A_131 = tpu.memref_squeeze %dma_start3A_130 : memref<1x128xi32, #tpu.memory_space<vmem>> -> memref<128xi32, #tpu.memory_space<vmem>>
      %dma_start3A_132 = arith.constant 0 : i32
      %dma_start3A_133 = arith.constant 0 : i32
      %dma_start3A_134 = tpu.memref_slice %arg10[%dma_start3A_132, %dma_start3A_133] : memref<10240x128xbf16, #tpu.memory_space<vmem_shared>> -> memref<10240x128xbf16, #tpu.memory_space<vmem_shared>>
      tpu.enqueue_indirect_dma source(%dma_start3A_128 : memref<128x128xbf16, #tpu.memory_space<vmem>>) target(%dma_start3A_134 : memref<10240x128xbf16, #tpu.memory_space<vmem_shared>>) offsets(%dma_start3A_131 : memref<128xi32, #tpu.memory_space<vmem>>) semaphore(%run_scoped3A_124 : memref<!tpu.dma_semaphore, #tpu.memory_space<semaphore_mem>>) {add = true}
      %dma_wait3A_135 = arith.constant 0 : i32
      %dma_wait3A_136 = arith.constant 0 : i32
      %dma_wait3A_137 = tpu.memref_slice %arg8[%run_scoped3A, %dma_wait3A_135, %dma_wait3A_136] : memref<4x128x128xbf16, #tpu.memory_space<vmem>> -> memref<1x128x128xbf16, #tpu.memory_space<vmem>>
      %dma_wait3A_138 = tpu.memref_squeeze %dma_wait3A_137 : memref<1x128x128xbf16, #tpu.memory_space<vmem>> -> memref<128x128xbf16, #tpu.memory_space<vmem>>
      %dma_wait3A_139 = arith.constant 0 : i32
      %dma_wait3A_140 = tpu.memref_slice %arg7[%run_scoped3A_80, %dma_wait3A_139] : memref<80x128xi32, #tpu.memory_space<vmem>> -> memref<1x128xi32, #tpu.memory_space<vmem>>
      %dma_wait3A_141 = tpu.memref_squeeze %dma_wait3A_140 : memref<1x128xi32, #tpu.memory_space<vmem>> -> memref<128xi32, #tpu.memory_space<vmem>>
      %dma_wait3A_142 = arith.constant 0 : i32
      %dma_wait3A_143 = arith.constant 0 : i32
      %dma_wait3A_144 = tpu.memref_slice %arg10[%dma_wait3A_142, %dma_wait3A_143] : memref<10240x128xbf16, #tpu.memory_space<vmem_shared>> -> memref<10240x128xbf16, #tpu.memory_space<vmem_shared>>
      tpu.wait_indirect_dma semaphore(%run_scoped3A_124 : memref<!tpu.dma_semaphore, #tpu.memory_space<semaphore_mem>>) src(%dma_wait3A_138 : memref<128x128xbf16, #tpu.memory_space<vmem>>) dst(%dma_wait3A_144 : memref<10240x128xbf16, #tpu.memory_space<vmem_shared>>)
      tpu.yield
    }) : () -> ()
    %dma_wait3A_81 = arith.constant 77 : i32
    %dma_wait3A_82 = arith.constant 1 : i32
    %dma_wait3A_83 = arith.constant 0 : i32
    %dma_wait3A_84 = arith.constant 0 : i32
    %dma_wait3A_85 = tpu.memref_slice %arg8[%dma_wait3A_82, %dma_wait3A_83, %dma_wait3A_84] : memref<4x128x128xbf16, #tpu.memory_space<vmem>> -> memref<1x128x128xbf16, #tpu.memory_space<vmem>>
    %dma_wait3A_86 = tpu.memref_squeeze %dma_wait3A_85 : memref<1x128x128xbf16, #tpu.memory_space<vmem>> -> memref<128x128xbf16, #tpu.memory_space<vmem>>
    %dma_wait3A_87 = arith.constant 0 : i32
    %dma_wait3A_88 = tpu.memref_slice %arg6[%dma_wait3A_81, %dma_wait3A_87] : memref<80x128xi32, #tpu.memory_space<vmem>> -> memref<1x128xi32, #tpu.memory_space<vmem>>
    %dma_wait3A_89 = tpu.memref_squeeze %dma_wait3A_88 : memref<1x128xi32, #tpu.memory_space<vmem>> -> memref<128xi32, #tpu.memory_space<vmem>>
    %dma_wait3A_90 = arith.constant 0 : i32
    %dma_wait3A_91 = arith.constant 0 : i32
    %dma_wait3A_92 = tpu.memref_slice %arg2[%dma_wait3A_90, %dma_wait3A_91] : memref<10000x128xbf16, #tpu.memory_space<hbm>> -> memref<10000x128xbf16, #tpu.memory_space<hbm>>
    tpu.wait_indirect_dma semaphore(%arg11 : memref<!tpu.dma_semaphore, #tpu.memory_space<semaphore_mem>>) src(%dma_wait3A_92 : memref<10000x128xbf16, #tpu.memory_space<hbm>>) dst(%dma_wait3A_86 : memref<128x128xbf16, #tpu.memory_space<vmem>>)
    %run_scoped3A_93 = arith.constant 1 : i32
    %run_scoped3A_94 = arith.constant 77 : i32
    "tpu.region"() ({
      %run_scoped3A_124 = tpu.sem_alloc : memref<!tpu.dma_semaphore, #tpu.memory_space<semaphore_mem>>
      %dma_start3A_125 = arith.constant 0 : i32
      %dma_start3A_126 = arith.constant 0 : i32
      %dma_start3A_127 = tpu.memref_slice %arg8[%run_scoped3A_93, %dma_start3A_125, %dma_start3A_126] : memref<4x128x128xbf16, #tpu.memory_space<vmem>> -> memref<1x128x128xbf16, #tpu.memory_space<vmem>>
      %dma_start3A_128 = tpu.memref_squeeze %dma_start3A_127 : memref<1x128x128xbf16, #tpu.memory_space<vmem>> -> memref<128x128xbf16, #tpu.memory_space<vmem>>
      %dma_start3A_129 = arith.constant 0 : i32
      %dma_start3A_130 = tpu.memref_slice %arg7[%run_scoped3A_94, %dma_start3A_129] : memref<80x128xi32, #tpu.memory_space<vmem>> -> memref<1x128xi32, #tpu.memory_space<vmem>>
      %dma_start3A_131 = tpu.memref_squeeze %dma_start3A_130 : memref<1x128xi32, #tpu.memory_space<vmem>> -> memref<128xi32, #tpu.memory_space<vmem>>
      %dma_start3A_132 = arith.constant 0 : i32
      %dma_start3A_133 = arith.constant 0 : i32
      %dma_start3A_134 = tpu.memref_slice %arg10[%dma_start3A_132, %dma_start3A_133] : memref<10240x128xbf16, #tpu.memory_space<vmem_shared>> -> memref<10240x128xbf16, #tpu.memory_space<vmem_shared>>
      tpu.enqueue_indirect_dma source(%dma_start3A_128 : memref<128x128xbf16, #tpu.memory_space<vmem>>) target(%dma_start3A_134 : memref<10240x128xbf16, #tpu.memory_space<vmem_shared>>) offsets(%dma_start3A_131 : memref<128xi32, #tpu.memory_space<vmem>>) semaphore(%run_scoped3A_124 : memref<!tpu.dma_semaphore, #tpu.memory_space<semaphore_mem>>) {add = true}
      %dma_wait3A_135 = arith.constant 0 : i32
      %dma_wait3A_136 = arith.constant 0 : i32
      %dma_wait3A_137 = tpu.memref_slice %arg8[%run_scoped3A_93, %dma_wait3A_135, %dma_wait3A_136] : memref<4x128x128xbf16, #tpu.memory_space<vmem>> -> memref<1x128x128xbf16, #tpu.memory_space<vmem>>
      %dma_wait3A_138 = tpu.memref_squeeze %dma_wait3A_137 : memref<1x128x128xbf16, #tpu.memory_space<vmem>> -> memref<128x128xbf16, #tpu.memory_space<vmem>>
      %dma_wait3A_139 = arith.constant 0 : i32
      %dma_wait3A_140 = tpu.memref_slice %arg7[%run_scoped3A_94, %dma_wait3A_139] : memref<80x128xi32, #tpu.memory_space<vmem>> -> memref<1x128xi32, #tpu.memory_space<vmem>>
      %dma_wait3A_141 = tpu.memref_squeeze %dma_wait3A_140 : memref<1x128xi32, #tpu.memory_space<vmem>> -> memref<128xi32, #tpu.memory_space<vmem>>
      %dma_wait3A_142 = arith.constant 0 : i32
      %dma_wait3A_143 = arith.constant 0 : i32
      %dma_wait3A_144 = tpu.memref_slice %arg10[%dma_wait3A_142, %dma_wait3A_143] : memref<10240x128xbf16, #tpu.memory_space<vmem_shared>> -> memref<10240x128xbf16, #tpu.memory_space<vmem_shared>>
      tpu.wait_indirect_dma semaphore(%run_scoped3A_124 : memref<!tpu.dma_semaphore, #tpu.memory_space<semaphore_mem>>) src(%dma_wait3A_138 : memref<128x128xbf16, #tpu.memory_space<vmem>>) dst(%dma_wait3A_144 : memref<10240x128xbf16, #tpu.memory_space<vmem_shared>>)
      tpu.yield
    }) : () -> ()
    %dma_wait3A_95 = arith.constant 78 : i32
    %dma_wait3A_96 = arith.constant 2 : i32
    %dma_wait3A_97 = arith.constant 0 : i32
    %dma_wait3A_98 = arith.constant 0 : i32
    %dma_wait3A_99 = tpu.memref_slice %arg8[%dma_wait3A_96, %dma_wait3A_97, %dma_wait3A_98] : memref<4x128x128xbf16, #tpu.memory_space<vmem>> -> memref<1x128x128xbf16, #tpu.memory_space<vmem>>
    %dma_wait3A_100 = tpu.memref_squeeze %dma_wait3A_99 : memref<1x128x128xbf16, #tpu.memory_space<vmem>> -> memref<128x128xbf16, #tpu.memory_space<vmem>>
    %dma_wait3A_101 = arith.constant 0 : i32
    %dma_wait3A_102 = tpu.memref_slice %arg6[%dma_wait3A_95, %dma_wait3A_101] : memref<80x128xi32, #tpu.memory_space<vmem>> -> memref<1x128xi32, #tpu.memory_space<vmem>>
    %dma_wait3A_103 = tpu.memref_squeeze %dma_wait3A_102 : memref<1x128xi32, #tpu.memory_space<vmem>> -> memref<128xi32, #tpu.memory_space<vmem>>
    %dma_wait3A_104 = arith.constant 0 : i32
    %dma_wait3A_105 = arith.constant 0 : i32
    %dma_wait3A_106 = tpu.memref_slice %arg2[%dma_wait3A_104, %dma_wait3A_105] : memref<10000x128xbf16, #tpu.memory_space<hbm>> -> memref<10000x128xbf16, #tpu.memory_space<hbm>>
    tpu.wait_indirect_dma semaphore(%arg11 : memref<!tpu.dma_semaphore, #tpu.memory_space<semaphore_mem>>) src(%dma_wait3A_106 : memref<10000x128xbf16, #tpu.memory_space<hbm>>) dst(%dma_wait3A_100 : memref<128x128xbf16, #tpu.memory_space<vmem>>)
    %run_scoped3A_107 = arith.constant 2 : i32
    %run_scoped3A_108 = arith.constant 78 : i32
    "tpu.region"() ({
      %run_scoped3A_124 = tpu.sem_alloc : memref<!tpu.dma_semaphore, #tpu.memory_space<semaphore_mem>>
      %dma_start3A_125 = arith.constant 0 : i32
      %dma_start3A_126 = arith.constant 0 : i32
      %dma_start3A_127 = tpu.memref_slice %arg8[%run_scoped3A_107, %dma_start3A_125, %dma_start3A_126] : memref<4x128x128xbf16, #tpu.memory_space<vmem>> -> memref<1x128x128xbf16, #tpu.memory_space<vmem>>
      %dma_start3A_128 = tpu.memref_squeeze %dma_start3A_127 : memref<1x128x128xbf16, #tpu.memory_space<vmem>> -> memref<128x128xbf16, #tpu.memory_space<vmem>>
      %dma_start3A_129 = arith.constant 0 : i32
      %dma_start3A_130 = tpu.memref_slice %arg7[%run_scoped3A_108, %dma_start3A_129] : memref<80x128xi32, #tpu.memory_space<vmem>> -> memref<1x128xi32, #tpu.memory_space<vmem>>
      %dma_start3A_131 = tpu.memref_squeeze %dma_start3A_130 : memref<1x128xi32, #tpu.memory_space<vmem>> -> memref<128xi32, #tpu.memory_space<vmem>>
      %dma_start3A_132 = arith.constant 0 : i32
      %dma_start3A_133 = arith.constant 0 : i32
      %dma_start3A_134 = tpu.memref_slice %arg10[%dma_start3A_132, %dma_start3A_133] : memref<10240x128xbf16, #tpu.memory_space<vmem_shared>> -> memref<10240x128xbf16, #tpu.memory_space<vmem_shared>>
      tpu.enqueue_indirect_dma source(%dma_start3A_128 : memref<128x128xbf16, #tpu.memory_space<vmem>>) target(%dma_start3A_134 : memref<10240x128xbf16, #tpu.memory_space<vmem_shared>>) offsets(%dma_start3A_131 : memref<128xi32, #tpu.memory_space<vmem>>) semaphore(%run_scoped3A_124 : memref<!tpu.dma_semaphore, #tpu.memory_space<semaphore_mem>>) {add = true}
      %dma_wait3A_135 = arith.constant 0 : i32
      %dma_wait3A_136 = arith.constant 0 : i32
      %dma_wait3A_137 = tpu.memref_slice %arg8[%run_scoped3A_107, %dma_wait3A_135, %dma_wait3A_136] : memref<4x128x128xbf16, #tpu.memory_space<vmem>> -> memref<1x128x128xbf16, #tpu.memory_space<vmem>>
      %dma_wait3A_138 = tpu.memref_squeeze %dma_wait3A_137 : memref<1x128x128xbf16, #tpu.memory_space<vmem>> -> memref<128x128xbf16, #tpu.memory_space<vmem>>
      %dma_wait3A_139 = arith.constant 0 : i32
      %dma_wait3A_140 = tpu.memref_slice %arg7[%run_scoped3A_108, %dma_wait3A_139] : memref<80x128xi32, #tpu.memory_space<vmem>> -> memref<1x128xi32, #tpu.memory_space<vmem>>
      %dma_wait3A_141 = tpu.memref_squeeze %dma_wait3A_140 : memref<1x128xi32, #tpu.memory_space<vmem>> -> memref<128xi32, #tpu.memory_space<vmem>>
      %dma_wait3A_142 = arith.constant 0 : i32
      %dma_wait3A_143 = arith.constant 0 : i32
      %dma_wait3A_144 = tpu.memref_slice %arg10[%dma_wait3A_142, %dma_wait3A_143] : memref<10240x128xbf16, #tpu.memory_space<vmem_shared>> -> memref<10240x128xbf16, #tpu.memory_space<vmem_shared>>
      tpu.wait_indirect_dma semaphore(%run_scoped3A_124 : memref<!tpu.dma_semaphore, #tpu.memory_space<semaphore_mem>>) src(%dma_wait3A_138 : memref<128x128xbf16, #tpu.memory_space<vmem>>) dst(%dma_wait3A_144 : memref<10240x128xbf16, #tpu.memory_space<vmem_shared>>)
      tpu.yield
    }) : () -> ()
    %dma_wait3A_109 = arith.constant 79 : i32
    %dma_wait3A_110 = arith.constant 3 : i32
    %dma_wait3A_111 = arith.constant 0 : i32
    %dma_wait3A_112 = arith.constant 0 : i32
    %dma_wait3A_113 = tpu.memref_slice %arg8[%dma_wait3A_110, %dma_wait3A_111, %dma_wait3A_112] : memref<4x128x128xbf16, #tpu.memory_space<vmem>> -> memref<1x128x128xbf16, #tpu.memory_space<vmem>>
    %dma_wait3A_114 = tpu.memref_squeeze %dma_wait3A_113 : memref<1x128x128xbf16, #tpu.memory_space<vmem>> -> memref<128x128xbf16, #tpu.memory_space<vmem>>
    %dma_wait3A_115 = arith.constant 0 : i32
    %dma_wait3A_116 = tpu.memref_slice %arg6[%dma_wait3A_109, %dma_wait3A_115] : memref<80x128xi32, #tpu.memory_space<vmem>> -> memref<1x128xi32, #tpu.memory_space<vmem>>
    %dma_wait3A_117 = tpu.memref_squeeze %dma_wait3A_116 : memref<1x128xi32, #tpu.memory_space<vmem>> -> memref<128xi32, #tpu.memory_space<vmem>>
    %dma_wait3A_118 = arith.constant 0 : i32
    %dma_wait3A_119 = arith.constant 0 : i32
    %dma_wait3A_120 = tpu.memref_slice %arg2[%dma_wait3A_118, %dma_wait3A_119] : memref<10000x128xbf16, #tpu.memory_space<hbm>> -> memref<10000x128xbf16, #tpu.memory_space<hbm>>
    tpu.wait_indirect_dma semaphore(%arg11 : memref<!tpu.dma_semaphore, #tpu.memory_space<semaphore_mem>>) src(%dma_wait3A_120 : memref<10000x128xbf16, #tpu.memory_space<hbm>>) dst(%dma_wait3A_114 : memref<128x128xbf16, #tpu.memory_space<vmem>>)
    %run_scoped3A_121 = arith.constant 3 : i32
    %run_scoped3A_122 = arith.constant 79 : i32
    "tpu.region"() ({
      %run_scoped3A_124 = tpu.sem_alloc : memref<!tpu.dma_semaphore, #tpu.memory_space<semaphore_mem>>
      %dma_start3A_125 = arith.constant 0 : i32
      %dma_start3A_126 = arith.constant 0 : i32
      %dma_start3A_127 = tpu.memref_slice %arg8[%run_scoped3A_121, %dma_start3A_125, %dma_start3A_126] : memref<4x128x128xbf16, #tpu.memory_space<vmem>> -> memref<1x128x128xbf16, #tpu.memory_space<vmem>>
      %dma_start3A_128 = tpu.memref_squeeze %dma_start3A_127 : memref<1x128x128xbf16, #tpu.memory_space<vmem>> -> memref<128x128xbf16, #tpu.memory_space<vmem>>
      %dma_start3A_129 = arith.constant 0 : i32
      %dma_start3A_130 = tpu.memref_slice %arg7[%run_scoped3A_122, %dma_start3A_129] : memref<80x128xi32, #tpu.memory_space<vmem>> -> memref<1x128xi32, #tpu.memory_space<vmem>>
      %dma_start3A_131 = tpu.memref_squeeze %dma_start3A_130 : memref<1x128xi32, #tpu.memory_space<vmem>> -> memref<128xi32, #tpu.memory_space<vmem>>
      %dma_start3A_132 = arith.constant 0 : i32
      %dma_start3A_133 = arith.constant 0 : i32
      %dma_start3A_134 = tpu.memref_slice %arg10[%dma_start3A_132, %dma_start3A_133] : memref<10240x128xbf16, #tpu.memory_space<vmem_shared>> -> memref<10240x128xbf16, #tpu.memory_space<vmem_shared>>
      tpu.enqueue_indirect_dma source(%dma_start3A_128 : memref<128x128xbf16, #tpu.memory_space<vmem>>) target(%dma_start3A_134 : memref<10240x128xbf16, #tpu.memory_space<vmem_shared>>) offsets(%dma_start3A_131 : memref<128xi32, #tpu.memory_space<vmem>>) semaphore(%run_scoped3A_124 : memref<!tpu.dma_semaphore, #tpu.memory_space<semaphore_mem>>) {add = true}
      %dma_wait3A_135 = arith.constant 0 : i32
      %dma_wait3A_136 = arith.constant 0 : i32
      %dma_wait3A_137 = tpu.memref_slice %arg8[%run_scoped3A_121, %dma_wait3A_135, %dma_wait3A_136] : memref<4x128x128xbf16, #tpu.memory_space<vmem>> -> memref<1x128x128xbf16, #tpu.memory_space<vmem>>
      %dma_wait3A_138 = tpu.memref_squeeze %dma_wait3A_137 : memref<1x128x128xbf16, #tpu.memory_space<vmem>> -> memref<128x128xbf16, #tpu.memory_space<vmem>>
      %dma_wait3A_139 = arith.constant 0 : i32
      %dma_wait3A_140 = tpu.memref_slice %arg7[%run_scoped3A_122, %dma_wait3A_139] : memref<80x128xi32, #tpu.memory_space<vmem>> -> memref<1x128xi32, #tpu.memory_space<vmem>>
      %dma_wait3A_141 = tpu.memref_squeeze %dma_wait3A_140 : memref<1x128xi32, #tpu.memory_space<vmem>> -> memref<128xi32, #tpu.memory_space<vmem>>
      %dma_wait3A_142 = arith.constant 0 : i32
      %dma_wait3A_143 = arith.constant 0 : i32
      %dma_wait3A_144 = tpu.memref_slice %arg10[%dma_wait3A_142, %dma_wait3A_143] : memref<10240x128xbf16, #tpu.memory_space<vmem_shared>> -> memref<10240x128xbf16, #tpu.memory_space<vmem_shared>>
      tpu.wait_indirect_dma semaphore(%run_scoped3A_124 : memref<!tpu.dma_semaphore, #tpu.memory_space<semaphore_mem>>) src(%dma_wait3A_138 : memref<128x128xbf16, #tpu.memory_space<vmem>>) dst(%dma_wait3A_144 : memref<10240x128xbf16, #tpu.memory_space<vmem_shared>>)
      tpu.yield
    }) : () -> ()
    %barrier3A_123 = arith.constant 0 : index
    tpu.barrier barrier_id(%barrier3A_123)
    "tpu.region"() ({
      %run_scoped3A_124 = tpu.sem_alloc : memref<!tpu.dma_semaphore, #tpu.memory_space<semaphore_mem>>
      %dma_start3A_125 = arith.constant 0 : i32
      %dma_start3A_126 = tpu.memref_slice %arg5[%arg0, %mul3A_0, %dma_start3A_125] : memref<2x10240x128xbf16, #tpu.memory_space<hbm>> -> memref<1x640x128xbf16, #tpu.memory_space<hbm>>
      %dma_start3A_127 = tpu.memref_squeeze %dma_start3A_126 : memref<1x640x128xbf16, #tpu.memory_space<hbm>> -> memref<640x128xbf16, #tpu.memory_space<hbm>>
      %dma_start3A_128 = arith.constant 0 : i32
      %dma_start3A_129 = tpu.memref_slice %arg10[%mul3A_0, %dma_start3A_128] : memref<10240x128xbf16, #tpu.memory_space<vmem_shared>> -> memref<640x128xbf16, #tpu.memory_space<vmem_shared>>
      tpu.enqueue_dma source(%dma_start3A_129 : memref<640x128xbf16, #tpu.memory_space<vmem_shared>>) target(%dma_start3A_127 : memref<640x128xbf16, #tpu.memory_space<hbm>>) target_semaphore(%run_scoped3A_124 : memref<!tpu.dma_semaphore, #tpu.memory_space<semaphore_mem>>)
      %dma_wait3A_130 = arith.constant 0 : i32
      %dma_wait3A_131 = tpu.memref_slice %arg5[%arg0, %mul3A_0, %dma_wait3A_130] : memref<2x10240x128xbf16, #tpu.memory_space<hbm>> -> memref<1x640x128xbf16, #tpu.memory_space<hbm>>
      %dma_wait3A_132 = tpu.memref_squeeze %dma_wait3A_131 : memref<1x640x128xbf16, #tpu.memory_space<hbm>> -> memref<640x128xbf16, #tpu.memory_space<hbm>>
      %dma_wait3A_133 = arith.constant 0 : i32
      %dma_wait3A_134 = tpu.memref_slice %arg10[%mul3A_0, %dma_wait3A_133] : memref<10240x128xbf16, #tpu.memory_space<vmem_shared>> -> memref<640x128xbf16, #tpu.memory_space<vmem_shared>>
      tpu.wait_dma2 semaphore(%run_scoped3A_124 : memref<!tpu.dma_semaphore, #tpu.memory_space<semaphore_mem>>) src(%dma_wait3A_134 : memref<640x128xbf16, #tpu.memory_space<vmem_shared>>) dst(%dma_wait3A_132 : memref<640x128xbf16, #tpu.memory_space<hbm>>)
      tpu.yield
    }) : () -> ()
    return
  }
}

#map = affine_map<(d0, d1) -> (0, 0)>
#map1 = affine_map<(d0, d1) -> (0, 0, 0, 0)>
#map2 = affine_map<(d0, d1) -> (0, 0, 0)>
module attributes {stable_mosaic.version = 14 : i64} {
  func.func @_agg_body(%arg0: i32, %arg1: i32, %arg2: memref<10000x128xbf16, #tpu.memory_space<hbm>>, %arg3: memref<2x16x80x128xi32, #tpu.memory_space<hbm>>, %arg4: memref<2x16x80x128xi32, #tpu.memory_space<hbm>>, %arg5: memref<2x10240x128xbf16, #tpu.memory_space<hbm>>, %arg6: memref<80x128xi32, #tpu.memory_space<vmem>>, %arg7: memref<80x128xi32, #tpu.memory_space<vmem>>, %arg8: memref<4x128x128xbf16, #tpu.memory_space<vmem>>, %arg9: memref<128x128xbf16, #tpu.memory_space<vmem>>, %arg10: memref<10240x128xbf16, #tpu.memory_space<vmem_shared>>, %arg11: memref<!tpu.dma_semaphore, #tpu.memory_space<semaphore_mem>>) attributes {dimension_semantics = [#tpu.dimension_semantics<core_parallel>, #tpu.dimension_semantics<subcore_parallel>], iteration_bounds = array<i64: 2, 16>, scalar_prefetch = 0 : i64, scratch_operands = 6 : i64, tpu.core_type = #tpu.core_type<sc_vector_subcore>, window_params = [{transform_indices = #map}, {transform_indices = #map1}, {transform_indices = #map1}, {transform_indices = #map2}]} {
    %mul3A = arith.constant 640 : i32
    %mul3A_0 = arith.muli %arg1, %mul3A : i32
    "tpu.region"() ({
      %run_scoped3A_124 = tpu.sem_alloc : memref<!tpu.dma_semaphore, #tpu.memory_space<semaphore_mem>>
      %dma_start3A_125 = arith.constant 0 : i32
      %dma_start3A_126 = arith.constant 0 : i32
      %dma_start3A_127 = tpu.memref_slice %arg3[%arg0, %arg1, %dma_start3A_125, %dma_start3A_126] : memref<2x16x80x128xi32, #tpu.memory_space<hbm>> -> memref<1x1x80x128xi32, #tpu.memory_space<hbm>>
      %dma_start3A_128 = tpu.memref_squeeze %dma_start3A_127 : memref<1x1x80x128xi32, #tpu.memory_space<hbm>> -> memref<80x128xi32, #tpu.memory_space<hbm>>
      %dma_start3A_129 = arith.constant 0 : i32
      %dma_start3A_130 = arith.constant 0 : i32
      %dma_start3A_131 = tpu.memref_slice %arg3[%arg0, %arg1, %dma_start3A_129, %dma_start3A_130] : memref<2x16x80x128xi32, #tpu.memory_space<hbm>> -> memref<1x1x80x128xi32, #tpu.memory_space<hbm>>
      %dma_start3A_132 = tpu.memref_squeeze %dma_start3A_131 : memref<1x1x80x128xi32, #tpu.memory_space<hbm>> -> memref<80x128xi32, #tpu.memory_space<hbm>>
      tpu.enqueue_dma source(%dma_start3A_132 : memref<80x128xi32, #tpu.memory_space<hbm>>) target(%arg6 : memref<80x128xi32, #tpu.memory_space<vmem>>) target_semaphore(%run_scoped3A_124 : memref<!tpu.dma_semaphore, #tpu.memory_space<semaphore_mem>>)
      %dma_wait3A_133 = arith.constant 0 : i32
      %dma_wait3A_134 = arith.constant 0 : i32
      %dma_wait3A_135 = tpu.memref_slice %arg3[%arg0, %arg1, %dma_wait3A_133, %dma_wait3A_134] : memref<2x16x80x128xi32, #tpu.memory_space<hbm>> -> memref<1x1x80x128xi32, #tpu.memory_space<hbm>>
      %dma_wait3A_136 = tpu.memref_squeeze %dma_wait3A_135 : memref<1x1x80x128xi32, #tpu.memory_space<hbm>> -> memref<80x128xi32, #tpu.memory_space<hbm>>
      %dma_wait3A_137 = arith.constant 0 : i32
      %dma_wait3A_138 = arith.constant 0 : i32
      %dma_wait3A_139 = tpu.memref_slice %arg3[%arg0, %arg1, %dma_wait3A_137, %dma_wait3A_138] : memref<2x16x80x128xi32, #tpu.memory_space<hbm>> -> memref<1x1x80x128xi32, #tpu.memory_space<hbm>>
      %dma_wait3A_140 = tpu.memref_squeeze %dma_wait3A_139 : memref<1x1x80x128xi32, #tpu.memory_space<hbm>> -> memref<80x128xi32, #tpu.memory_space<hbm>>
      tpu.wait_dma2 semaphore(%run_scoped3A_124 : memref<!tpu.dma_semaphore, #tpu.memory_space<semaphore_mem>>) src(%dma_wait3A_140 : memref<80x128xi32, #tpu.memory_space<hbm>>) dst(%arg6 : memref<80x128xi32, #tpu.memory_space<vmem>>)
      tpu.yield
    }) : () -> ()
    "tpu.region"() ({
      %run_scoped3A_124 = tpu.sem_alloc : memref<!tpu.dma_semaphore, #tpu.memory_space<semaphore_mem>>
      %dma_start3A_125 = arith.constant 0 : i32
      %dma_start3A_126 = arith.constant 0 : i32
      %dma_start3A_127 = tpu.memref_slice %arg4[%arg0, %arg1, %dma_start3A_125, %dma_start3A_126] : memref<2x16x80x128xi32, #tpu.memory_space<hbm>> -> memref<1x1x80x128xi32, #tpu.memory_space<hbm>>
      %dma_start3A_128 = tpu.memref_squeeze %dma_start3A_127 : memref<1x1x80x128xi32, #tpu.memory_space<hbm>> -> memref<80x128xi32, #tpu.memory_space<hbm>>
      %dma_start3A_129 = arith.constant 0 : i32
      %dma_start3A_130 = arith.constant 0 : i32
      %dma_start3A_131 = tpu.memref_slice %arg4[%arg0, %arg1, %dma_start3A_129, %dma_start3A_130] : memref<2x16x80x128xi32, #tpu.memory_space<hbm>> -> memref<1x1x80x128xi32, #tpu.memory_space<hbm>>
      %dma_start3A_132 = tpu.memref_squeeze %dma_start3A_131 : memref<1x1x80x128xi32, #tpu.memory_space<hbm>> -> memref<80x128xi32, #tpu.memory_space<hbm>>
      tpu.enqueue_dma source(%dma_start3A_132 : memref<80x128xi32, #tpu.memory_space<hbm>>) target(%arg7 : memref<80x128xi32, #tpu.memory_space<vmem>>) target_semaphore(%run_scoped3A_124 : memref<!tpu.dma_semaphore, #tpu.memory_space<semaphore_mem>>)
      %dma_wait3A_133 = arith.constant 0 : i32
      %dma_wait3A_134 = arith.constant 0 : i32
      %dma_wait3A_135 = tpu.memref_slice %arg4[%arg0, %arg1, %dma_wait3A_133, %dma_wait3A_134] : memref<2x16x80x128xi32, #tpu.memory_space<hbm>> -> memref<1x1x80x128xi32, #tpu.memory_space<hbm>>
      %dma_wait3A_136 = tpu.memref_squeeze %dma_wait3A_135 : memref<1x1x80x128xi32, #tpu.memory_space<hbm>> -> memref<80x128xi32, #tpu.memory_space<hbm>>
      %dma_wait3A_137 = arith.constant 0 : i32
      %dma_wait3A_138 = arith.constant 0 : i32
      %dma_wait3A_139 = tpu.memref_slice %arg4[%arg0, %arg1, %dma_wait3A_137, %dma_wait3A_138] : memref<2x16x80x128xi32, #tpu.memory_space<hbm>> -> memref<1x1x80x128xi32, #tpu.memory_space<hbm>>
      %dma_wait3A_140 = tpu.memref_squeeze %dma_wait3A_139 : memref<1x1x80x128xi32, #tpu.memory_space<hbm>> -> memref<80x128xi32, #tpu.memory_space<hbm>>
      tpu.wait_dma2 semaphore(%run_scoped3A_124 : memref<!tpu.dma_semaphore, #tpu.memory_space<semaphore_mem>>) src(%dma_wait3A_140 : memref<80x128xi32, #tpu.memory_space<hbm>>) dst(%arg7 : memref<80x128xi32, #tpu.memory_space<vmem>>)
      tpu.yield
    }) : () -> ()
    %broadcast_in_dim3A = arith.constant 0.000000e+00 : bf16
    %broadcast_in_dim3A_1 = vector.broadcast %broadcast_in_dim3A : bf16 to vector<32xbf16>
    %scan3A = arith.constant 0 : i32
    %scan3A_2 = arith.constant 0 : i32
    %scan3A_3 = arith.constant 128 : i32
    %scan3A_4 = arith.addi %scan3A_2, %scan3A_3 : i32
    %scan3A_5 = arith.constant 1 : i32
    scf.for %scan3A_124 = %scan3A_2 to %scan3A_4 step %scan3A_5  : i32 {
      %swap3A = arith.index_cast %scan3A_124 : i32 to index
      %swap3A_125 = arith.constant 0 : index
      %swap3A_126 = tpu.vector_load %arg9[%swap3A, %swap3A_125] {strides = array<i32>} : memref<128x128xbf16, #tpu.memory_space<vmem>>, vector<1x32xbf16>,
      %swap3A_127 = vector.shape_cast %swap3A_126 : vector<1x32xbf16> to vector<32xbf16>
      %swap3A_128 = vector.shape_cast %broadcast_in_dim3A_1 : vector<32xbf16> to vector<1x32xbf16>
      tpu.vector_store %arg9[%swap3A, %swap3A_125], %swap3A_128 {strides = array<i32>} : memref<128x128xbf16, #tpu.memory_space<vmem>>, vector<1x32xbf16>,
      %swap3A_129 = arith.index_cast %scan3A_124 : i32 to index
      %swap3A_130 = arith.constant 32 : index
      %swap3A_131 = tpu.vector_load %arg9[%swap3A_129, %swap3A_130] {strides = array<i32>} : memref<128x128xbf16, #tpu.memory_space<vmem>>, vector<1x32xbf16>,
      %swap3A_132 = vector.shape_cast %swap3A_131 : vector<1x32xbf16> to vector<32xbf16>
      %swap3A_133 = vector.shape_cast %broadcast_in_dim3A_1 : vector<32xbf16> to vector<1x32xbf16>
      tpu.vector_store %arg9[%swap3A_129, %swap3A_130], %swap3A_133 {strides = array<i32>} : memref<128x128xbf16, #tpu.memory_space<vmem>>, vector<1x32xbf16>,
      %swap3A_134 = arith.index_cast %scan3A_124 : i32 to index
      %swap3A_135 = arith.constant 64 : index
      %swap3A_136 = tpu.vector_load %arg9[%swap3A_134, %swap3A_135] {strides = array<i32>} : memref<128x128xbf16, #tpu.memory_space<vmem>>, vector<1x32xbf16>,
      %swap3A_137 = vector.shape_cast %swap3A_136 : vector<1x32xbf16> to vector<32xbf16>
      %swap3A_138 = vector.shape_cast %broadcast_in_dim3A_1 : vector<32xbf16> to vector<1x32xbf16>
      tpu.vector_store %arg9[%swap3A_134, %swap3A_135], %swap3A_138 {strides = array<i32>} : memref<128x128xbf16, #tpu.memory_space<vmem>>, vector<1x32xbf16>,
      %swap3A_139 = arith.index_cast %scan3A_124 : i32 to index
      %swap3A_140 = arith.constant 96 : index
      %swap3A_141 = tpu.vector_load %arg9[%swap3A_139, %swap3A_140] {strides = array<i32>} : memref<128x128xbf16, #tpu.memory_space<vmem>>, vector<1x32xbf16>,
      %swap3A_142 = vector.shape_cast %swap3A_141 : vector<1x32xbf16> to vector<32xbf16>
      %swap3A_143 = vector.shape_cast %broadcast_in_dim3A_1 : vector<32xbf16> to vector<1x32xbf16>
      tpu.vector_store %arg9[%swap3A_139, %swap3A_140], %swap3A_143 {strides = array<i32>} : memref<128x128xbf16, #tpu.memory_space<vmem>>, vector<1x32xbf16>,
    }
    %scan3A_6 = arith.constant 128 : i32
    %add3A = arith.constant 0 : i32
    %add3A_7 = arith.addi %mul3A_0, %add3A : i32
    "tpu.region"() ({
      %run_scoped3A_124 = tpu.sem_alloc : memref<!tpu.dma_semaphore, #tpu.memory_space<semaphore_mem>>
      %dma_start3A_125 = arith.constant 0 : i32
      %dma_start3A_126 = tpu.memref_slice %arg10[%add3A_7, %dma_start3A_125] : memref<10240x128xbf16, #tpu.memory_space<vmem_shared>> -> memref<128x128xbf16, #tpu.memory_space<vmem_shared>>
      %dma_start3A_127 = arith.constant 0 : i32
      %dma_start3A_128 = tpu.memref_slice %arg10[%add3A_7, %dma_start3A_127] : memref<10240x128xbf16, #tpu.memory_space<vmem_shared>> -> memref<128x128xbf16, #tpu.memory_space<vmem_shared>>
      tpu.enqueue_dma source(%arg9 : memref<128x128xbf16, #tpu.memory_space<vmem>>) target(%dma_start3A_128 : memref<128x128xbf16, #tpu.memory_space<vmem_shared>>) target_semaphore(%run_scoped3A_124 : memref<!tpu.dma_semaphore, #tpu.memory_space<semaphore_mem>>)
      %dma_wait3A_129 = arith.constant 0 : i32
      %dma_wait3A_130 = tpu.memref_slice %arg10[%add3A_7, %dma_wait3A_129] : memref<10240x128xbf16, #tpu.memory_space<vmem_shared>> -> memref<128x128xbf16, #tpu.memory_space<vmem_shared>>
      %dma_wait3A_131 = arith.constant 0 : i32
      %dma_wait3A_132 = tpu.memref_slice %arg10[%add3A_7, %dma_wait3A_131] : memref<10240x128xbf16, #tpu.memory_space<vmem_shared>> -> memref<128x128xbf16, #tpu.memory_space<vmem_shared>>
      tpu.wait_dma2 semaphore(%run_scoped3A_124 : memref<!tpu.dma_semaphore, #tpu.memory_space<semaphore_mem>>) src(%arg9 : memref<128x128xbf16, #tpu.memory_space<vmem>>) dst(%dma_wait3A_132 : memref<128x128xbf16, #tpu.memory_space<vmem_shared>>)
      tpu.yield
    }) : () -> ()
    %add3A_8 = arith.constant 128 : i32
    %add3A_9 = arith.addi %mul3A_0, %add3A_8 : i32
    "tpu.region"() ({
      %run_scoped3A_124 = tpu.sem_alloc : memref<!tpu.dma_semaphore, #tpu.memory_space<semaphore_mem>>
      %dma_start3A_125 = arith.constant 0 : i32
      %dma_start3A_126 = tpu.memref_slice %arg10[%add3A_9, %dma_start3A_125] : memref<10240x128xbf16, #tpu.memory_space<vmem_shared>> -> memref<128x128xbf16, #tpu.memory_space<vmem_shared>>
      %dma_start3A_127 = arith.constant 0 : i32
      %dma_start3A_128 = tpu.memref_slice %arg10[%add3A_9, %dma_start3A_127] : memref<10240x128xbf16, #tpu.memory_space<vmem_shared>> -> memref<128x128xbf16, #tpu.memory_space<vmem_shared>>
      tpu.enqueue_dma source(%arg9 : memref<128x128xbf16, #tpu.memory_space<vmem>>) target(%dma_start3A_128 : memref<128x128xbf16, #tpu.memory_space<vmem_shared>>) target_semaphore(%run_scoped3A_124 : memref<!tpu.dma_semaphore, #tpu.memory_space<semaphore_mem>>)
      %dma_wait3A_129 = arith.constant 0 : i32
      %dma_wait3A_130 = tpu.memref_slice %arg10[%add3A_9, %dma_wait3A_129] : memref<10240x128xbf16, #tpu.memory_space<vmem_shared>> -> memref<128x128xbf16, #tpu.memory_space<vmem_shared>>
      %dma_wait3A_131 = arith.constant 0 : i32
      %dma_wait3A_132 = tpu.memref_slice %arg10[%add3A_9, %dma_wait3A_131] : memref<10240x128xbf16, #tpu.memory_space<vmem_shared>> -> memref<128x128xbf16, #tpu.memory_space<vmem_shared>>
      tpu.wait_dma2 semaphore(%run_scoped3A_124 : memref<!tpu.dma_semaphore, #tpu.memory_space<semaphore_mem>>) src(%arg9 : memref<128x128xbf16, #tpu.memory_space<vmem>>) dst(%dma_wait3A_132 : memref<128x128xbf16, #tpu.memory_space<vmem_shared>>)
      tpu.yield
    }) : () -> ()
    %add3A_10 = arith.constant 256 : i32
    %add3A_11 = arith.addi %mul3A_0, %add3A_10 : i32
    "tpu.region"() ({
      %run_scoped3A_124 = tpu.sem_alloc : memref<!tpu.dma_semaphore, #tpu.memory_space<semaphore_mem>>
      %dma_start3A_125 = arith.constant 0 : i32
      %dma_start3A_126 = tpu.memref_slice %arg10[%add3A_11, %dma_start3A_125] : memref<10240x128xbf16, #tpu.memory_space<vmem_shared>> -> memref<128x128xbf16, #tpu.memory_space<vmem_shared>>
      %dma_start3A_127 = arith.constant 0 : i32
      %dma_start3A_128 = tpu.memref_slice %arg10[%add3A_11, %dma_start3A_127] : memref<10240x128xbf16, #tpu.memory_space<vmem_shared>> -> memref<128x128xbf16, #tpu.memory_space<vmem_shared>>
      tpu.enqueue_dma source(%arg9 : memref<128x128xbf16, #tpu.memory_space<vmem>>) target(%dma_start3A_128 : memref<128x128xbf16, #tpu.memory_space<vmem_shared>>) target_semaphore(%run_scoped3A_124 : memref<!tpu.dma_semaphore, #tpu.memory_space<semaphore_mem>>)
      %dma_wait3A_129 = arith.constant 0 : i32
      %dma_wait3A_130 = tpu.memref_slice %arg10[%add3A_11, %dma_wait3A_129] : memref<10240x128xbf16, #tpu.memory_space<vmem_shared>> -> memref<128x128xbf16, #tpu.memory_space<vmem_shared>>
      %dma_wait3A_131 = arith.constant 0 : i32
      %dma_wait3A_132 = tpu.memref_slice %arg10[%add3A_11, %dma_wait3A_131] : memref<10240x128xbf16, #tpu.memory_space<vmem_shared>> -> memref<128x128xbf16, #tpu.memory_space<vmem_shared>>
      tpu.wait_dma2 semaphore(%run_scoped3A_124 : memref<!tpu.dma_semaphore, #tpu.memory_space<semaphore_mem>>) src(%arg9 : memref<128x128xbf16, #tpu.memory_space<vmem>>) dst(%dma_wait3A_132 : memref<128x128xbf16, #tpu.memory_space<vmem_shared>>)
      tpu.yield
    }) : () -> ()
    %add3A_12 = arith.constant 384 : i32
    %add3A_13 = arith.addi %mul3A_0, %add3A_12 : i32
    "tpu.region"() ({
      %run_scoped3A_124 = tpu.sem_alloc : memref<!tpu.dma_semaphore, #tpu.memory_space<semaphore_mem>>
      %dma_start3A_125 = arith.constant 0 : i32
      %dma_start3A_126 = tpu.memref_slice %arg10[%add3A_13, %dma_start3A_125] : memref<10240x128xbf16, #tpu.memory_space<vmem_shared>> -> memref<128x128xbf16, #tpu.memory_space<vmem_shared>>
      %dma_start3A_127 = arith.constant 0 : i32
      %dma_start3A_128 = tpu.memref_slice %arg10[%add3A_13, %dma_start3A_127] : memref<10240x128xbf16, #tpu.memory_space<vmem_shared>> -> memref<128x128xbf16, #tpu.memory_space<vmem_shared>>
      tpu.enqueue_dma source(%arg9 : memref<128x128xbf16, #tpu.memory_space<vmem>>) target(%dma_start3A_128 : memref<128x128xbf16, #tpu.memory_space<vmem_shared>>) target_semaphore(%run_scoped3A_124 : memref<!tpu.dma_semaphore, #tpu.memory_space<semaphore_mem>>)
      %dma_wait3A_129 = arith.constant 0 : i32
      %dma_wait3A_130 = tpu.memref_slice %arg10[%add3A_13, %dma_wait3A_129] : memref<10240x128xbf16, #tpu.memory_space<vmem_shared>> -> memref<128x128xbf16, #tpu.memory_space<vmem_shared>>
      %dma_wait3A_131 = arith.constant 0 : i32
      %dma_wait3A_132 = tpu.memref_slice %arg10[%add3A_13, %dma_wait3A_131] : memref<10240x128xbf16, #tpu.memory_space<vmem_shared>> -> memref<128x128xbf16, #tpu.memory_space<vmem_shared>>
      tpu.wait_dma2 semaphore(%run_scoped3A_124 : memref<!tpu.dma_semaphore, #tpu.memory_space<semaphore_mem>>) src(%arg9 : memref<128x128xbf16, #tpu.memory_space<vmem>>) dst(%dma_wait3A_132 : memref<128x128xbf16, #tpu.memory_space<vmem_shared>>)
      tpu.yield
    }) : () -> ()
    %add3A_14 = arith.constant 512 : i32
    %add3A_15 = arith.addi %mul3A_0, %add3A_14 : i32
    "tpu.region"() ({
      %run_scoped3A_124 = tpu.sem_alloc : memref<!tpu.dma_semaphore, #tpu.memory_space<semaphore_mem>>
      %dma_start3A_125 = arith.constant 0 : i32
      %dma_start3A_126 = tpu.memref_slice %arg10[%add3A_15, %dma_start3A_125] : memref<10240x128xbf16, #tpu.memory_space<vmem_shared>> -> memref<128x128xbf16, #tpu.memory_space<vmem_shared>>
      %dma_start3A_127 = arith.constant 0 : i32
      %dma_start3A_128 = tpu.memref_slice %arg10[%add3A_15, %dma_start3A_127] : memref<10240x128xbf16, #tpu.memory_space<vmem_shared>> -> memref<128x128xbf16, #tpu.memory_space<vmem_shared>>
      tpu.enqueue_dma source(%arg9 : memref<128x128xbf16, #tpu.memory_space<vmem>>) target(%dma_start3A_128 : memref<128x128xbf16, #tpu.memory_space<vmem_shared>>) target_semaphore(%run_scoped3A_124 : memref<!tpu.dma_semaphore, #tpu.memory_space<semaphore_mem>>)
      %dma_wait3A_129 = arith.constant 0 : i32
      %dma_wait3A_130 = tpu.memref_slice %arg10[%add3A_15, %dma_wait3A_129] : memref<10240x128xbf16, #tpu.memory_space<vmem_shared>> -> memref<128x128xbf16, #tpu.memory_space<vmem_shared>>
      %dma_wait3A_131 = arith.constant 0 : i32
      %dma_wait3A_132 = tpu.memref_slice %arg10[%add3A_15, %dma_wait3A_131] : memref<10240x128xbf16, #tpu.memory_space<vmem_shared>> -> memref<128x128xbf16, #tpu.memory_space<vmem_shared>>
      tpu.wait_dma2 semaphore(%run_scoped3A_124 : memref<!tpu.dma_semaphore, #tpu.memory_space<semaphore_mem>>) src(%arg9 : memref<128x128xbf16, #tpu.memory_space<vmem>>) dst(%dma_wait3A_132 : memref<128x128xbf16, #tpu.memory_space<vmem_shared>>)
      tpu.yield
    }) : () -> ()
    %barrier3A = arith.constant 0 : index
    tpu.barrier barrier_id(%barrier3A)
    %dma_start3A = arith.constant 0 : i32
    %dma_start3A_16 = arith.constant 0 : i32
    %dma_start3A_17 = arith.constant 0 : i32
    %dma_start3A_18 = arith.constant 0 : i32
    %dma_start3A_19 = tpu.memref_slice %arg8[%dma_start3A_16, %dma_start3A_17, %dma_start3A_18] : memref<4x128x128xbf16, #tpu.memory_space<vmem>> -> memref<1x128x128xbf16, #tpu.memory_space<vmem>>
    %dma_start3A_20 = tpu.memref_squeeze %dma_start3A_19 : memref<1x128x128xbf16, #tpu.memory_space<vmem>> -> memref<128x128xbf16, #tpu.memory_space<vmem>>
    %dma_start3A_21 = arith.constant 0 : i32
    %dma_start3A_22 = tpu.memref_slice %arg6[%dma_start3A, %dma_start3A_21] : memref<80x128xi32, #tpu.memory_space<vmem>> -> memref<1x128xi32, #tpu.memory_space<vmem>>
    %dma_start3A_23 = tpu.memref_squeeze %dma_start3A_22 : memref<1x128xi32, #tpu.memory_space<vmem>> -> memref<128xi32, #tpu.memory_space<vmem>>
    %dma_start3A_24 = arith.constant 0 : i32
    %dma_start3A_25 = arith.constant 0 : i32
    %dma_start3A_26 = tpu.memref_slice %arg2[%dma_start3A_24, %dma_start3A_25] : memref<10000x128xbf16, #tpu.memory_space<hbm>> -> memref<10000x128xbf16, #tpu.memory_space<hbm>>
    tpu.enqueue_indirect_dma source(%dma_start3A_26 : memref<10000x128xbf16, #tpu.memory_space<hbm>>) target(%dma_start3A_20 : memref<128x128xbf16, #tpu.memory_space<vmem>>) offsets(%dma_start3A_23 : memref<128xi32, #tpu.memory_space<vmem>>) semaphore(%arg11 : memref<!tpu.dma_semaphore, #tpu.memory_space<semaphore_mem>>)
    %dma_start3A_27 = arith.constant 1 : i32
    %dma_start3A_28 = arith.constant 1 : i32
    %dma_start3A_29 = arith.constant 0 : i32
    %dma_start3A_30 = arith.constant 0 : i32
    %dma_start3A_31 = tpu.memref_slice %arg8[%dma_start3A_28, %dma_start3A_29, %dma_start3A_30] : memref<4x128x128xbf16, #tpu.memory_space<vmem>> -> memref<1x128x128xbf16, #tpu.memory_space<vmem>>
    %dma_start3A_32 = tpu.memref_squeeze %dma_start3A_31 : memref<1x128x128xbf16, #tpu.memory_space<vmem>> -> memref<128x128xbf16, #tpu.memory_space<vmem>>
    %dma_start3A_33 = arith.constant 0 : i32
    %dma_start3A_34 = tpu.memref_slice %arg6[%dma_start3A_27, %dma_start3A_33] : memref<80x128xi32, #tpu.memory_space<vmem>> -> memref<1x128xi32, #tpu.memory_space<vmem>>
    %dma_start3A_35 = tpu.memref_squeeze %dma_start3A_34 : memref<1x128xi32, #tpu.memory_space<vmem>> -> memref<128xi32, #tpu.memory_space<vmem>>
    %dma_start3A_36 = arith.constant 0 : i32
    %dma_start3A_37 = arith.constant 0 : i32
    %dma_start3A_38 = tpu.memref_slice %arg2[%dma_start3A_36, %dma_start3A_37] : memref<10000x128xbf16, #tpu.memory_space<hbm>> -> memref<10000x128xbf16, #tpu.memory_space<hbm>>
    tpu.enqueue_indirect_dma source(%dma_start3A_38 : memref<10000x128xbf16, #tpu.memory_space<hbm>>) target(%dma_start3A_32 : memref<128x128xbf16, #tpu.memory_space<vmem>>) offsets(%dma_start3A_35 : memref<128xi32, #tpu.memory_space<vmem>>) semaphore(%arg11 : memref<!tpu.dma_semaphore, #tpu.memory_space<semaphore_mem>>)
    %dma_start3A_39 = arith.constant 2 : i32
    %dma_start3A_40 = arith.constant 2 : i32
    %dma_start3A_41 = arith.constant 0 : i32
    %dma_start3A_42 = arith.constant 0 : i32
    %dma_start3A_43 = tpu.memref_slice %arg8[%dma_start3A_40, %dma_start3A_41, %dma_start3A_42] : memref<4x128x128xbf16, #tpu.memory_space<vmem>> -> memref<1x128x128xbf16, #tpu.memory_space<vmem>>
    %dma_start3A_44 = tpu.memref_squeeze %dma_start3A_43 : memref<1x128x128xbf16, #tpu.memory_space<vmem>> -> memref<128x128xbf16, #tpu.memory_space<vmem>>
    %dma_start3A_45 = arith.constant 0 : i32
    %dma_start3A_46 = tpu.memref_slice %arg6[%dma_start3A_39, %dma_start3A_45] : memref<80x128xi32, #tpu.memory_space<vmem>> -> memref<1x128xi32, #tpu.memory_space<vmem>>
    %dma_start3A_47 = tpu.memref_squeeze %dma_start3A_46 : memref<1x128xi32, #tpu.memory_space<vmem>> -> memref<128xi32, #tpu.memory_space<vmem>>
    %dma_start3A_48 = arith.constant 0 : i32
    %dma_start3A_49 = arith.constant 0 : i32
    %dma_start3A_50 = tpu.memref_slice %arg2[%dma_start3A_48, %dma_start3A_49] : memref<10000x128xbf16, #tpu.memory_space<hbm>> -> memref<10000x128xbf16, #tpu.memory_space<hbm>>
    tpu.enqueue_indirect_dma source(%dma_start3A_50 : memref<10000x128xbf16, #tpu.memory_space<hbm>>) target(%dma_start3A_44 : memref<128x128xbf16, #tpu.memory_space<vmem>>) offsets(%dma_start3A_47 : memref<128xi32, #tpu.memory_space<vmem>>) semaphore(%arg11 : memref<!tpu.dma_semaphore, #tpu.memory_space<semaphore_mem>>)
    %dma_start3A_51 = arith.constant 3 : i32
    %dma_start3A_52 = arith.constant 3 : i32
    %dma_start3A_53 = arith.constant 0 : i32
    %dma_start3A_54 = arith.constant 0 : i32
    %dma_start3A_55 = tpu.memref_slice %arg8[%dma_start3A_52, %dma_start3A_53, %dma_start3A_54] : memref<4x128x128xbf16, #tpu.memory_space<vmem>> -> memref<1x128x128xbf16, #tpu.memory_space<vmem>>
    %dma_start3A_56 = tpu.memref_squeeze %dma_start3A_55 : memref<1x128x128xbf16, #tpu.memory_space<vmem>> -> memref<128x128xbf16, #tpu.memory_space<vmem>>
    %dma_start3A_57 = arith.constant 0 : i32
    %dma_start3A_58 = tpu.memref_slice %arg6[%dma_start3A_51, %dma_start3A_57] : memref<80x128xi32, #tpu.memory_space<vmem>> -> memref<1x128xi32, #tpu.memory_space<vmem>>
    %dma_start3A_59 = tpu.memref_squeeze %dma_start3A_58 : memref<1x128xi32, #tpu.memory_space<vmem>> -> memref<128xi32, #tpu.memory_space<vmem>>
    %dma_start3A_60 = arith.constant 0 : i32
    %dma_start3A_61 = arith.constant 0 : i32
    %dma_start3A_62 = tpu.memref_slice %arg2[%dma_start3A_60, %dma_start3A_61] : memref<10000x128xbf16, #tpu.memory_space<hbm>> -> memref<10000x128xbf16, #tpu.memory_space<hbm>>
    tpu.enqueue_indirect_dma source(%dma_start3A_62 : memref<10000x128xbf16, #tpu.memory_space<hbm>>) target(%dma_start3A_56 : memref<128x128xbf16, #tpu.memory_space<vmem>>) offsets(%dma_start3A_59 : memref<128xi32, #tpu.memory_space<vmem>>) semaphore(%arg11 : memref<!tpu.dma_semaphore, #tpu.memory_space<semaphore_mem>>)
    %scan3A_63 = arith.constant 0 : i32
    %scan3A_64 = arith.constant 0 : i32
    %scan3A_65 = arith.constant 19 : i32
    %scan3A_66 = arith.addi %scan3A_64, %scan3A_65 : i32
    %scan3A_67 = arith.constant 1 : i32
    scf.for %scan3A_124 = %scan3A_64 to %scan3A_66 step %scan3A_67  : i32 {
      %mul3A_125 = arith.constant 4 : i32
      %mul3A_126 = arith.muli %scan3A_124, %mul3A_125 : i32
      %add3A_127 = arith.constant 0 : i32
      %add3A_128 = arith.addi %mul3A_126, %add3A_127 : i32
      %dma_wait3A_129 = arith.constant 0 : i32
      %dma_wait3A_130 = arith.constant 0 : i32
      %dma_wait3A_131 = arith.constant 0 : i32
      %dma_wait3A_132 = tpu.memref_slice %arg8[%dma_wait3A_129, %dma_wait3A_130, %dma_wait3A_131] : memref<4x128x128xbf16, #tpu.memory_space<vmem>> -> memref<1x128x128xbf16, #tpu.memory_space<vmem>>
      %dma_wait3A_133 = tpu.memref_squeeze %dma_wait3A_132 : memref<1x128x128xbf16, #tpu.memory_space<vmem>> -> memref<128x128xbf16, #tpu.memory_space<vmem>>
      %dma_wait3A_134 = arith.constant 0 : i32
      %dma_wait3A_135 = tpu.memref_slice %arg6[%add3A_128, %dma_wait3A_134] : memref<80x128xi32, #tpu.memory_space<vmem>> -> memref<1x128xi32, #tpu.memory_space<vmem>>
      %dma_wait3A_136 = tpu.memref_squeeze %dma_wait3A_135 : memref<1x128xi32, #tpu.memory_space<vmem>> -> memref<128xi32, #tpu.memory_space<vmem>>
      %dma_wait3A_137 = arith.constant 0 : i32
      %dma_wait3A_138 = arith.constant 0 : i32
      %dma_wait3A_139 = tpu.memref_slice %arg2[%dma_wait3A_137, %dma_wait3A_138] : memref<10000x128xbf16, #tpu.memory_space<hbm>> -> memref<10000x128xbf16, #tpu.memory_space<hbm>>
      tpu.wait_indirect_dma semaphore(%arg11 : memref<!tpu.dma_semaphore, #tpu.memory_space<semaphore_mem>>) src(%dma_wait3A_139 : memref<10000x128xbf16, #tpu.memory_space<hbm>>) dst(%dma_wait3A_133 : memref<128x128xbf16, #tpu.memory_space<vmem>>)
      %run_scoped3A_140 = arith.constant 0 : i32
      "tpu.region"() ({
        %run_scoped3A_241 = tpu.sem_alloc : memref<!tpu.dma_semaphore, #tpu.memory_space<semaphore_mem>>
        %dma_start3A_242 = arith.constant 0 : i32
        %dma_start3A_243 = arith.constant 0 : i32
        %dma_start3A_244 = tpu.memref_slice %arg8[%run_scoped3A_140, %dma_start3A_242, %dma_start3A_243] : memref<4x128x128xbf16, #tpu.memory_space<vmem>> -> memref<1x128x128xbf16, #tpu.memory_space<vmem>>
        %dma_start3A_245 = tpu.memref_squeeze %dma_start3A_244 : memref<1x128x128xbf16, #tpu.memory_space<vmem>> -> memref<128x128xbf16, #tpu.memory_space<vmem>>
        %dma_start3A_246 = arith.constant 0 : i32
        %dma_start3A_247 = tpu.memref_slice %arg7[%add3A_128, %dma_start3A_246] : memref<80x128xi32, #tpu.memory_space<vmem>> -> memref<1x128xi32, #tpu.memory_space<vmem>>
        %dma_start3A_248 = tpu.memref_squeeze %dma_start3A_247 : memref<1x128xi32, #tpu.memory_space<vmem>> -> memref<128xi32, #tpu.memory_space<vmem>>
        %dma_start3A_249 = arith.constant 0 : i32
        %dma_start3A_250 = arith.constant 0 : i32
        %dma_start3A_251 = tpu.memref_slice %arg10[%dma_start3A_249, %dma_start3A_250] : memref<10240x128xbf16, #tpu.memory_space<vmem_shared>> -> memref<10240x128xbf16, #tpu.memory_space<vmem_shared>>
        tpu.enqueue_indirect_dma source(%dma_start3A_245 : memref<128x128xbf16, #tpu.memory_space<vmem>>) target(%dma_start3A_251 : memref<10240x128xbf16, #tpu.memory_space<vmem_shared>>) offsets(%dma_start3A_248 : memref<128xi32, #tpu.memory_space<vmem>>) semaphore(%run_scoped3A_241 : memref<!tpu.dma_semaphore, #tpu.memory_space<semaphore_mem>>) {add = true}
        %dma_wait3A_252 = arith.constant 0 : i32
        %dma_wait3A_253 = arith.constant 0 : i32
        %dma_wait3A_254 = tpu.memref_slice %arg8[%run_scoped3A_140, %dma_wait3A_252, %dma_wait3A_253] : memref<4x128x128xbf16, #tpu.memory_space<vmem>> -> memref<1x128x128xbf16, #tpu.memory_space<vmem>>
        %dma_wait3A_255 = tpu.memref_squeeze %dma_wait3A_254 : memref<1x128x128xbf16, #tpu.memory_space<vmem>> -> memref<128x128xbf16, #tpu.memory_space<vmem>>
        %dma_wait3A_256 = arith.constant 0 : i32
        %dma_wait3A_257 = tpu.memref_slice %arg7[%add3A_128, %dma_wait3A_256] : memref<80x128xi32, #tpu.memory_space<vmem>> -> memref<1x128xi32, #tpu.memory_space<vmem>>
        %dma_wait3A_258 = tpu.memref_squeeze %dma_wait3A_257 : memref<1x128xi32, #tpu.memory_space<vmem>> -> memref<128xi32, #tpu.memory_space<vmem>>
        %dma_wait3A_259 = arith.constant 0 : i32
        %dma_wait3A_260 = arith.constant 0 : i32
        %dma_wait3A_261 = tpu.memref_slice %arg10[%dma_wait3A_259, %dma_wait3A_260] : memref<10240x128xbf16, #tpu.memory_space<vmem_shared>> -> memref<10240x128xbf16, #tpu.memory_space<vmem_shared>>
        tpu.wait_indirect_dma semaphore(%run_scoped3A_241 : memref<!tpu.dma_semaphore, #tpu.memory_space<semaphore_mem>>) src(%dma_wait3A_255 : memref<128x128xbf16, #tpu.memory_space<vmem>>) dst(%dma_wait3A_261 : memref<10240x128xbf16, #tpu.memory_space<vmem_shared>>)
        tpu.yield
      }) : () -> ()
      %add3A_141 = arith.constant 4 : i32
      %add3A_142 = arith.addi %add3A_128, %add3A_141 : i32
      %dma_start3A_143 = arith.constant 0 : i32
      %dma_start3A_144 = arith.constant 0 : i32
      %dma_start3A_145 = arith.constant 0 : i32
      %dma_start3A_146 = tpu.memref_slice %arg8[%dma_start3A_143, %dma_start3A_144, %dma_start3A_145] : memref<4x128x128xbf16, #tpu.memory_space<vmem>> -> memref<1x128x128xbf16, #tpu.memory_space<vmem>>
      %dma_start3A_147 = tpu.memref_squeeze %dma_start3A_146 : memref<1x128x128xbf16, #tpu.memory_space<vmem>> -> memref<128x128xbf16, #tpu.memory_space<vmem>>
      %dma_start3A_148 = arith.constant 0 : i32
      %dma_start3A_149 = tpu.memref_slice %arg6[%add3A_142, %dma_start3A_148] : memref<80x128xi32, #tpu.memory_space<vmem>> -> memref<1x128xi32, #tpu.memory_space<vmem>>
      %dma_start3A_150 = tpu.memref_squeeze %dma_start3A_149 : memref<1x128xi32, #tpu.memory_space<vmem>> -> memref<128xi32, #tpu.memory_space<vmem>>
      %dma_start3A_151 = arith.constant 0 : i32
      %dma_start3A_152 = arith.constant 0 : i32
      %dma_start3A_153 = tpu.memref_slice %arg2[%dma_start3A_151, %dma_start3A_152] : memref<10000x128xbf16, #tpu.memory_space<hbm>> -> memref<10000x128xbf16, #tpu.memory_space<hbm>>
      tpu.enqueue_indirect_dma source(%dma_start3A_153 : memref<10000x128xbf16, #tpu.memory_space<hbm>>) target(%dma_start3A_147 : memref<128x128xbf16, #tpu.memory_space<vmem>>) offsets(%dma_start3A_150 : memref<128xi32, #tpu.memory_space<vmem>>) semaphore(%arg11 : memref<!tpu.dma_semaphore, #tpu.memory_space<semaphore_mem>>)
      %mul3A_154 = arith.constant 4 : i32
      %mul3A_155 = arith.muli %scan3A_124, %mul3A_154 : i32
      %add3A_156 = arith.constant 1 : i32
      %add3A_157 = arith.addi %mul3A_155, %add3A_156 : i32
      %dma_wait3A_158 = arith.constant 1 : i32
      %dma_wait3A_159 = arith.constant 0 : i32
      %dma_wait3A_160 = arith.constant 0 : i32
      %dma_wait3A_161 = tpu.memref_slice %arg8[%dma_wait3A_158, %dma_wait3A_159, %dma_wait3A_160] : memref<4x128x128xbf16, #tpu.memory_space<vmem>> -> memref<1x128x128xbf16, #tpu.memory_space<vmem>>
      %dma_wait3A_162 = tpu.memref_squeeze %dma_wait3A_161 : memref<1x128x128xbf16, #tpu.memory_space<vmem>> -> memref<128x128xbf16, #tpu.memory_space<vmem>>
      %dma_wait3A_163 = arith.constant 0 : i32
      %dma_wait3A_164 = tpu.memref_slice %arg6[%add3A_157, %dma_wait3A_163] : memref<80x128xi32, #tpu.memory_space<vmem>> -> memref<1x128xi32, #tpu.memory_space<vmem>>
      %dma_wait3A_165 = tpu.memref_squeeze %dma_wait3A_164 : memref<1x128xi32, #tpu.memory_space<vmem>> -> memref<128xi32, #tpu.memory_space<vmem>>
      %dma_wait3A_166 = arith.constant 0 : i32
      %dma_wait3A_167 = arith.constant 0 : i32
      %dma_wait3A_168 = tpu.memref_slice %arg2[%dma_wait3A_166, %dma_wait3A_167] : memref<10000x128xbf16, #tpu.memory_space<hbm>> -> memref<10000x128xbf16, #tpu.memory_space<hbm>>
      tpu.wait_indirect_dma semaphore(%arg11 : memref<!tpu.dma_semaphore, #tpu.memory_space<semaphore_mem>>) src(%dma_wait3A_168 : memref<10000x128xbf16, #tpu.memory_space<hbm>>) dst(%dma_wait3A_162 : memref<128x128xbf16, #tpu.memory_space<vmem>>)
      %run_scoped3A_169 = arith.constant 1 : i32
      "tpu.region"() ({
        %run_scoped3A_241 = tpu.sem_alloc : memref<!tpu.dma_semaphore, #tpu.memory_space<semaphore_mem>>
        %dma_start3A_242 = arith.constant 0 : i32
        %dma_start3A_243 = arith.constant 0 : i32
        %dma_start3A_244 = tpu.memref_slice %arg8[%run_scoped3A_169, %dma_start3A_242, %dma_start3A_243] : memref<4x128x128xbf16, #tpu.memory_space<vmem>> -> memref<1x128x128xbf16, #tpu.memory_space<vmem>>
        %dma_start3A_245 = tpu.memref_squeeze %dma_start3A_244 : memref<1x128x128xbf16, #tpu.memory_space<vmem>> -> memref<128x128xbf16, #tpu.memory_space<vmem>>
        %dma_start3A_246 = arith.constant 0 : i32
        %dma_start3A_247 = tpu.memref_slice %arg7[%add3A_157, %dma_start3A_246] : memref<80x128xi32, #tpu.memory_space<vmem>> -> memref<1x128xi32, #tpu.memory_space<vmem>>
        %dma_start3A_248 = tpu.memref_squeeze %dma_start3A_247 : memref<1x128xi32, #tpu.memory_space<vmem>> -> memref<128xi32, #tpu.memory_space<vmem>>
        %dma_start3A_249 = arith.constant 0 : i32
        %dma_start3A_250 = arith.constant 0 : i32
        %dma_start3A_251 = tpu.memref_slice %arg10[%dma_start3A_249, %dma_start3A_250] : memref<10240x128xbf16, #tpu.memory_space<vmem_shared>> -> memref<10240x128xbf16, #tpu.memory_space<vmem_shared>>
        tpu.enqueue_indirect_dma source(%dma_start3A_245 : memref<128x128xbf16, #tpu.memory_space<vmem>>) target(%dma_start3A_251 : memref<10240x128xbf16, #tpu.memory_space<vmem_shared>>) offsets(%dma_start3A_248 : memref<128xi32, #tpu.memory_space<vmem>>) semaphore(%run_scoped3A_241 : memref<!tpu.dma_semaphore, #tpu.memory_space<semaphore_mem>>) {add = true}
        %dma_wait3A_252 = arith.constant 0 : i32
        %dma_wait3A_253 = arith.constant 0 : i32
        %dma_wait3A_254 = tpu.memref_slice %arg8[%run_scoped3A_169, %dma_wait3A_252, %dma_wait3A_253] : memref<4x128x128xbf16, #tpu.memory_space<vmem>> -> memref<1x128x128xbf16, #tpu.memory_space<vmem>>
        %dma_wait3A_255 = tpu.memref_squeeze %dma_wait3A_254 : memref<1x128x128xbf16, #tpu.memory_space<vmem>> -> memref<128x128xbf16, #tpu.memory_space<vmem>>
        %dma_wait3A_256 = arith.constant 0 : i32
        %dma_wait3A_257 = tpu.memref_slice %arg7[%add3A_157, %dma_wait3A_256] : memref<80x128xi32, #tpu.memory_space<vmem>> -> memref<1x128xi32, #tpu.memory_space<vmem>>
        %dma_wait3A_258 = tpu.memref_squeeze %dma_wait3A_257 : memref<1x128xi32, #tpu.memory_space<vmem>> -> memref<128xi32, #tpu.memory_space<vmem>>
        %dma_wait3A_259 = arith.constant 0 : i32
        %dma_wait3A_260 = arith.constant 0 : i32
        %dma_wait3A_261 = tpu.memref_slice %arg10[%dma_wait3A_259, %dma_wait3A_260] : memref<10240x128xbf16, #tpu.memory_space<vmem_shared>> -> memref<10240x128xbf16, #tpu.memory_space<vmem_shared>>
        tpu.wait_indirect_dma semaphore(%run_scoped3A_241 : memref<!tpu.dma_semaphore, #tpu.memory_space<semaphore_mem>>) src(%dma_wait3A_255 : memref<128x128xbf16, #tpu.memory_space<vmem>>) dst(%dma_wait3A_261 : memref<10240x128xbf16, #tpu.memory_space<vmem_shared>>)
        tpu.yield
      }) : () -> ()
      %add3A_170 = arith.constant 4 : i32
      %add3A_171 = arith.addi %add3A_157, %add3A_170 : i32
      %dma_start3A_172 = arith.constant 1 : i32
      %dma_start3A_173 = arith.constant 0 : i32
      %dma_start3A_174 = arith.constant 0 : i32
      %dma_start3A_175 = tpu.memref_slice %arg8[%dma_start3A_172, %dma_start3A_173, %dma_start3A_174] : memref<4x128x128xbf16, #tpu.memory_space<vmem>> -> memref<1x128x128xbf16, #tpu.memory_space<vmem>>
      %dma_start3A_176 = tpu.memref_squeeze %dma_start3A_175 : memref<1x128x128xbf16, #tpu.memory_space<vmem>> -> memref<128x128xbf16, #tpu.memory_space<vmem>>
      %dma_start3A_177 = arith.constant 0 : i32
      %dma_start3A_178 = tpu.memref_slice %arg6[%add3A_171, %dma_start3A_177] : memref<80x128xi32, #tpu.memory_space<vmem>> -> memref<1x128xi32, #tpu.memory_space<vmem>>
      %dma_start3A_179 = tpu.memref_squeeze %dma_start3A_178 : memref<1x128xi32, #tpu.memory_space<vmem>> -> memref<128xi32, #tpu.memory_space<vmem>>
      %dma_start3A_180 = arith.constant 0 : i32
      %dma_start3A_181 = arith.constant 0 : i32
      %dma_start3A_182 = tpu.memref_slice %arg2[%dma_start3A_180, %dma_start3A_181] : memref<10000x128xbf16, #tpu.memory_space<hbm>> -> memref<10000x128xbf16, #tpu.memory_space<hbm>>
      tpu.enqueue_indirect_dma source(%dma_start3A_182 : memref<10000x128xbf16, #tpu.memory_space<hbm>>) target(%dma_start3A_176 : memref<128x128xbf16, #tpu.memory_space<vmem>>) offsets(%dma_start3A_179 : memref<128xi32, #tpu.memory_space<vmem>>) semaphore(%arg11 : memref<!tpu.dma_semaphore, #tpu.memory_space<semaphore_mem>>)
      %mul3A_183 = arith.constant 4 : i32
      %mul3A_184 = arith.muli %scan3A_124, %mul3A_183 : i32
      %add3A_185 = arith.constant 2 : i32
      %add3A_186 = arith.addi %mul3A_184, %add3A_185 : i32
      %dma_wait3A_187 = arith.constant 2 : i32
      %dma_wait3A_188 = arith.constant 0 : i32
      %dma_wait3A_189 = arith.constant 0 : i32
      %dma_wait3A_190 = tpu.memref_slice %arg8[%dma_wait3A_187, %dma_wait3A_188, %dma_wait3A_189] : memref<4x128x128xbf16, #tpu.memory_space<vmem>> -> memref<1x128x128xbf16, #tpu.memory_space<vmem>>
      %dma_wait3A_191 = tpu.memref_squeeze %dma_wait3A_190 : memref<1x128x128xbf16, #tpu.memory_space<vmem>> -> memref<128x128xbf16, #tpu.memory_space<vmem>>
      %dma_wait3A_192 = arith.constant 0 : i32
      %dma_wait3A_193 = tpu.memref_slice %arg6[%add3A_186, %dma_wait3A_192] : memref<80x128xi32, #tpu.memory_space<vmem>> -> memref<1x128xi32, #tpu.memory_space<vmem>>
      %dma_wait3A_194 = tpu.memref_squeeze %dma_wait3A_193 : memref<1x128xi32, #tpu.memory_space<vmem>> -> memref<128xi32, #tpu.memory_space<vmem>>
      %dma_wait3A_195 = arith.constant 0 : i32
      %dma_wait3A_196 = arith.constant 0 : i32
      %dma_wait3A_197 = tpu.memref_slice %arg2[%dma_wait3A_195, %dma_wait3A_196] : memref<10000x128xbf16, #tpu.memory_space<hbm>> -> memref<10000x128xbf16, #tpu.memory_space<hbm>>
      tpu.wait_indirect_dma semaphore(%arg11 : memref<!tpu.dma_semaphore, #tpu.memory_space<semaphore_mem>>) src(%dma_wait3A_197 : memref<10000x128xbf16, #tpu.memory_space<hbm>>) dst(%dma_wait3A_191 : memref<128x128xbf16, #tpu.memory_space<vmem>>)
      %run_scoped3A_198 = arith.constant 2 : i32
      "tpu.region"() ({
        %run_scoped3A_241 = tpu.sem_alloc : memref<!tpu.dma_semaphore, #tpu.memory_space<semaphore_mem>>
        %dma_start3A_242 = arith.constant 0 : i32
        %dma_start3A_243 = arith.constant 0 : i32
        %dma_start3A_244 = tpu.memref_slice %arg8[%run_scoped3A_198, %dma_start3A_242, %dma_start3A_243] : memref<4x128x128xbf16, #tpu.memory_space<vmem>> -> memref<1x128x128xbf16, #tpu.memory_space<vmem>>
        %dma_start3A_245 = tpu.memref_squeeze %dma_start3A_244 : memref<1x128x128xbf16, #tpu.memory_space<vmem>> -> memref<128x128xbf16, #tpu.memory_space<vmem>>
        %dma_start3A_246 = arith.constant 0 : i32
        %dma_start3A_247 = tpu.memref_slice %arg7[%add3A_186, %dma_start3A_246] : memref<80x128xi32, #tpu.memory_space<vmem>> -> memref<1x128xi32, #tpu.memory_space<vmem>>
        %dma_start3A_248 = tpu.memref_squeeze %dma_start3A_247 : memref<1x128xi32, #tpu.memory_space<vmem>> -> memref<128xi32, #tpu.memory_space<vmem>>
        %dma_start3A_249 = arith.constant 0 : i32
        %dma_start3A_250 = arith.constant 0 : i32
        %dma_start3A_251 = tpu.memref_slice %arg10[%dma_start3A_249, %dma_start3A_250] : memref<10240x128xbf16, #tpu.memory_space<vmem_shared>> -> memref<10240x128xbf16, #tpu.memory_space<vmem_shared>>
        tpu.enqueue_indirect_dma source(%dma_start3A_245 : memref<128x128xbf16, #tpu.memory_space<vmem>>) target(%dma_start3A_251 : memref<10240x128xbf16, #tpu.memory_space<vmem_shared>>) offsets(%dma_start3A_248 : memref<128xi32, #tpu.memory_space<vmem>>) semaphore(%run_scoped3A_241 : memref<!tpu.dma_semaphore, #tpu.memory_space<semaphore_mem>>) {add = true}
        %dma_wait3A_252 = arith.constant 0 : i32
        %dma_wait3A_253 = arith.constant 0 : i32
        %dma_wait3A_254 = tpu.memref_slice %arg8[%run_scoped3A_198, %dma_wait3A_252, %dma_wait3A_253] : memref<4x128x128xbf16, #tpu.memory_space<vmem>> -> memref<1x128x128xbf16, #tpu.memory_space<vmem>>
        %dma_wait3A_255 = tpu.memref_squeeze %dma_wait3A_254 : memref<1x128x128xbf16, #tpu.memory_space<vmem>> -> memref<128x128xbf16, #tpu.memory_space<vmem>>
        %dma_wait3A_256 = arith.constant 0 : i32
        %dma_wait3A_257 = tpu.memref_slice %arg7[%add3A_186, %dma_wait3A_256] : memref<80x128xi32, #tpu.memory_space<vmem>> -> memref<1x128xi32, #tpu.memory_space<vmem>>
        %dma_wait3A_258 = tpu.memref_squeeze %dma_wait3A_257 : memref<1x128xi32, #tpu.memory_space<vmem>> -> memref<128xi32, #tpu.memory_space<vmem>>
        %dma_wait3A_259 = arith.constant 0 : i32
        %dma_wait3A_260 = arith.constant 0 : i32
        %dma_wait3A_261 = tpu.memref_slice %arg10[%dma_wait3A_259, %dma_wait3A_260] : memref<10240x128xbf16, #tpu.memory_space<vmem_shared>> -> memref<10240x128xbf16, #tpu.memory_space<vmem_shared>>
        tpu.wait_indirect_dma semaphore(%run_scoped3A_241 : memref<!tpu.dma_semaphore, #tpu.memory_space<semaphore_mem>>) src(%dma_wait3A_255 : memref<128x128xbf16, #tpu.memory_space<vmem>>) dst(%dma_wait3A_261 : memref<10240x128xbf16, #tpu.memory_space<vmem_shared>>)
        tpu.yield
      }) : () -> ()
      %add3A_199 = arith.constant 4 : i32
      %add3A_200 = arith.addi %add3A_186, %add3A_199 : i32
      %dma_start3A_201 = arith.constant 2 : i32
      %dma_start3A_202 = arith.constant 0 : i32
      %dma_start3A_203 = arith.constant 0 : i32
      %dma_start3A_204 = tpu.memref_slice %arg8[%dma_start3A_201, %dma_start3A_202, %dma_start3A_203] : memref<4x128x128xbf16, #tpu.memory_space<vmem>> -> memref<1x128x128xbf16, #tpu.memory_space<vmem>>
      %dma_start3A_205 = tpu.memref_squeeze %dma_start3A_204 : memref<1x128x128xbf16, #tpu.memory_space<vmem>> -> memref<128x128xbf16, #tpu.memory_space<vmem>>
      %dma_start3A_206 = arith.constant 0 : i32
      %dma_start3A_207 = tpu.memref_slice %arg6[%add3A_200, %dma_start3A_206] : memref<80x128xi32, #tpu.memory_space<vmem>> -> memref<1x128xi32, #tpu.memory_space<vmem>>
      %dma_start3A_208 = tpu.memref_squeeze %dma_start3A_207 : memref<1x128xi32, #tpu.memory_space<vmem>> -> memref<128xi32, #tpu.memory_space<vmem>>
      %dma_start3A_209 = arith.constant 0 : i32
      %dma_start3A_210 = arith.constant 0 : i32
      %dma_start3A_211 = tpu.memref_slice %arg2[%dma_start3A_209, %dma_start3A_210] : memref<10000x128xbf16, #tpu.memory_space<hbm>> -> memref<10000x128xbf16, #tpu.memory_space<hbm>>
      tpu.enqueue_indirect_dma source(%dma_start3A_211 : memref<10000x128xbf16, #tpu.memory_space<hbm>>) target(%dma_start3A_205 : memref<128x128xbf16, #tpu.memory_space<vmem>>) offsets(%dma_start3A_208 : memref<128xi32, #tpu.memory_space<vmem>>) semaphore(%arg11 : memref<!tpu.dma_semaphore, #tpu.memory_space<semaphore_mem>>)
      %mul3A_212 = arith.constant 4 : i32
      %mul3A_213 = arith.muli %scan3A_124, %mul3A_212 : i32
      %add3A_214 = arith.constant 3 : i32
      %add3A_215 = arith.addi %mul3A_213, %add3A_214 : i32
      %dma_wait3A_216 = arith.constant 3 : i32
      %dma_wait3A_217 = arith.constant 0 : i32
      %dma_wait3A_218 = arith.constant 0 : i32
      %dma_wait3A_219 = tpu.memref_slice %arg8[%dma_wait3A_216, %dma_wait3A_217, %dma_wait3A_218] : memref<4x128x128xbf16, #tpu.memory_space<vmem>> -> memref<1x128x128xbf16, #tpu.memory_space<vmem>>
      %dma_wait3A_220 = tpu.memref_squeeze %dma_wait3A_219 : memref<1x128x128xbf16, #tpu.memory_space<vmem>> -> memref<128x128xbf16, #tpu.memory_space<vmem>>
      %dma_wait3A_221 = arith.constant 0 : i32
      %dma_wait3A_222 = tpu.memref_slice %arg6[%add3A_215, %dma_wait3A_221] : memref<80x128xi32, #tpu.memory_space<vmem>> -> memref<1x128xi32, #tpu.memory_space<vmem>>
      %dma_wait3A_223 = tpu.memref_squeeze %dma_wait3A_222 : memref<1x128xi32, #tpu.memory_space<vmem>> -> memref<128xi32, #tpu.memory_space<vmem>>
      %dma_wait3A_224 = arith.constant 0 : i32
      %dma_wait3A_225 = arith.constant 0 : i32
      %dma_wait3A_226 = tpu.memref_slice %arg2[%dma_wait3A_224, %dma_wait3A_225] : memref<10000x128xbf16, #tpu.memory_space<hbm>> -> memref<10000x128xbf16, #tpu.memory_space<hbm>>
      tpu.wait_indirect_dma semaphore(%arg11 : memref<!tpu.dma_semaphore, #tpu.memory_space<semaphore_mem>>) src(%dma_wait3A_226 : memref<10000x128xbf16, #tpu.memory_space<hbm>>) dst(%dma_wait3A_220 : memref<128x128xbf16, #tpu.memory_space<vmem>>)
      %run_scoped3A_227 = arith.constant 3 : i32
      "tpu.region"() ({
        %run_scoped3A_241 = tpu.sem_alloc : memref<!tpu.dma_semaphore, #tpu.memory_space<semaphore_mem>>
        %dma_start3A_242 = arith.constant 0 : i32
        %dma_start3A_243 = arith.constant 0 : i32
        %dma_start3A_244 = tpu.memref_slice %arg8[%run_scoped3A_227, %dma_start3A_242, %dma_start3A_243] : memref<4x128x128xbf16, #tpu.memory_space<vmem>> -> memref<1x128x128xbf16, #tpu.memory_space<vmem>>
        %dma_start3A_245 = tpu.memref_squeeze %dma_start3A_244 : memref<1x128x128xbf16, #tpu.memory_space<vmem>> -> memref<128x128xbf16, #tpu.memory_space<vmem>>
        %dma_start3A_246 = arith.constant 0 : i32
        %dma_start3A_247 = tpu.memref_slice %arg7[%add3A_215, %dma_start3A_246] : memref<80x128xi32, #tpu.memory_space<vmem>> -> memref<1x128xi32, #tpu.memory_space<vmem>>
        %dma_start3A_248 = tpu.memref_squeeze %dma_start3A_247 : memref<1x128xi32, #tpu.memory_space<vmem>> -> memref<128xi32, #tpu.memory_space<vmem>>
        %dma_start3A_249 = arith.constant 0 : i32
        %dma_start3A_250 = arith.constant 0 : i32
        %dma_start3A_251 = tpu.memref_slice %arg10[%dma_start3A_249, %dma_start3A_250] : memref<10240x128xbf16, #tpu.memory_space<vmem_shared>> -> memref<10240x128xbf16, #tpu.memory_space<vmem_shared>>
        tpu.enqueue_indirect_dma source(%dma_start3A_245 : memref<128x128xbf16, #tpu.memory_space<vmem>>) target(%dma_start3A_251 : memref<10240x128xbf16, #tpu.memory_space<vmem_shared>>) offsets(%dma_start3A_248 : memref<128xi32, #tpu.memory_space<vmem>>) semaphore(%run_scoped3A_241 : memref<!tpu.dma_semaphore, #tpu.memory_space<semaphore_mem>>) {add = true}
        %dma_wait3A_252 = arith.constant 0 : i32
        %dma_wait3A_253 = arith.constant 0 : i32
        %dma_wait3A_254 = tpu.memref_slice %arg8[%run_scoped3A_227, %dma_wait3A_252, %dma_wait3A_253] : memref<4x128x128xbf16, #tpu.memory_space<vmem>> -> memref<1x128x128xbf16, #tpu.memory_space<vmem>>
        %dma_wait3A_255 = tpu.memref_squeeze %dma_wait3A_254 : memref<1x128x128xbf16, #tpu.memory_space<vmem>> -> memref<128x128xbf16, #tpu.memory_space<vmem>>
        %dma_wait3A_256 = arith.constant 0 : i32
        %dma_wait3A_257 = tpu.memref_slice %arg7[%add3A_215, %dma_wait3A_256] : memref<80x128xi32, #tpu.memory_space<vmem>> -> memref<1x128xi32, #tpu.memory_space<vmem>>
        %dma_wait3A_258 = tpu.memref_squeeze %dma_wait3A_257 : memref<1x128xi32, #tpu.memory_space<vmem>> -> memref<128xi32, #tpu.memory_space<vmem>>
        %dma_wait3A_259 = arith.constant 0 : i32
        %dma_wait3A_260 = arith.constant 0 : i32
        %dma_wait3A_261 = tpu.memref_slice %arg10[%dma_wait3A_259, %dma_wait3A_260] : memref<10240x128xbf16, #tpu.memory_space<vmem_shared>> -> memref<10240x128xbf16, #tpu.memory_space<vmem_shared>>
        tpu.wait_indirect_dma semaphore(%run_scoped3A_241 : memref<!tpu.dma_semaphore, #tpu.memory_space<semaphore_mem>>) src(%dma_wait3A_255 : memref<128x128xbf16, #tpu.memory_space<vmem>>) dst(%dma_wait3A_261 : memref<10240x128xbf16, #tpu.memory_space<vmem_shared>>)
        tpu.yield
      }) : () -> ()
      %add3A_228 = arith.constant 4 : i32
      %add3A_229 = arith.addi %add3A_215, %add3A_228 : i32
      %dma_start3A_230 = arith.constant 3 : i32
      %dma_start3A_231 = arith.constant 0 : i32
      %dma_start3A_232 = arith.constant 0 : i32
      %dma_start3A_233 = tpu.memref_slice %arg8[%dma_start3A_230, %dma_start3A_231, %dma_start3A_232] : memref<4x128x128xbf16, #tpu.memory_space<vmem>> -> memref<1x128x128xbf16, #tpu.memory_space<vmem>>
      %dma_start3A_234 = tpu.memref_squeeze %dma_start3A_233 : memref<1x128x128xbf16, #tpu.memory_space<vmem>> -> memref<128x128xbf16, #tpu.memory_space<vmem>>
      %dma_start3A_235 = arith.constant 0 : i32
      %dma_start3A_236 = tpu.memref_slice %arg6[%add3A_229, %dma_start3A_235] : memref<80x128xi32, #tpu.memory_space<vmem>> -> memref<1x128xi32, #tpu.memory_space<vmem>>
      %dma_start3A_237 = tpu.memref_squeeze %dma_start3A_236 : memref<1x128xi32, #tpu.memory_space<vmem>> -> memref<128xi32, #tpu.memory_space<vmem>>
      %dma_start3A_238 = arith.constant 0 : i32
      %dma_start3A_239 = arith.constant 0 : i32
      %dma_start3A_240 = tpu.memref_slice %arg2[%dma_start3A_238, %dma_start3A_239] : memref<10000x128xbf16, #tpu.memory_space<hbm>> -> memref<10000x128xbf16, #tpu.memory_space<hbm>>
      tpu.enqueue_indirect_dma source(%dma_start3A_240 : memref<10000x128xbf16, #tpu.memory_space<hbm>>) target(%dma_start3A_234 : memref<128x128xbf16, #tpu.memory_space<vmem>>) offsets(%dma_start3A_237 : memref<128xi32, #tpu.memory_space<vmem>>) semaphore(%arg11 : memref<!tpu.dma_semaphore, #tpu.memory_space<semaphore_mem>>)
    }
    %scan3A_68 = arith.constant 19 : i32
    %dma_wait3A = arith.constant 76 : i32
    %dma_wait3A_69 = arith.constant 0 : i32
    %dma_wait3A_70 = arith.constant 0 : i32
    %dma_wait3A_71 = arith.constant 0 : i32
    %dma_wait3A_72 = tpu.memref_slice %arg8[%dma_wait3A_69, %dma_wait3A_70, %dma_wait3A_71] : memref<4x128x128xbf16, #tpu.memory_space<vmem>> -> memref<1x128x128xbf16, #tpu.memory_space<vmem>>
    %dma_wait3A_73 = tpu.memref_squeeze %dma_wait3A_72 : memref<1x128x128xbf16, #tpu.memory_space<vmem>> -> memref<128x128xbf16, #tpu.memory_space<vmem>>
    %dma_wait3A_74 = arith.constant 0 : i32
    %dma_wait3A_75 = tpu.memref_slice %arg6[%dma_wait3A, %dma_wait3A_74] : memref<80x128xi32, #tpu.memory_space<vmem>> -> memref<1x128xi32, #tpu.memory_space<vmem>>
    %dma_wait3A_76 = tpu.memref_squeeze %dma_wait3A_75 : memref<1x128xi32, #tpu.memory_space<vmem>> -> memref<128xi32, #tpu.memory_space<vmem>>
    %dma_wait3A_77 = arith.constant 0 : i32
    %dma_wait3A_78 = arith.constant 0 : i32
    %dma_wait3A_79 = tpu.memref_slice %arg2[%dma_wait3A_77, %dma_wait3A_78] : memref<10000x128xbf16, #tpu.memory_space<hbm>> -> memref<10000x128xbf16, #tpu.memory_space<hbm>>
    tpu.wait_indirect_dma semaphore(%arg11 : memref<!tpu.dma_semaphore, #tpu.memory_space<semaphore_mem>>) src(%dma_wait3A_79 : memref<10000x128xbf16, #tpu.memory_space<hbm>>) dst(%dma_wait3A_73 : memref<128x128xbf16, #tpu.memory_space<vmem>>)
    %run_scoped3A = arith.constant 0 : i32
    %run_scoped3A_80 = arith.constant 76 : i32
    "tpu.region"() ({
      %run_scoped3A_124 = tpu.sem_alloc : memref<!tpu.dma_semaphore, #tpu.memory_space<semaphore_mem>>
      %dma_start3A_125 = arith.constant 0 : i32
      %dma_start3A_126 = arith.constant 0 : i32
      %dma_start3A_127 = tpu.memref_slice %arg8[%run_scoped3A, %dma_start3A_125, %dma_start3A_126] : memref<4x128x128xbf16, #tpu.memory_space<vmem>> -> memref<1x128x128xbf16, #tpu.memory_space<vmem>>
      %dma_start3A_128 = tpu.memref_squeeze %dma_start3A_127 : memref<1x128x128xbf16, #tpu.memory_space<vmem>> -> memref<128x128xbf16, #tpu.memory_space<vmem>>
      %dma_start3A_129 = arith.constant 0 : i32
      %dma_start3A_130 = tpu.memref_slice %arg7[%run_scoped3A_80, %dma_start3A_129] : memref<80x128xi32, #tpu.memory_space<vmem>> -> memref<1x128xi32, #tpu.memory_space<vmem>>
      %dma_start3A_131 = tpu.memref_squeeze %dma_start3A_130 : memref<1x128xi32, #tpu.memory_space<vmem>> -> memref<128xi32, #tpu.memory_space<vmem>>
      %dma_start3A_132 = arith.constant 0 : i32
      %dma_start3A_133 = arith.constant 0 : i32
      %dma_start3A_134 = tpu.memref_slice %arg10[%dma_start3A_132, %dma_start3A_133] : memref<10240x128xbf16, #tpu.memory_space<vmem_shared>> -> memref<10240x128xbf16, #tpu.memory_space<vmem_shared>>
      tpu.enqueue_indirect_dma source(%dma_start3A_128 : memref<128x128xbf16, #tpu.memory_space<vmem>>) target(%dma_start3A_134 : memref<10240x128xbf16, #tpu.memory_space<vmem_shared>>) offsets(%dma_start3A_131 : memref<128xi32, #tpu.memory_space<vmem>>) semaphore(%run_scoped3A_124 : memref<!tpu.dma_semaphore, #tpu.memory_space<semaphore_mem>>) {add = true}
      %dma_wait3A_135 = arith.constant 0 : i32
      %dma_wait3A_136 = arith.constant 0 : i32
      %dma_wait3A_137 = tpu.memref_slice %arg8[%run_scoped3A, %dma_wait3A_135, %dma_wait3A_136] : memref<4x128x128xbf16, #tpu.memory_space<vmem>> -> memref<1x128x128xbf16, #tpu.memory_space<vmem>>
      %dma_wait3A_138 = tpu.memref_squeeze %dma_wait3A_137 : memref<1x128x128xbf16, #tpu.memory_space<vmem>> -> memref<128x128xbf16, #tpu.memory_space<vmem>>
      %dma_wait3A_139 = arith.constant 0 : i32
      %dma_wait3A_140 = tpu.memref_slice %arg7[%run_scoped3A_80, %dma_wait3A_139] : memref<80x128xi32, #tpu.memory_space<vmem>> -> memref<1x128xi32, #tpu.memory_space<vmem>>
      %dma_wait3A_141 = tpu.memref_squeeze %dma_wait3A_140 : memref<1x128xi32, #tpu.memory_space<vmem>> -> memref<128xi32, #tpu.memory_space<vmem>>
      %dma_wait3A_142 = arith.constant 0 : i32
      %dma_wait3A_143 = arith.constant 0 : i32
      %dma_wait3A_144 = tpu.memref_slice %arg10[%dma_wait3A_142, %dma_wait3A_143] : memref<10240x128xbf16, #tpu.memory_space<vmem_shared>> -> memref<10240x128xbf16, #tpu.memory_space<vmem_shared>>
      tpu.wait_indirect_dma semaphore(%run_scoped3A_124 : memref<!tpu.dma_semaphore, #tpu.memory_space<semaphore_mem>>) src(%dma_wait3A_138 : memref<128x128xbf16, #tpu.memory_space<vmem>>) dst(%dma_wait3A_144 : memref<10240x128xbf16, #tpu.memory_space<vmem_shared>>)
      tpu.yield
    }) : () -> ()
    %dma_wait3A_81 = arith.constant 77 : i32
    %dma_wait3A_82 = arith.constant 1 : i32
    %dma_wait3A_83 = arith.constant 0 : i32
    %dma_wait3A_84 = arith.constant 0 : i32
    %dma_wait3A_85 = tpu.memref_slice %arg8[%dma_wait3A_82, %dma_wait3A_83, %dma_wait3A_84] : memref<4x128x128xbf16, #tpu.memory_space<vmem>> -> memref<1x128x128xbf16, #tpu.memory_space<vmem>>
    %dma_wait3A_86 = tpu.memref_squeeze %dma_wait3A_85 : memref<1x128x128xbf16, #tpu.memory_space<vmem>> -> memref<128x128xbf16, #tpu.memory_space<vmem>>
    %dma_wait3A_87 = arith.constant 0 : i32
    %dma_wait3A_88 = tpu.memref_slice %arg6[%dma_wait3A_81, %dma_wait3A_87] : memref<80x128xi32, #tpu.memory_space<vmem>> -> memref<1x128xi32, #tpu.memory_space<vmem>>
    %dma_wait3A_89 = tpu.memref_squeeze %dma_wait3A_88 : memref<1x128xi32, #tpu.memory_space<vmem>> -> memref<128xi32, #tpu.memory_space<vmem>>
    %dma_wait3A_90 = arith.constant 0 : i32
    %dma_wait3A_91 = arith.constant 0 : i32
    %dma_wait3A_92 = tpu.memref_slice %arg2[%dma_wait3A_90, %dma_wait3A_91] : memref<10000x128xbf16, #tpu.memory_space<hbm>> -> memref<10000x128xbf16, #tpu.memory_space<hbm>>
    tpu.wait_indirect_dma semaphore(%arg11 : memref<!tpu.dma_semaphore, #tpu.memory_space<semaphore_mem>>) src(%dma_wait3A_92 : memref<10000x128xbf16, #tpu.memory_space<hbm>>) dst(%dma_wait3A_86 : memref<128x128xbf16, #tpu.memory_space<vmem>>)
    %run_scoped3A_93 = arith.constant 1 : i32
    %run_scoped3A_94 = arith.constant 77 : i32
    "tpu.region"() ({
      %run_scoped3A_124 = tpu.sem_alloc : memref<!tpu.dma_semaphore, #tpu.memory_space<semaphore_mem>>
      %dma_start3A_125 = arith.constant 0 : i32
      %dma_start3A_126 = arith.constant 0 : i32
      %dma_start3A_127 = tpu.memref_slice %arg8[%run_scoped3A_93, %dma_start3A_125, %dma_start3A_126] : memref<4x128x128xbf16, #tpu.memory_space<vmem>> -> memref<1x128x128xbf16, #tpu.memory_space<vmem>>
      %dma_start3A_128 = tpu.memref_squeeze %dma_start3A_127 : memref<1x128x128xbf16, #tpu.memory_space<vmem>> -> memref<128x128xbf16, #tpu.memory_space<vmem>>
      %dma_start3A_129 = arith.constant 0 : i32
      %dma_start3A_130 = tpu.memref_slice %arg7[%run_scoped3A_94, %dma_start3A_129] : memref<80x128xi32, #tpu.memory_space<vmem>> -> memref<1x128xi32, #tpu.memory_space<vmem>>
      %dma_start3A_131 = tpu.memref_squeeze %dma_start3A_130 : memref<1x128xi32, #tpu.memory_space<vmem>> -> memref<128xi32, #tpu.memory_space<vmem>>
      %dma_start3A_132 = arith.constant 0 : i32
      %dma_start3A_133 = arith.constant 0 : i32
      %dma_start3A_134 = tpu.memref_slice %arg10[%dma_start3A_132, %dma_start3A_133] : memref<10240x128xbf16, #tpu.memory_space<vmem_shared>> -> memref<10240x128xbf16, #tpu.memory_space<vmem_shared>>
      tpu.enqueue_indirect_dma source(%dma_start3A_128 : memref<128x128xbf16, #tpu.memory_space<vmem>>) target(%dma_start3A_134 : memref<10240x128xbf16, #tpu.memory_space<vmem_shared>>) offsets(%dma_start3A_131 : memref<128xi32, #tpu.memory_space<vmem>>) semaphore(%run_scoped3A_124 : memref<!tpu.dma_semaphore, #tpu.memory_space<semaphore_mem>>) {add = true}
      %dma_wait3A_135 = arith.constant 0 : i32
      %dma_wait3A_136 = arith.constant 0 : i32
      %dma_wait3A_137 = tpu.memref_slice %arg8[%run_scoped3A_93, %dma_wait3A_135, %dma_wait3A_136] : memref<4x128x128xbf16, #tpu.memory_space<vmem>> -> memref<1x128x128xbf16, #tpu.memory_space<vmem>>
      %dma_wait3A_138 = tpu.memref_squeeze %dma_wait3A_137 : memref<1x128x128xbf16, #tpu.memory_space<vmem>> -> memref<128x128xbf16, #tpu.memory_space<vmem>>
      %dma_wait3A_139 = arith.constant 0 : i32
      %dma_wait3A_140 = tpu.memref_slice %arg7[%run_scoped3A_94, %dma_wait3A_139] : memref<80x128xi32, #tpu.memory_space<vmem>> -> memref<1x128xi32, #tpu.memory_space<vmem>>
      %dma_wait3A_141 = tpu.memref_squeeze %dma_wait3A_140 : memref<1x128xi32, #tpu.memory_space<vmem>> -> memref<128xi32, #tpu.memory_space<vmem>>
      %dma_wait3A_142 = arith.constant 0 : i32
      %dma_wait3A_143 = arith.constant 0 : i32
      %dma_wait3A_144 = tpu.memref_slice %arg10[%dma_wait3A_142, %dma_wait3A_143] : memref<10240x128xbf16, #tpu.memory_space<vmem_shared>> -> memref<10240x128xbf16, #tpu.memory_space<vmem_shared>>
      tpu.wait_indirect_dma semaphore(%run_scoped3A_124 : memref<!tpu.dma_semaphore, #tpu.memory_space<semaphore_mem>>) src(%dma_wait3A_138 : memref<128x128xbf16, #tpu.memory_space<vmem>>) dst(%dma_wait3A_144 : memref<10240x128xbf16, #tpu.memory_space<vmem_shared>>)
      tpu.yield
    }) : () -> ()
    %dma_wait3A_95 = arith.constant 78 : i32
    %dma_wait3A_96 = arith.constant 2 : i32
    %dma_wait3A_97 = arith.constant 0 : i32
    %dma_wait3A_98 = arith.constant 0 : i32
    %dma_wait3A_99 = tpu.memref_slice %arg8[%dma_wait3A_96, %dma_wait3A_97, %dma_wait3A_98] : memref<4x128x128xbf16, #tpu.memory_space<vmem>> -> memref<1x128x128xbf16, #tpu.memory_space<vmem>>
    %dma_wait3A_100 = tpu.memref_squeeze %dma_wait3A_99 : memref<1x128x128xbf16, #tpu.memory_space<vmem>> -> memref<128x128xbf16, #tpu.memory_space<vmem>>
    %dma_wait3A_101 = arith.constant 0 : i32
    %dma_wait3A_102 = tpu.memref_slice %arg6[%dma_wait3A_95, %dma_wait3A_101] : memref<80x128xi32, #tpu.memory_space<vmem>> -> memref<1x128xi32, #tpu.memory_space<vmem>>
    %dma_wait3A_103 = tpu.memref_squeeze %dma_wait3A_102 : memref<1x128xi32, #tpu.memory_space<vmem>> -> memref<128xi32, #tpu.memory_space<vmem>>
    %dma_wait3A_104 = arith.constant 0 : i32
    %dma_wait3A_105 = arith.constant 0 : i32
    %dma_wait3A_106 = tpu.memref_slice %arg2[%dma_wait3A_104, %dma_wait3A_105] : memref<10000x128xbf16, #tpu.memory_space<hbm>> -> memref<10000x128xbf16, #tpu.memory_space<hbm>>
    tpu.wait_indirect_dma semaphore(%arg11 : memref<!tpu.dma_semaphore, #tpu.memory_space<semaphore_mem>>) src(%dma_wait3A_106 : memref<10000x128xbf16, #tpu.memory_space<hbm>>) dst(%dma_wait3A_100 : memref<128x128xbf16, #tpu.memory_space<vmem>>)
    %run_scoped3A_107 = arith.constant 2 : i32
    %run_scoped3A_108 = arith.constant 78 : i32
    "tpu.region"() ({
      %run_scoped3A_124 = tpu.sem_alloc : memref<!tpu.dma_semaphore, #tpu.memory_space<semaphore_mem>>
      %dma_start3A_125 = arith.constant 0 : i32
      %dma_start3A_126 = arith.constant 0 : i32
      %dma_start3A_127 = tpu.memref_slice %arg8[%run_scoped3A_107, %dma_start3A_125, %dma_start3A_126] : memref<4x128x128xbf16, #tpu.memory_space<vmem>> -> memref<1x128x128xbf16, #tpu.memory_space<vmem>>
      %dma_start3A_128 = tpu.memref_squeeze %dma_start3A_127 : memref<1x128x128xbf16, #tpu.memory_space<vmem>> -> memref<128x128xbf16, #tpu.memory_space<vmem>>
      %dma_start3A_129 = arith.constant 0 : i32
      %dma_start3A_130 = tpu.memref_slice %arg7[%run_scoped3A_108, %dma_start3A_129] : memref<80x128xi32, #tpu.memory_space<vmem>> -> memref<1x128xi32, #tpu.memory_space<vmem>>
      %dma_start3A_131 = tpu.memref_squeeze %dma_start3A_130 : memref<1x128xi32, #tpu.memory_space<vmem>> -> memref<128xi32, #tpu.memory_space<vmem>>
      %dma_start3A_132 = arith.constant 0 : i32
      %dma_start3A_133 = arith.constant 0 : i32
      %dma_start3A_134 = tpu.memref_slice %arg10[%dma_start3A_132, %dma_start3A_133] : memref<10240x128xbf16, #tpu.memory_space<vmem_shared>> -> memref<10240x128xbf16, #tpu.memory_space<vmem_shared>>
      tpu.enqueue_indirect_dma source(%dma_start3A_128 : memref<128x128xbf16, #tpu.memory_space<vmem>>) target(%dma_start3A_134 : memref<10240x128xbf16, #tpu.memory_space<vmem_shared>>) offsets(%dma_start3A_131 : memref<128xi32, #tpu.memory_space<vmem>>) semaphore(%run_scoped3A_124 : memref<!tpu.dma_semaphore, #tpu.memory_space<semaphore_mem>>) {add = true}
      %dma_wait3A_135 = arith.constant 0 : i32
      %dma_wait3A_136 = arith.constant 0 : i32
      %dma_wait3A_137 = tpu.memref_slice %arg8[%run_scoped3A_107, %dma_wait3A_135, %dma_wait3A_136] : memref<4x128x128xbf16, #tpu.memory_space<vmem>> -> memref<1x128x128xbf16, #tpu.memory_space<vmem>>
      %dma_wait3A_138 = tpu.memref_squeeze %dma_wait3A_137 : memref<1x128x128xbf16, #tpu.memory_space<vmem>> -> memref<128x128xbf16, #tpu.memory_space<vmem>>
      %dma_wait3A_139 = arith.constant 0 : i32
      %dma_wait3A_140 = tpu.memref_slice %arg7[%run_scoped3A_108, %dma_wait3A_139] : memref<80x128xi32, #tpu.memory_space<vmem>> -> memref<1x128xi32, #tpu.memory_space<vmem>>
      %dma_wait3A_141 = tpu.memref_squeeze %dma_wait3A_140 : memref<1x128xi32, #tpu.memory_space<vmem>> -> memref<128xi32, #tpu.memory_space<vmem>>
      %dma_wait3A_142 = arith.constant 0 : i32
      %dma_wait3A_143 = arith.constant 0 : i32
      %dma_wait3A_144 = tpu.memref_slice %arg10[%dma_wait3A_142, %dma_wait3A_143] : memref<10240x128xbf16, #tpu.memory_space<vmem_shared>> -> memref<10240x128xbf16, #tpu.memory_space<vmem_shared>>
      tpu.wait_indirect_dma semaphore(%run_scoped3A_124 : memref<!tpu.dma_semaphore, #tpu.memory_space<semaphore_mem>>) src(%dma_wait3A_138 : memref<128x128xbf16, #tpu.memory_space<vmem>>) dst(%dma_wait3A_144 : memref<10240x128xbf16, #tpu.memory_space<vmem_shared>>)
      tpu.yield
    }) : () -> ()
    %dma_wait3A_109 = arith.constant 79 : i32
    %dma_wait3A_110 = arith.constant 3 : i32
    %dma_wait3A_111 = arith.constant 0 : i32
    %dma_wait3A_112 = arith.constant 0 : i32
    %dma_wait3A_113 = tpu.memref_slice %arg8[%dma_wait3A_110, %dma_wait3A_111, %dma_wait3A_112] : memref<4x128x128xbf16, #tpu.memory_space<vmem>> -> memref<1x128x128xbf16, #tpu.memory_space<vmem>>
    %dma_wait3A_114 = tpu.memref_squeeze %dma_wait3A_113 : memref<1x128x128xbf16, #tpu.memory_space<vmem>> -> memref<128x128xbf16, #tpu.memory_space<vmem>>
    %dma_wait3A_115 = arith.constant 0 : i32
    %dma_wait3A_116 = tpu.memref_slice %arg6[%dma_wait3A_109, %dma_wait3A_115] : memref<80x128xi32, #tpu.memory_space<vmem>> -> memref<1x128xi32, #tpu.memory_space<vmem>>
    %dma_wait3A_117 = tpu.memref_squeeze %dma_wait3A_116 : memref<1x128xi32, #tpu.memory_space<vmem>> -> memref<128xi32, #tpu.memory_space<vmem>>
    %dma_wait3A_118 = arith.constant 0 : i32
    %dma_wait3A_119 = arith.constant 0 : i32
    %dma_wait3A_120 = tpu.memref_slice %arg2[%dma_wait3A_118, %dma_wait3A_119] : memref<10000x128xbf16, #tpu.memory_space<hbm>> -> memref<10000x128xbf16, #tpu.memory_space<hbm>>
    tpu.wait_indirect_dma semaphore(%arg11 : memref<!tpu.dma_semaphore, #tpu.memory_space<semaphore_mem>>) src(%dma_wait3A_120 : memref<10000x128xbf16, #tpu.memory_space<hbm>>) dst(%dma_wait3A_114 : memref<128x128xbf16, #tpu.memory_space<vmem>>)
    %run_scoped3A_121 = arith.constant 3 : i32
    %run_scoped3A_122 = arith.constant 79 : i32
    "tpu.region"() ({
      %run_scoped3A_124 = tpu.sem_alloc : memref<!tpu.dma_semaphore, #tpu.memory_space<semaphore_mem>>
      %dma_start3A_125 = arith.constant 0 : i32
      %dma_start3A_126 = arith.constant 0 : i32
      %dma_start3A_127 = tpu.memref_slice %arg8[%run_scoped3A_121, %dma_start3A_125, %dma_start3A_126] : memref<4x128x128xbf16, #tpu.memory_space<vmem>> -> memref<1x128x128xbf16, #tpu.memory_space<vmem>>
      %dma_start3A_128 = tpu.memref_squeeze %dma_start3A_127 : memref<1x128x128xbf16, #tpu.memory_space<vmem>> -> memref<128x128xbf16, #tpu.memory_space<vmem>>
      %dma_start3A_129 = arith.constant 0 : i32
      %dma_start3A_130 = tpu.memref_slice %arg7[%run_scoped3A_122, %dma_start3A_129] : memref<80x128xi32, #tpu.memory_space<vmem>> -> memref<1x128xi32, #tpu.memory_space<vmem>>
      %dma_start3A_131 = tpu.memref_squeeze %dma_start3A_130 : memref<1x128xi32, #tpu.memory_space<vmem>> -> memref<128xi32, #tpu.memory_space<vmem>>
      %dma_start3A_132 = arith.constant 0 : i32
      %dma_start3A_133 = arith.constant 0 : i32
      %dma_start3A_134 = tpu.memref_slice %arg10[%dma_start3A_132, %dma_start3A_133] : memref<10240x128xbf16, #tpu.memory_space<vmem_shared>> -> memref<10240x128xbf16, #tpu.memory_space<vmem_shared>>
      tpu.enqueue_indirect_dma source(%dma_start3A_128 : memref<128x128xbf16, #tpu.memory_space<vmem>>) target(%dma_start3A_134 : memref<10240x128xbf16, #tpu.memory_space<vmem_shared>>) offsets(%dma_start3A_131 : memref<128xi32, #tpu.memory_space<vmem>>) semaphore(%run_scoped3A_124 : memref<!tpu.dma_semaphore, #tpu.memory_space<semaphore_mem>>) {add = true}
      %dma_wait3A_135 = arith.constant 0 : i32
      %dma_wait3A_136 = arith.constant 0 : i32
      %dma_wait3A_137 = tpu.memref_slice %arg8[%run_scoped3A_121, %dma_wait3A_135, %dma_wait3A_136] : memref<4x128x128xbf16, #tpu.memory_space<vmem>> -> memref<1x128x128xbf16, #tpu.memory_space<vmem>>
      %dma_wait3A_138 = tpu.memref_squeeze %dma_wait3A_137 : memref<1x128x128xbf16, #tpu.memory_space<vmem>> -> memref<128x128xbf16, #tpu.memory_space<vmem>>
      %dma_wait3A_139 = arith.constant 0 : i32
      %dma_wait3A_140 = tpu.memref_slice %arg7[%run_scoped3A_122, %dma_wait3A_139] : memref<80x128xi32, #tpu.memory_space<vmem>> -> memref<1x128xi32, #tpu.memory_space<vmem>>
      %dma_wait3A_141 = tpu.memref_squeeze %dma_wait3A_140 : memref<1x128xi32, #tpu.memory_space<vmem>> -> memref<128xi32, #tpu.memory_space<vmem>>
      %dma_wait3A_142 = arith.constant 0 : i32
      %dma_wait3A_143 = arith.constant 0 : i32
      %dma_wait3A_144 = tpu.memref_slice %arg10[%dma_wait3A_142, %dma_wait3A_143] : memref<10240x128xbf16, #tpu.memory_space<vmem_shared>> -> memref<10240x128xbf16, #tpu.memory_space<vmem_shared>>
      tpu.wait_indirect_dma semaphore(%run_scoped3A_124 : memref<!tpu.dma_semaphore, #tpu.memory_space<semaphore_mem>>) src(%dma_wait3A_138 : memref<128x128xbf16, #tpu.memory_space<vmem>>) dst(%dma_wait3A_144 : memref<10240x128xbf16, #tpu.memory_space<vmem_shared>>)
      tpu.yield
    }) : () -> ()
    %barrier3A_123 = arith.constant 0 : index
    tpu.barrier barrier_id(%barrier3A_123)
    "tpu.region"() ({
      %run_scoped3A_124 = tpu.sem_alloc : memref<!tpu.dma_semaphore, #tpu.memory_space<semaphore_mem>>
      %dma_start3A_125 = arith.constant 0 : i32
      %dma_start3A_126 = tpu.memref_slice %arg5[%arg0, %mul3A_0, %dma_start3A_125] : memref<2x10240x128xbf16, #tpu.memory_space<hbm>> -> memref<1x640x128xbf16, #tpu.memory_space<hbm>>
      %dma_start3A_127 = tpu.memref_squeeze %dma_start3A_126 : memref<1x640x128xbf16, #tpu.memory_space<hbm>> -> memref<640x128xbf16, #tpu.memory_space<hbm>>
      %dma_start3A_128 = arith.constant 0 : i32
      %dma_start3A_129 = tpu.memref_slice %arg10[%mul3A_0, %dma_start3A_128] : memref<10240x128xbf16, #tpu.memory_space<vmem_shared>> -> memref<640x128xbf16, #tpu.memory_space<vmem_shared>>
      tpu.enqueue_dma source(%dma_start3A_129 : memref<640x128xbf16, #tpu.memory_space<vmem_shared>>) target(%dma_start3A_127 : memref<640x128xbf16, #tpu.memory_space<hbm>>) target_semaphore(%run_scoped3A_124 : memref<!tpu.dma_semaphore, #tpu.memory_space<semaphore_mem>>)
      %dma_wait3A_130 = arith.constant 0 : i32
      %dma_wait3A_131 = tpu.memref_slice %arg5[%arg0, %mul3A_0, %dma_wait3A_130] : memref<2x10240x128xbf16, #tpu.memory_space<hbm>> -> memref<1x640x128xbf16, #tpu.memory_space<hbm>>
      %dma_wait3A_132 = tpu.memref_squeeze %dma_wait3A_131 : memref<1x640x128xbf16, #tpu.memory_space<hbm>> -> memref<640x128xbf16, #tpu.memory_space<hbm>>
      %dma_wait3A_133 = arith.constant 0 : i32
      %dma_wait3A_134 = tpu.memref_slice %arg10[%mul3A_0, %dma_wait3A_133] : memref<10240x128xbf16, #tpu.memory_space<vmem_shared>> -> memref<640x128xbf16, #tpu.memory_space<vmem_shared>>
      tpu.wait_dma2 semaphore(%run_scoped3A_124 : memref<!tpu.dma_semaphore, #tpu.memory_space<semaphore_mem>>) src(%dma_wait3A_134 : memref<640x128xbf16, #tpu.memory_space<vmem_shared>>) dst(%dma_wait3A_132 : memref<640x128xbf16, #tpu.memory_space<hbm>>)
      tpu.yield
    }) : () -> ()
    return
  }
}

module attributes {stable_mosaic.version = 14 : i64} {
  func.func @_lambda_(%arg0: i32, %arg1: memref<2x2000x128xbf16, #tpu.memory_space<vmem>>, %arg2: memref<2x2000x16xf32, #tpu.memory_space<vmem>>, %arg3: memref<128x128xf32, #tpu.memory_space<vmem>>, %arg4: memref<128x128xf32, #tpu.memory_space<vmem>>, %arg5: memref<1x128xf32, #tpu.memory_space<vmem>>, %arg6: memref<2000x128xbf16, #tpu.memory_space<vmem>>) attributes {dimension_semantics = [#tpu.dimension_semantics<arbitrary>], iteration_bounds = array<i64: 5>, scalar_prefetch = 0 : i64, scratch_operands = 0 : i64, tpu.core_type = #tpu.core_type<tc>, window_params = [{transform_indices = @transform_0, window_bounds = array<i64: 2, 2000, 128>}, {transform_indices = @transform_1, window_bounds = array<i64: 2, 2000, 16>}, {pipeline_mode = #tpu.pipeline_mode<synchronous>, transform_indices = @transform_2, window_bounds = array<i64: 128, 128>}, {pipeline_mode = #tpu.pipeline_mode<synchronous>, transform_indices = @transform_3, window_bounds = array<i64: 128, 128>}, {pipeline_mode = #tpu.pipeline_mode<synchronous>, transform_indices = @transform_4, window_bounds = array<i64: 1, 128>}, {transform_indices = @transform_5, window_bounds = array<i64: 2000, 128>}]} {
    %get3A = arith.constant 0 : index
    %get3A_0 = arith.constant 0 : index
    %get3A_1 = arith.constant 0 : index
    %get3A_2 = vector.load %arg2[%get3A, %get3A_0, %get3A_1] : memref<2x2000x16xf32, #tpu.memory_space<vmem>>, vector<1x2000x16xf32>
    %get3A_3 = vector.shape_cast %get3A_2 : vector<1x2000x16xf32> to vector<2000x16xf32>
    %slice3A = vector.extract_strided_slice %get3A_3 {offsets = [0, 0], sizes = [2000, 1], strides = [1, 1]} : vector<2000x16xf32> to vector<2000x1xf32>
    %get3A_4 = arith.constant 1 : index
    %get3A_5 = arith.constant 0 : index
    %get3A_6 = arith.constant 0 : index
    %get3A_7 = vector.load %arg2[%get3A_4, %get3A_5, %get3A_6] : memref<2x2000x16xf32, #tpu.memory_space<vmem>>, vector<1x2000x16xf32>
    %get3A_8 = vector.shape_cast %get3A_7 : vector<1x2000x16xf32> to vector<2000x16xf32>
    %slice3A_9 = vector.extract_strided_slice %get3A_8 {offsets = [0, 0], sizes = [2000, 1], strides = [1, 1]} : vector<2000x16xf32> to vector<2000x1xf32>
    %max3A = arith.constant 1.000000e+00 : f32
    %max3A_10 = vector.broadcast %max3A : f32 to vector<2000x1xf32>
    %max3A_11 = arith.maximumf %slice3A, %max3A_10 : vector<2000x1xf32>
    %div3A = arith.constant 1.000000e+00 : f32
    %div3A_12 = vector.broadcast %div3A : f32 to vector<2000x1xf32>
    %div3A_13 = arith.divf %div3A_12, %max3A_11 : vector<2000x1xf32>
    %max3A_14 = arith.constant 1.000000e+00 : f32
    %max3A_15 = vector.broadcast %max3A_14 : f32 to vector<2000x1xf32>
    %max3A_16 = arith.maximumf %slice3A_9, %max3A_15 : vector<2000x1xf32>
    %div3A_17 = arith.constant 1.000000e+00 : f32
    %div3A_18 = vector.broadcast %div3A_17 : f32 to vector<2000x1xf32>
    %div3A_19 = arith.divf %div3A_18, %max3A_16 : vector<2000x1xf32>
    %get3A_20 = arith.constant 0 : index
    %get3A_21 = arith.constant 0 : index
    %get3A_22 = arith.constant 0 : index
    %get3A_23 = vector.load %arg1[%get3A_20, %get3A_21, %get3A_22] : memref<2x2000x128xbf16, #tpu.memory_space<vmem>>, vector<1x2000x128xbf16>
    %get3A_24 = vector.shape_cast %get3A_23 : vector<1x2000x128xbf16> to vector<2000x128xbf16>
    %convert_element_type3A = arith.extf %get3A_24 : vector<2000x128xbf16> to vector<2000x128xf32>
    %mul3A = vector.broadcast %div3A_13 : vector<2000x1xf32> to vector<2000x128xf32>
    %mul3A_25 = arith.mulf %convert_element_type3A, %mul3A : vector<2000x128xf32>
    %get3A_26 = arith.constant 1 : index
    %get3A_27 = arith.constant 0 : index
    %get3A_28 = arith.constant 0 : index
    %get3A_29 = vector.load %arg1[%get3A_26, %get3A_27, %get3A_28] : memref<2x2000x128xbf16, #tpu.memory_space<vmem>>, vector<1x2000x128xbf16>
    %get3A_30 = vector.shape_cast %get3A_29 : vector<1x2000x128xbf16> to vector<2000x128xbf16>
    %convert_element_type3A_31 = arith.extf %get3A_30 : vector<2000x128xbf16> to vector<2000x128xf32>
    %mul3A_32 = vector.broadcast %div3A_19 : vector<2000x1xf32> to vector<2000x128xf32>
    %mul3A_33 = arith.mulf %convert_element_type3A_31, %mul3A_32 : vector<2000x128xf32>
    %get3A_34 = arith.constant 0 : index
    %get3A_35 = arith.constant 0 : index
    %get3A_36 = vector.load %arg3[%get3A_34, %get3A_35] : memref<128x128xf32, #tpu.memory_space<vmem>>, vector<128x128xf32>
    %dot_general3A = arith.constant dense<0.000000e+00> : vector<2000x128xf32>
    %dot_general3A_37 = tpu.matmul %mul3A_25, %get3A_36, %dot_general3A {dimension_numbers = #tpu.dot_dimension_numbers<[1], [0], [0], [1], [0, 0, 1, 1], [], []>, transpose_lhs_hint = false} : vector<2000x128xf32>, vector<128x128xf32>, vector<2000x128xf32> -> vector<2000x128xf32>
    %get3A_38 = arith.constant 0 : index
    %get3A_39 = arith.constant 0 : index
    %get3A_40 = vector.load %arg4[%get3A_38, %get3A_39] : memref<128x128xf32, #tpu.memory_space<vmem>>, vector<128x128xf32>
    %dot_general3A_41 = arith.constant dense<0.000000e+00> : vector<2000x128xf32>
    %dot_general3A_42 = tpu.matmul %mul3A_33, %get3A_40, %dot_general3A_41 {dimension_numbers = #tpu.dot_dimension_numbers<[1], [0], [0], [1], [0, 0, 1, 1], [], []>, transpose_lhs_hint = false} : vector<2000x128xf32>, vector<128x128xf32>, vector<2000x128xf32> -> vector<2000x128xf32>
    %add3A = arith.addf %dot_general3A_37, %dot_general3A_42 : vector<2000x128xf32>
    %get3A_43 = arith.constant 0 : index
    %get3A_44 = arith.constant 0 : index
    %get3A_45 = vector.load %arg5[%get3A_43, %get3A_44] : memref<1x128xf32, #tpu.memory_space<vmem>>, vector<1x128xf32>
    %add3A_46 = vector.broadcast %get3A_45 : vector<1x128xf32> to vector<2000x128xf32>
    %add3A_47 = arith.addf %add3A, %add3A_46 : vector<2000x128xf32>
    %ge3A = arith.constant 0.000000e+00 : f32
    %ge3A_48 = vector.broadcast %ge3A : f32 to vector<2000x128xf32>
    %ge3A_49 = arith.cmpf oge, %add3A_47, %ge3A_48 : vector<2000x128xf32>
    %mul3A_50 = arith.constant 2.000000e-01 : f32
    %mul3A_51 = vector.broadcast %mul3A_50 : f32 to vector<2000x128xf32>
    %mul3A_52 = arith.mulf %mul3A_51, %add3A_47 : vector<2000x128xf32>
    %select_n3A = arith.select %ge3A_49, %add3A_47, %mul3A_52 : vector<2000x128xi1>, vector<2000x128xf32>
    %convert_element_type3A_53 = arith.truncf %select_n3A : vector<2000x128xf32> to vector<2000x128xbf16>
    %swap3A = arith.constant 0 : index
    %swap3A_54 = arith.constant 0 : index
    %swap3A_55 = vector.load %arg6[%swap3A, %swap3A_54] : memref<2000x128xbf16, #tpu.memory_space<vmem>>, vector<2000x128xbf16>
    tpu.vector_store %arg6[%swap3A, %swap3A_54], %convert_element_type3A_53 {strides = array<i32>} : memref<2000x128xbf16, #tpu.memory_space<vmem>>, vector<2000x128xbf16>,
    return
  }
  func.func @transform_0(%arg0: i32) -> (i32, i32, i32) {
    %c0_i32 = arith.constant 0 : i32
    %c0_i32_0 = arith.constant 0 : i32
    %c0_i32_1 = arith.constant 0 : i32
    return %c0_i32, %arg0, %c0_i32_0 : i32, i32, i32
  }
  func.func @transform_1(%arg0: i32) -> (i32, i32, i32) {
    %c0_i32 = arith.constant 0 : i32
    %c0_i32_0 = arith.constant 0 : i32
    %c0_i32_1 = arith.constant 0 : i32
    return %c0_i32, %arg0, %c0_i32_0 : i32, i32, i32
  }
  func.func @transform_2(%arg0: i32) -> (i32, i32) {
    %c0_i32 = arith.constant 0 : i32
    %c0_i32_0 = arith.constant 0 : i32
    %c0_i32_1 = arith.constant 0 : i32
    return %c0_i32, %c0_i32_0 : i32, i32
  }
  func.func @transform_3(%arg0: i32) -> (i32, i32) {
    %c0_i32 = arith.constant 0 : i32
    %c0_i32_0 = arith.constant 0 : i32
    %c0_i32_1 = arith.constant 0 : i32
    return %c0_i32, %c0_i32_0 : i32, i32
  }
  func.func @transform_4(%arg0: i32) -> (i32, i32) {
    %c0_i32 = arith.constant 0 : i32
    %c0_i32_0 = arith.constant 0 : i32
    %c0_i32_1 = arith.constant 0 : i32
    return %c0_i32, %c0_i32_0 : i32, i32
  }
  func.func @transform_5(%arg0: i32) -> (i32, i32) {
    %c0_i32 = arith.constant 0 : i32
    %c0_i32_0 = arith.constant 0 : i32
    return %arg0, %c0_i32 : i32, i32
  }
}

module attributes {stable_mosaic.version = 14 : i64} {
  func.func @_lambda_(%arg0: i32, %arg1: memref<2x2000x128xbf16, #tpu.memory_space<vmem>>, %arg2: memref<2x2000x16xf32, #tpu.memory_space<vmem>>, %arg3: memref<128x128xf32, #tpu.memory_space<vmem>>, %arg4: memref<128x128xf32, #tpu.memory_space<vmem>>, %arg5: memref<1x128xf32, #tpu.memory_space<vmem>>, %arg6: memref<2000x128xf32, #tpu.memory_space<vmem>>) attributes {dimension_semantics = [#tpu.dimension_semantics<arbitrary>], iteration_bounds = array<i64: 5>, scalar_prefetch = 0 : i64, scratch_operands = 0 : i64, tpu.core_type = #tpu.core_type<tc>, window_params = [{transform_indices = @transform_0, window_bounds = array<i64: 2, 2000, 128>}, {transform_indices = @transform_1, window_bounds = array<i64: 2, 2000, 16>}, {pipeline_mode = #tpu.pipeline_mode<synchronous>, transform_indices = @transform_2, window_bounds = array<i64: 128, 128>}, {pipeline_mode = #tpu.pipeline_mode<synchronous>, transform_indices = @transform_3, window_bounds = array<i64: 128, 128>}, {pipeline_mode = #tpu.pipeline_mode<synchronous>, transform_indices = @transform_4, window_bounds = array<i64: 1, 128>}, {transform_indices = @transform_5, window_bounds = array<i64: 2000, 128>}]} {
    %get3A = arith.constant 0 : index
    %get3A_0 = arith.constant 0 : index
    %get3A_1 = arith.constant 0 : index
    %get3A_2 = vector.load %arg2[%get3A, %get3A_0, %get3A_1] : memref<2x2000x16xf32, #tpu.memory_space<vmem>>, vector<1x2000x16xf32>
    %get3A_3 = vector.shape_cast %get3A_2 : vector<1x2000x16xf32> to vector<2000x16xf32>
    %slice3A = vector.extract_strided_slice %get3A_3 {offsets = [0, 0], sizes = [2000, 1], strides = [1, 1]} : vector<2000x16xf32> to vector<2000x1xf32>
    %get3A_4 = arith.constant 1 : index
    %get3A_5 = arith.constant 0 : index
    %get3A_6 = arith.constant 0 : index
    %get3A_7 = vector.load %arg2[%get3A_4, %get3A_5, %get3A_6] : memref<2x2000x16xf32, #tpu.memory_space<vmem>>, vector<1x2000x16xf32>
    %get3A_8 = vector.shape_cast %get3A_7 : vector<1x2000x16xf32> to vector<2000x16xf32>
    %slice3A_9 = vector.extract_strided_slice %get3A_8 {offsets = [0, 0], sizes = [2000, 1], strides = [1, 1]} : vector<2000x16xf32> to vector<2000x1xf32>
    %max3A = arith.constant 1.000000e+00 : f32
    %max3A_10 = vector.broadcast %max3A : f32 to vector<2000x1xf32>
    %max3A_11 = arith.maximumf %slice3A, %max3A_10 : vector<2000x1xf32>
    %div3A = arith.constant 1.000000e+00 : f32
    %div3A_12 = vector.broadcast %div3A : f32 to vector<2000x1xf32>
    %div3A_13 = arith.divf %div3A_12, %max3A_11 : vector<2000x1xf32>
    %max3A_14 = arith.constant 1.000000e+00 : f32
    %max3A_15 = vector.broadcast %max3A_14 : f32 to vector<2000x1xf32>
    %max3A_16 = arith.maximumf %slice3A_9, %max3A_15 : vector<2000x1xf32>
    %div3A_17 = arith.constant 1.000000e+00 : f32
    %div3A_18 = vector.broadcast %div3A_17 : f32 to vector<2000x1xf32>
    %div3A_19 = arith.divf %div3A_18, %max3A_16 : vector<2000x1xf32>
    %get3A_20 = arith.constant 0 : index
    %get3A_21 = arith.constant 0 : index
    %get3A_22 = arith.constant 0 : index
    %get3A_23 = vector.load %arg1[%get3A_20, %get3A_21, %get3A_22] : memref<2x2000x128xbf16, #tpu.memory_space<vmem>>, vector<1x2000x128xbf16>
    %get3A_24 = vector.shape_cast %get3A_23 : vector<1x2000x128xbf16> to vector<2000x128xbf16>
    %convert_element_type3A = arith.extf %get3A_24 : vector<2000x128xbf16> to vector<2000x128xf32>
    %mul3A = vector.broadcast %div3A_13 : vector<2000x1xf32> to vector<2000x128xf32>
    %mul3A_25 = arith.mulf %convert_element_type3A, %mul3A : vector<2000x128xf32>
    %get3A_26 = arith.constant 1 : index
    %get3A_27 = arith.constant 0 : index
    %get3A_28 = arith.constant 0 : index
    %get3A_29 = vector.load %arg1[%get3A_26, %get3A_27, %get3A_28] : memref<2x2000x128xbf16, #tpu.memory_space<vmem>>, vector<1x2000x128xbf16>
    %get3A_30 = vector.shape_cast %get3A_29 : vector<1x2000x128xbf16> to vector<2000x128xbf16>
    %convert_element_type3A_31 = arith.extf %get3A_30 : vector<2000x128xbf16> to vector<2000x128xf32>
    %mul3A_32 = vector.broadcast %div3A_19 : vector<2000x1xf32> to vector<2000x128xf32>
    %mul3A_33 = arith.mulf %convert_element_type3A_31, %mul3A_32 : vector<2000x128xf32>
    %get3A_34 = arith.constant 0 : index
    %get3A_35 = arith.constant 0 : index
    %get3A_36 = vector.load %arg3[%get3A_34, %get3A_35] : memref<128x128xf32, #tpu.memory_space<vmem>>, vector<128x128xf32>
    %dot_general3A = arith.constant dense<0.000000e+00> : vector<2000x128xf32>
    %dot_general3A_37 = tpu.matmul %mul3A_25, %get3A_36, %dot_general3A {dimension_numbers = #tpu.dot_dimension_numbers<[1], [0], [0], [1], [0, 0, 1, 1], [], []>, transpose_lhs_hint = false} : vector<2000x128xf32>, vector<128x128xf32>, vector<2000x128xf32> -> vector<2000x128xf32>
    %get3A_38 = arith.constant 0 : index
    %get3A_39 = arith.constant 0 : index
    %get3A_40 = vector.load %arg4[%get3A_38, %get3A_39] : memref<128x128xf32, #tpu.memory_space<vmem>>, vector<128x128xf32>
    %dot_general3A_41 = arith.constant dense<0.000000e+00> : vector<2000x128xf32>
    %dot_general3A_42 = tpu.matmul %mul3A_33, %get3A_40, %dot_general3A_41 {dimension_numbers = #tpu.dot_dimension_numbers<[1], [0], [0], [1], [0, 0, 1, 1], [], []>, transpose_lhs_hint = false} : vector<2000x128xf32>, vector<128x128xf32>, vector<2000x128xf32> -> vector<2000x128xf32>
    %add3A = arith.addf %dot_general3A_37, %dot_general3A_42 : vector<2000x128xf32>
    %get3A_43 = arith.constant 0 : index
    %get3A_44 = arith.constant 0 : index
    %get3A_45 = vector.load %arg5[%get3A_43, %get3A_44] : memref<1x128xf32, #tpu.memory_space<vmem>>, vector<1x128xf32>
    %add3A_46 = vector.broadcast %get3A_45 : vector<1x128xf32> to vector<2000x128xf32>
    %add3A_47 = arith.addf %add3A, %add3A_46 : vector<2000x128xf32>
    %ge3A = arith.constant 0.000000e+00 : f32
    %ge3A_48 = vector.broadcast %ge3A : f32 to vector<2000x128xf32>
    %ge3A_49 = arith.cmpf oge, %add3A_47, %ge3A_48 : vector<2000x128xf32>
    %mul3A_50 = arith.constant 2.000000e-01 : f32
    %mul3A_51 = vector.broadcast %mul3A_50 : f32 to vector<2000x128xf32>
    %mul3A_52 = arith.mulf %mul3A_51, %add3A_47 : vector<2000x128xf32>
    %select_n3A = arith.select %ge3A_49, %add3A_47, %mul3A_52 : vector<2000x128xi1>, vector<2000x128xf32>
    %swap3A = arith.constant 0 : index
    %swap3A_53 = arith.constant 0 : index
    %swap3A_54 = vector.load %arg6[%swap3A, %swap3A_53] : memref<2000x128xf32, #tpu.memory_space<vmem>>, vector<2000x128xf32>
    tpu.vector_store %arg6[%swap3A, %swap3A_53], %select_n3A {strides = array<i32>} : memref<2000x128xf32, #tpu.memory_space<vmem>>, vector<2000x128xf32>,
    return
  }
  func.func @transform_0(%arg0: i32) -> (i32, i32, i32) {
    %c0_i32 = arith.constant 0 : i32
    %c0_i32_0 = arith.constant 0 : i32
    %c0_i32_1 = arith.constant 0 : i32
    return %c0_i32, %arg0, %c0_i32_0 : i32, i32, i32
  }
  func.func @transform_1(%arg0: i32) -> (i32, i32, i32) {
    %c0_i32 = arith.constant 0 : i32
    %c0_i32_0 = arith.constant 0 : i32
    %c0_i32_1 = arith.constant 0 : i32
    return %c0_i32, %arg0, %c0_i32_0 : i32, i32, i32
  }
  func.func @transform_2(%arg0: i32) -> (i32, i32) {
    %c0_i32 = arith.constant 0 : i32
    %c0_i32_0 = arith.constant 0 : i32
    %c0_i32_1 = arith.constant 0 : i32
    return %c0_i32, %c0_i32_0 : i32, i32
  }
  func.func @transform_3(%arg0: i32) -> (i32, i32) {
    %c0_i32 = arith.constant 0 : i32
    %c0_i32_0 = arith.constant 0 : i32
    %c0_i32_1 = arith.constant 0 : i32
    return %c0_i32, %c0_i32_0 : i32, i32
  }
  func.func @transform_4(%arg0: i32) -> (i32, i32) {
    %c0_i32 = arith.constant 0 : i32
    %c0_i32_0 = arith.constant 0 : i32
    %c0_i32_1 = arith.constant 0 : i32
    return %c0_i32, %c0_i32_0 : i32, i32
  }
  func.func @transform_5(%arg0: i32) -> (i32, i32) {
    %c0_i32 = arith.constant 0 : i32
    %c0_i32_0 = arith.constant 0 : i32
    return %arg0, %c0_i32 : i32, i32
  }
}

</mosaic_0001>

<sc_bundles>
// kernel: kernel.10.cloned.1.call-start
scs
__scs_entry_jumppad:
0x0: {  	(pc) =	sbr.rel $0x88, $3  }
0x1: {  	(tag) =	ssettag $0x0;
	lr =	simm.s32 $0x1  }
0x2: {  	[smem:$0x3F98] =	sst lr;
	_ =	strace $0xD0000000  }
0x3: {  	_ = 	snop  }
0x4: {  	_ = 	snop  }
0x5: {  	_ = 	snop  }
0x6: {  	_ = 	snop  }
0x7: {  	_ = 	snop  }
__scs_overlays_trampoline_lowered:
0x8: {  	[smem:$0x3FA7] =	sst s0  }
0x9: {  	[smem:$0x3FA8] =	sst s1  }
0xa: {  	[smem:$0x3FA9] =	sst s2  }
0xb: {  	[smem:$0x3FAA] =	sst s3  }
0xc: {  	[smem:$0x3FAB] =	sst s4  }
0xd: {  	[smem:$0x3FAC] =	sst s5  }
0xe: {  	[smem:$0x3FAD] =	sst s6  }
0xf: {  	[smem:$0x3FAE] =	sst s7  }
0x10: {  	[smem:$0x3FAF] =	sst s8  }
0x11: {  	[smem:$0x3FB0] =	sst s9;
	s0 =	simm.s32 @!p0 $0x0  }
0x12: {  	s1 =	sld [smem:$0x3F96];
	s0 =	simm.s32 @p0 $0x1  }
0x13: {  	[smem:$0x3FB1] =	sst s0;
	s0 =	simm.s32 @!p1 $0x0  }
0x14: {  	s2 =	sld [smem:$0x3F95];
	s0 =	simm.s32 @p1 $0x1  }
0x15: {  	[smem:$0x3FB2] =	sst s0;
	s0 =	simm.s32 @!p2 $0x0  }
0x16: {  	s3 =	sld [smem:$0x3FDB];
	s0 =	simm.s32 @p2 $0x1  }
0x17: {  	s4 =	simm.s32 $0x1BF5;
	[smem:$0x3FB4] =	sst s0  }
0x18: {  	s0 =	sld [smem:$0x3F97];
	_ =	swait.ge [sflag:s4], $0x0  }
0x19: {  	s7 =	sld [smem:$0x3F98]  }
0x1a: {  	s8 =	sadd.s32 $0xFFFFE003, lr  }
0x1b: {  	s9 =	sadd.s32 $0xFFFFFEF7, lr;
	s5 =	simm.s32 $0xFFFFFFFF;
	p2 =	slt.u32 s8, $0xFFFFF086  }
0x1c: {  	p1 =	slt.u32 s9, $0xF7A;
	s5 =	simm.s32 @!p2 $0x0  }
0x1d: {  	s5 =	simm.s32 @p1 $0x1;
	p0 =	seq.s32 s7, s2  }
0x1e: {  	s7 =	smul.u32 @!p0 $0xF7A, s2;
	p2 =	seq.s32 @!p0 s5, $0x0  }
0x1f: {  	s9 =	smul.u32 $0xF7A, s1;
	s8 =	simm.s32 @!p0 $0x1BF5;
	p2 =	por !p2, p0  }
0x20: {  	[sflag:s8] =	ssyncset.s32 @!p0 $0xFFFFF086;
	s6 =	sadd.s32 @!p0 s3, s7;
	s7 =	simm.s32 @!p0 $0x108  }
0x21: {  	s3 =	sadd.s32 s3, s9;
	s6 =	sadd.s32 @!p0 $0x88, s6;
	s7 =	simm.s32 @p2 $0x1082  }
0x22: {  	[simem:s7], [sflag:s8] =	dma.local @!p0 [hbm:s6], $0xF7A  }
0x23: {  	s9 =	sor.u32 $0xD0000000, s2;
	s6 =	simm.s32 $0x108;
	_ =	swait.ge @!p0 [sflag:s8], $0x0  }
0x24: {  	s3 =	sadd.s32 $0x88, s3;
	s6 =	simm.s32 @!p1 $0x1082;
	[sflag:s4] =	ssyncset.s32 $0xFFFFF086  }
0x25: {  	[simem:s6], [sflag:s4] =	dma.local [hbm:s3], $0xF7A  }
0x26: {  	[smem:$0x3F98] =	sst s1;
	(tag) =	ssettag s2;
	_ =	strace s9  }
0x27: {  	s1 =	sld [smem:$0x3FA8]  }
0x28: {  	s2 =	sld [smem:$0x3FA9]  }
0x29: {  	s4 =	sld [smem:$0x3FAB]  }
0x2a: {  	p0 =	seq.s32 s5, $0x0;
	s5 =	sld [smem:$0x3FAC]  }
0x2b: {  	s6 =	sld [smem:$0x3FAD]  }
0x2c: {  	s7 =	sld [smem:$0x3FAE]  }
0x2d: {  	s3 =	simm.s32 $0x108;
	s8 =	sld [smem:$0x3FAF]  }
0x2e: {  	s3 =	simm.s32 @!p0 $0x1082;
	s9 =	sld [smem:$0x3FB0]  }
0x2f: {  	lr =	sadd.s32 s0, s3;
	s0 =	sld [smem:$0x3FA7]  }
0x30: {  	s3 =	sld [smem:$0x3FAA]  }
0x31: {  	[smem:$0x3FB3] =	sst s10  }
0x32: {  	s10 =	sld [smem:$0x3FB1];
	_ =	sdelay $0x3  }
0x33: {  	p0 =	seq.s32 s10, $0x1;
	s10 =	sld [smem:$0x3FB3];
	_ =	sdelay $0x3  }
0x34: {  	[smem:$0x3FB3] =	sst s10  }
0x35: {  	s10 =	sld [smem:$0x3FB2];
	_ =	sdelay $0x3  }
0x36: {  	p1 =	seq.s32 s10, $0x1;
	s10 =	sld [smem:$0x3FB3];
	_ =	sdelay $0x3  }
0x37: {  	[smem:$0x3FB3] =	sst s10  }
0x38: {  	s10 =	sld [smem:$0x3FB4]  }
0x39: {  	_ = 	snop;
	(pc) =	sbr.ind lr, $3  }
0x3a: {  	_ = 	snop  }
0x3b: {  	_ = 	snop  }
0x3c: {  	p2 =	seq.s32 s10, $0x1;
	s10 =	sld [smem:$0x3FB3]  }
0x3d: {  	_ =	shalt  }
0x3e: {  	_ =	shalt  }
0x3f: {  	_ =	shalt  }
0x40: {  	_ =	shalt  }
0x41: {  	_ =	shalt  }
0x42: {  	_ =	shalt  }
0x43: {  	_ =	shalt  }
0x44: {  	_ =	shalt  }
0x45: {  	_ =	shalt  }
0x46: {  	_ =	shalt  }
0x47: {  	_ =	shalt  }
0x48: {  	_ =	shalt  }
0x49: {  	_ =	shalt  }
0x4a: {  	_ =	shalt  }
0x4b: {  	_ =	shalt  }
0x4c: {  	_ =	shalt  }
0x4d: {  	_ =	shalt  }
0x4e: {  	_ =	shalt  }
0x4f: {  	_ =	shalt  }
0x50: {  	_ =	shalt  }
0x51: {  	_ =	shalt  }
0x52: {  	_ =	shalt  }
0x53: {  	_ =	shalt  }
0x54: {  	_ =	shalt  }
0x55: {  	_ =	shalt  }
0x56: {  	_ =	shalt  }
0x57: {  	_ =	shalt  }
0x58: {  	_ =	shalt  }
0x59: {  	_ =	shalt  }
0x5a: {  	_ =	shalt  }
0x5b: {  	_ =	shalt  }
0x5c: {  	_ =	shalt  }
0x5d: {  	_ =	shalt  }
0x5e: {  	_ =	shalt  }
0x5f: {  	_ =	shalt  }
0x60: {  	_ =	shalt  }
0x61: {  	_ =	shalt  }
0x62: {  	_ =	shalt  }
0x63: {  	_ =	shalt  }
0x64: {  	_ =	shalt  }
0x65: {  	_ =	shalt  }
0x66: {  	_ =	shalt  }
0x67: {  	_ =	shalt  }
0x68: {  	_ =	shalt  }
0x69: {  	_ =	shalt  }
0x6a: {  	_ =	shalt  }
0x6b: {  	_ =	shalt  }
0x6c: {  	_ =	shalt  }
0x6d: {  	_ =	shalt  }
0x6e: {  	_ =	shalt  }
0x6f: {  	_ =	shalt  }
0x70: {  	_ =	shalt  }
0x71: {  	_ =	shalt  }
0x72: {  	_ =	shalt  }
0x73: {  	_ =	shalt  }
0x74: {  	_ =	shalt  }
0x75: {  	_ =	shalt  }
0x76: {  	_ =	shalt  }
0x77: {  	_ =	shalt  }
0x78: {  	_ =	shalt  }
0x79: {  	_ =	shalt  }
0x7a: {  	_ =	shalt  }
0x7b: {  	_ =	shalt  }
0x7c: {  	_ =	shalt  }
0x7d: {  	_ =	shalt  }
0x7e: {  	_ =	shalt  }
0x7f: {  	_ =	shalt  }
0x80: {  	_ =	shalt  }
0x81: {  	_ =	shalt  }
0x82: {  	_ =	shalt  }
0x83: {  	_ =	shalt  }
0x84: {  	_ =	shalt  }
0x85: {  	_ =	shalt  }
0x86: {  	_ =	shalt  }
0x87: {  	_ =	shalt  }
.Lfunc_end0:
.L_simem_size_0:
called_computation.1_lowered:
.L_overlay_start_0:
0x88: {  	s2 =	sld [smem:$0x3FD9]  }
0x89: {  	s3 =	sld [smem:$0x3FFE];
	_ =	sdelay $0x1  }
0x8a: {  	s1 =	srdreg.scid  }
0x8b: {  	s0 =	sand.u32 $0x1, s1  }
0x8c: {  	s17 =	sshll.u32 s0, $0xA;
	s2 =	sadd.s32 s3, s2  }
0x8d: {  	s2 =	sadd.s32 s2, s17  }
0x8e: {  	[smem:$0x3FBF] =	sst s2  }
0x8f: {  	_ = 	snop  }
0x90: {  	s2 =	sld [smem:$0x3FD0];
	(tm) =	ssettm $0x1  }
0x91: {  	s18 =	sld [smem:$0x3FFB];
	_ =	sdelay $0x3  }
0x92: {  	_ =	strace s18  }
0x93: {  	s3 =	sld [smem:$0x3FFC];
	_ =	sdelay $0x3  }
0x94: {  	_ =	strace s3  }
0x95: {  	s3 =	sld [smem:$0x3FFD];
	_ =	sdelay $0x3  }
0x96: {  	_ =	strace s3  }
0x97: {  	_ =	strace $0x8FFFFFFF  }
0x98: {  	s19 =	sld [smem:$0x3FDB];
	_ =	sdelay $0x1  }
0x99: {  	s4 =	simm.s32 $_scs_section_size  }
0x9a: {  	s5 =	simm.s32 $_size__tile_overlayer_lowered;
	s6 =	simm.s32 $_tile_overlayer_lowered  }
0x9b: {  	s22 =	simm.s32 $0x1BFF;
	s21 =	sshll.u32 s6, $0x1;
	s3 =	sadd.s32 s4, s19  }
0x9c: {  	s7 =	simm.s32 $0x0;
	s20 =	sshll.u32 s5, $0x1;
	s5 =	sadd.s32 s21, s3  }
0x9d: {  	[timem:s7], [sflag:s22] =	dma.local [hbm:s5], s20  }
0x9e: {  	_ =	swait.ge [sflag:s22], s20  }
0x9f: {  	s4 =	ssub.s32 $0x0, s20;
	[sflag:s22] =	ssyncset.done $0x0  }
0xa0: {  	[sflag:s22] =	ssyncadd.s32 s4;
	_ =	sdelay $0x1  }
0xa1: {  	s23 =	simm.s32 $0x1B8B  }
0xa2: {  	_ =	swait.ge [sflag:s23], $0x1  }
0xa3: {  	[sflag:s23] =	ssyncset.done $0x0  }
0xa4: {  	s25 =	simm.s32 $0x1B8E;
	s24 =	sld [smem:$0x3FFE];
	[sflag:s23] =	ssyncadd.s32 $0xFFFFFFFF  }
0xa5: {  	s26 =	simm.s32 $execute0_lowered;
	[smem:$0x3FD2] =	sst s25  }
0xa6: {  	s5 =	sshll.u32 s26, $0x1;
	_ =	strace $0x80000046;
	[dreg:$0x1] =	wrdreg $0xFFFFFFFF  }
0xa7: {  	s28 =	simm.s32 $_size_execute0_lowered;
	s3 =	sadd.s32 s3, s5;
	[dreg:$0x0] =	wrdreg $0x0  }
0xa8: {  	s5 =	sshll.u32 s28, $0x1;
	[dreg:$0x2] =	wrdreg s3  }
0xa9: {  	[dreg:$0x3] =	wrdreg s5  }
0xaa: {  	[dreg:$0x4] =	wrdreg $0xC0  }
0xab: {  	_ =	task [dreg:s7], $0x5FFFF  }
0xac: {  	[dreg:$0x1] =	wrdreg $0xFFFFFFFF  }
0xad: {  	[dreg:$0x0] =	wrdreg $0x60  }
0xae: {  	[dreg:$0x2] =	wrdreg s2  }
0xaf: {  	[dreg:$0x3] =	wrdreg s24  }
0xb0: {  	[dreg:$0x4] =	wrdreg $0xF0000  }
0xb1: {  	[dreg:$0x5] =	wrdreg $0xA  }
0xb2: {  	_ =	task.clear_ibuf [dreg:s7], $0x6FFFF;
	_ =	strace $0x90000046  }
0xb3: {  	s29 =	simm.s32 $0xA;
	_ =	strace $0x80000048  }
0xb4: {  	_ =	swait.ge [sflag:s29], $0x1  }
0xb5: {  	[sflag:s29] =	ssyncadd.s32 $0xFFFFFFFF  }
0xb6: {  	_ =	strace $0x90000048  }
0xb7: {  	_ =	sfence  }
0xb8: {  	s30 =	sld [smem:$0x0];
	_ =	sdelay $0x2  }
0xb9: {  	s31 =	sshll.u32 s1, $0xD;
	s1 =	sshrl.u32 s1, $0x2  }
0xba: {  	s3 =	sand.u32 $0x4000, s31;
	s1 =	sadd.s32 s1, s30  }
0xbb: {  	s0 =	sor.u32 s3, s0;
	s1 =	sshll.u32 s1, $0x11  }
0xbc: {  	s0 =	sor.u32 s1, s0  }
0xbd: {  	s0 =	sadd.s32 $0x8F2B, s0  }
0xbe: {  	[sflag:s0] =	ssyncadd.remote.s32 $0x1  }
0xbf: {  	_ =	sfence.sel $0xFFFF  }
0xc0: {  	[dreg:$0x0] =	wrdreg $0xFFFFFFFF;
	(pc) =	sbr.abs _section_cstart, $3  }
0xc1: {  	[dreg:$0x1] =	wrdreg $0xFFFFFFFF  }
0xc2: {  	_ =	task.clear_ibuf [dreg:s7], $0x2FFFF;
	_ =	strace $0x9FFFFFFF  }
0xc3: {  	(tm) =	ssettm $0x7FFFFFFF  }
tec
execute0_lowered:
.L_overlay_start_1:
0x0: {  	(tag) =	ssettag $0x1  }
0x1: {  	s1 =	rddreg [dreg:$0x0]  }
0x2: {  	s0 =	srdreg.scid;
	s2 =	rddreg [dreg:$0x1]  }
0x3: {  	s25 =	stileid.u32;
	s3 =	rddreg [dreg:$0x2];
	s4 =	simm.s32 $0x0  }
0x4: {  	s14 =	simm.s32 $0x2;
	s15 =	simm.s32 $0x2800;
	s16 =	simm.s32 $0xD000  }
0x5: {  	s17 =	simm.s32 $0x80;
	s18 =	simm.s32 $0x5000;
	s19 =	simm.s32 $0x7000  }
0x6: {  	s20 =	simm.s32 $0x100;
	s21 =	simm.s32 $0x9000;
	s22 =	simm.s32 $0x180  }
0x7: {  	s23 =	simm.s32 $0xB000;
	s24 =	simm.s32 $0x1;
	s7 =	smul.u32 $0x2800, s25  }
0x8: {  	s28 =	simm.s32 $0x4F00;
	s29 =	simm.s32 $0x4F80;
	s8 =	smul.u32 $0x14000, s25  }
0x9: {  	s30 =	simm.s32 $0x0;
	s5 =	sand.u32 $0x1, s0;
	s9 =	smul.u32 $0x28000, s25  }
0xa: {  	[smem:$0x7FF] =	sst s4;
	s25 =	simm.s32 $0x4E00;
	s6 =	smul.u32 $0x28000, s5  }
0xb: {  	s26 =	smul.u32 $0x140000, s5;
	_ =	strace $0x80000047;
	s5 =	ssub.s32 $0x2, s5  }
0xc: {  	s10 =	sshrl.u32 s5, $0x1;
	s31 =	sshrl.u32 s9, $0x2;
	s6 =	sadd.s32 s7, s6  }
0xd: {  	s7 =	sadd.s32 s8, s26;
	s13 =	ssub.s32 s5, s10;
	s8 =	sshrl.u32 s8, $0x1  }
0xe: {  	s11 =	sadd.s32 s31, s3;
	s26 =	simm.s32 $0x4E80;
	s6 =	sshrl.u32 s6, $0x3  }
0xf: {  	s7 =	sshrl.u32 s7, $0x4;
	s9 =	sadd.s32 $0x4000, s11;
	s10 =	sadd.s32 $0x6000, s11  }
0x10: {  	s13 =	smax.u32 s13, $0x1;
	s6 =	sadd.s32 s6, s2;
	s2 =	sadd.s32 s7, s2  }
0x11: {  	s7 =	sadd.s32 s8, s3;
	s8 =	sadd.s32 $0x2000, s11;
	s11 =	sadd.s32 $0x8000, s11  }
0x12: {  	v0 =	vimm.bf16 $0.0e+00;
	s5 =	sadd.s32 $0x2800, s6;
	s6 =	sadd.s32 $0xC800, s6;
	s12 =	sadd.s32 $0x16800, s2  }
.LBB2_1:
0x13: {  	[tilespmem:s4], [sflag:$0x2] =	stream.linear.gather [hbm4b:s5+s4], $0x2800, $0x38;
	[tilespmem:$0x19000] =	vst v63  }
0x14: {  	_ =	swait.ge [sflag:s14], $0x2800  }
0x15: {  	[sflag:s14] =	ssyncset.done $0x0  }
0x16: {  	[sflag:s14] =	ssyncadd.s32 $0xFFFFD800  }
0x17: {  	[tilespmem:s15], [sflag:$0x2] =	stream.linear.gather [hbm4b:s6+s4], $0x2800, $0x38;
	[tilespmem:$0x19000] =	vst v63  }
0x18: {  	_ =	swait.ge [sflag:s14], $0x2800  }
0x19: {  	[sflag:s14] =	ssyncset.done $0x0  }
0x1a: {  	s31 =	simm.s32 $0x100;
	s2 =	simm.s32 $0x0;
	[sflag:s14] =	ssyncadd.s32 $0xFFFFD800  }
.LBB2_2:
0x1b: {  	p0 =	sne.s32 s31, $0x7F00;
	[tilespmem:s2+$0xD030] =	vst v0;
	s0 =	smov.u32 s31;
	s31 =	sadd.s32 $0x100, s31  }
.Ltmp0:
0x1c: {  	[tilespmem:s2+$0xD020] =	vst v0;
	(pc) =	sbr.rel @p0 .LBB2_2-.Ltmp0, $3  }
0x1d: {  	[tilespmem:s2+$0xD000] =	vst v0  }
0x1e: {  	[tilespmem:s2+$0xD010] =	vst v0;
	_ =	sdelay $0x1  }
0x1f: {  	s2 =	sshra.s32 s0, $0x2  }
0x20: {  	[tilespmem:s2+$0xD030] =	vst v0  }
0x21: {  	[tilespmem:s2+$0xD020] =	vst v0  }
0x22: {  	[tilespmem:s2+$0xD000] =	vst v0  }
0x23: {  	[tilespmem:s2+$0xD010] =	vst v0  }
0x24: {  	[spmem:s7] =	stream.linear.scatter [tilespmem:s16], [sflag:$0x2], $0x2000, $0x38;
	[tilespmem:$0x19000] =	vst v63  }
0x25: {  	_ =	swait.ge [sflag:s14], $0x2000  }
0x26: {  	[sflag:s14] =	ssyncset.done $0x0  }
0x27: {  	[sflag:s14] =	ssyncadd.s32 $0xFFFFE000  }
0x28: {  	[spmem:s8] =	stream.linear.scatter [tilespmem:s16], [sflag:$0x2], $0x2000, $0x38;
	[tilespmem:$0x19000] =	vst v63  }
0x29: {  	_ =	swait.ge [sflag:s14], $0x2000  }
0x2a: {  	[sflag:s14] =	ssyncset.done $0x0  }
0x2b: {  	[sflag:s14] =	ssyncadd.s32 $0xFFFFE000  }
0x2c: {  	[spmem:s9] =	stream.linear.scatter [tilespmem:s16], [sflag:$0x2], $0x2000, $0x38;
	[tilespmem:$0x19000] =	vst v63  }
0x2d: {  	_ =	swait.ge [sflag:s14], $0x2000  }
0x2e: {  	[sflag:s14] =	ssyncset.done $0x0  }
0x2f: {  	[sflag:s14] =	ssyncadd.s32 $0xFFFFE000  }
0x30: {  	[spmem:s10] =	stream.linear.scatter [tilespmem:s16], [sflag:$0x2], $0x2000, $0x38;
	[tilespmem:$0x19000] =	vst v63  }
0x31: {  	_ =	swait.ge [sflag:s14], $0x2000  }
0x32: {  	[sflag:s14] =	ssyncset.done $0x0  }
0x33: {  	[sflag:s14] =	ssyncadd.s32 $0xFFFFE000  }
0x34: {  	[spmem:s11] =	stream.linear.scatter [tilespmem:s16], [sflag:$0x2], $0x2000, $0x38;
	[tilespmem:$0x19000] =	vst v63  }
0x35: {  	_ =	swait.ge [sflag:s14], $0x2000  }
0x36: {  	[sflag:s14] =	ssyncset.done $0x0  }
0x37: {  	[sflag:s14] =	ssyncadd.s32 $0xFFFFE000  }
0x38: {  	s0 =	simm.s32 $0x0;
	[bflag:$0x0] =	sbarrier.arrive $0xFFFF  }
0x39: {  	[tilespmem:s18], [sflag:$0x1] =	stream.indirect.gather [hbm4b:s1+s17], $0x40, s0, s17, $0xb8;
	[tilespmem:$0x19000] =	vst v63  }
0x3a: {  	_ = 	snop  }
0x3b: {  	[tilespmem:s19], [sflag:$0x1] =	stream.indirect.gather [hbm4b:s1+s17], $0x40, s17, s17, $0xb8;
	[tilespmem:$0x19000] =	vst v63  }
0x3c: {  	_ = 	snop  }
0x3d: {  	[tilespmem:s21], [sflag:$0x1] =	stream.indirect.gather [hbm4b:s1+s17], $0x40, s20, s17, $0xb8;
	[tilespmem:$0x19000] =	vst v63  }
0x3e: {  	_ = 	snop  }
0x3f: {  	[tilespmem:s23], [sflag:$0x1] =	stream.indirect.gather [hbm4b:s1+s17], $0x40, s22, s17, $0xb8;
	[tilespmem:$0x19000] =	vst v63  }
0x40: {  	_ =	swait.ge [sflag:s24], $0x2000  }
0x41: {  	[sflag:s24] =	ssyncset.done $0x0  }
0x42: {  	s2 =	simm.s32 $0x2800;
	[sflag:s24] =	ssyncadd.s32 $0xFFFFE000  }
0x43: {  	[spmem:s3] =	stream.indirect.scatter.add.bf16 [tilespmem:s18], [sflag:$0x2], $0x40, s2, s17, $0xb8;
	[tilespmem:$0x19000] =	vst v63  }
0x44: {  	_ =	swait.ge [sflag:s14], $0x2000  }
0x45: {  	[sflag:s14] =	ssyncset.done $0x0  }
0x46: {  	s2 =	simm.s32 $0x200;
	[sflag:s14] =	ssyncadd.s32 $0xFFFFE000  }
0x47: {  	[tilespmem:s18], [sflag:$0x1] =	stream.indirect.gather [hbm4b:s1+s17], $0x40, s2, s17, $0xb8;
	[tilespmem:$0x19000] =	vst v63  }
0x48: {  	_ =	swait.ge [sflag:s24], $0x2000  }
0x49: {  	[sflag:s24] =	ssyncset.done $0x0  }
0x4a: {  	s2 =	simm.s32 $0x2880;
	[sflag:s24] =	ssyncadd.s32 $0xFFFFE000  }
0x4b: {  	[spmem:s3] =	stream.indirect.scatter.add.bf16 [tilespmem:s19], [sflag:$0x2], $0x40, s2, s17, $0xb8;
	[tilespmem:$0x19000] =	vst v63  }
0x4c: {  	_ =	swait.ge [sflag:s14], $0x2000  }
0x4d: {  	[sflag:s14] =	ssyncset.done $0x0  }
0x4e: {  	s2 =	simm.s32 $0x280;
	[sflag:s14] =	ssyncadd.s32 $0xFFFFE000  }
0x4f: {  	[tilespmem:s19], [sflag:$0x1] =	stream.indirect.gather [hbm4b:s1+s17], $0x40, s2, s17, $0xb8;
	[tilespmem:$0x19000] =	vst v63  }
0x50: {  	_ =	swait.ge [sflag:s24], $0x2000  }
0x51: {  	[sflag:s24] =	ssyncset.done $0x0  }
0x52: {  	s2 =	simm.s32 $0x2900;
	[sflag:s24] =	ssyncadd.s32 $0xFFFFE000  }
0x53: {  	[spmem:s3] =	stream.indirect.scatter.add.bf16 [tilespmem:s21], [sflag:$0x2], $0x40, s2, s17, $0xb8;
	[tilespmem:$0x19000] =	vst v63  }
0x54: {  	_ =	swait.ge [sflag:s14], $0x2000  }
0x55: {  	[sflag:s14] =	ssyncset.done $0x0  }
0x56: {  	s2 =	simm.s32 $0x300;
	[sflag:s14] =	ssyncadd.s32 $0xFFFFE000  }
0x57: {  	[tilespmem:s21], [sflag:$0x1] =	stream.indirect.gather [hbm4b:s1+s17], $0x40, s2, s17, $0xb8;
	[tilespmem:$0x19000] =	vst v63  }
0x58: {  	_ =	swait.ge [sflag:s24], $0x2000  }
0x59: {  	[sflag:s24] =	ssyncset.done $0x0  }
0x5a: {  	s2 =	simm.s32 $0x2980;
	[sflag:s24] =	ssyncadd.s32 $0xFFFFE000  }
0x5b: {  	[spmem:s3] =	stream.indirect.scatter.add.bf16 [tilespmem:s23], [sflag:$0x2], $0x40, s2, s17, $0xb8;
	[tilespmem:$0x19000] =	vst v63  }
0x5c: {  	_ =	swait.ge [sflag:s14], $0x2000  }
0x5d: {  	[sflag:s14] =	ssyncset.done $0x0  }
0x5e: {  	s31 =	simm.s32 $0x800;
	s2 =	simm.s32 $0x380;
	[sflag:s14] =	ssyncadd.s32 $0xFFFFE000  }
.LBB2_4:
0x5f: {  	[tilespmem:s23], [sflag:$0x1] =	stream.indirect.gather [hbm4b:s1+s17], $0x40, s2, s17, $0xb8;
	[tilespmem:$0x19000] =	vst v63  }
0x60: {  	s0 =	smov.u32 s31  }
0x61: {  	p0 =	sne.s32 s31, $0x9000;
	s31 =	sadd.s32 $0x800, s31;
	_ =	swait.ge [sflag:s24], $0x2000  }
0x62: {  	s2 =	sshra.s32 s0, $0x2;
	[sflag:s24] =	ssyncset.done $0x0  }
0x63: {  	s0 =	sadd.s32 $0x2800, s2;
	[sflag:s24] =	ssyncadd.s32 $0xFFFFE000  }
0x64: {  	[spmem:s3] =	stream.indirect.scatter.add.bf16 [tilespmem:s18], [sflag:$0x2], $0x40, s0, s17, $0xb8;
	[tilespmem:$0x19000] =	vst v63  }
0x65: {  	_ =	swait.ge [sflag:s14], $0x2000  }
0x66: {  	[sflag:s14] =	ssyncset.done $0x0  }
0x67: {  	s0 =	sadd.s32 $0x200, s2;
	[sflag:s14] =	ssyncadd.s32 $0xFFFFE000  }
0x68: {  	[tilespmem:s18], [sflag:$0x1] =	stream.indirect.gather [hbm4b:s1+s17], $0x40, s0, s17, $0xb8;
	[tilespmem:$0x19000] =	vst v63  }
0x69: {  	_ =	swait.ge [sflag:s24], $0x2000  }
0x6a: {  	[sflag:s24] =	ssyncset.done $0x0  }
0x6b: {  	s0 =	sadd.s32 $0x2880, s2;
	[sflag:s24] =	ssyncadd.s32 $0xFFFFE000  }
0x6c: {  	[spmem:s3] =	stream.indirect.scatter.add.bf16 [tilespmem:s19], [sflag:$0x2], $0x40, s0, s17, $0xb8;
	[tilespmem:$0x19000] =	vst v63  }
0x6d: {  	_ =	swait.ge [sflag:s14], $0x2000  }
0x6e: {  	[sflag:s14] =	ssyncset.done $0x0  }
0x6f: {  	s0 =	sadd.s32 $0x280, s2;
	[sflag:s14] =	ssyncadd.s32 $0xFFFFE000  }
0x70: {  	[tilespmem:s19], [sflag:$0x1] =	stream.indirect.gather [hbm4b:s1+s17], $0x40, s0, s17, $0xb8;
	[tilespmem:$0x19000] =	vst v63  }
0x71: {  	_ =	swait.ge [sflag:s24], $0x2000  }
0x72: {  	[sflag:s24] =	ssyncset.done $0x0  }
0x73: {  	s0 =	sadd.s32 $0x2900, s2;
	[sflag:s24] =	ssyncadd.s32 $0xFFFFE000  }
0x74: {  	[spmem:s3] =	stream.indirect.scatter.add.bf16 [tilespmem:s21], [sflag:$0x2], $0x40, s0, s17, $0xb8;
	[tilespmem:$0x19000] =	vst v63  }
0x75: {  	_ =	swait.ge [sflag:s14], $0x2000  }
0x76: {  	[sflag:s14] =	ssyncset.done $0x0  }
0x77: {  	s0 =	sadd.s32 $0x300, s2;
	[sflag:s14] =	ssyncadd.s32 $0xFFFFE000  }
0x78: {  	[tilespmem:s21], [sflag:$0x1] =	stream.indirect.gather [hbm4b:s1+s17], $0x40, s0, s17, $0xb8;
	[tilespmem:$0x19000] =	vst v63  }
0x79: {  	_ =	swait.ge [sflag:s24], $0x2000  }
0x7a: {  	[sflag:s24] =	ssyncset.done $0x0  }
.Ltmp1:
0x7b: {  	s0 =	sadd.s32 $0x2980, s2;
	[sflag:s24] =	ssyncadd.s32 $0xFFFFE000;
	(pc) =	sbr.rel @p0 .LBB2_4-.Ltmp1, $4  }
0x7c: {  	[spmem:s3] =	stream.indirect.scatter.add.bf16 [tilespmem:s23], [sflag:$0x2], $0x40, s0, s17, $0xb8;
	[tilespmem:$0x19000] =	vst v63  }
0x7d: {  	_ =	swait.ge [sflag:s14], $0x2000  }
0x7e: {  	[sflag:s14] =	ssyncset.done $0x0  }
0x7f: {  	s2 =	sadd.s32 $0x380, s2;
	[sflag:s14] =	ssyncadd.s32 $0xFFFFE000  }
0x80: {  	[tilespmem:s23], [sflag:$0x1] =	stream.indirect.gather [hbm4b:s1+s17], $0x40, s2, s17, $0xb8;
	[tilespmem:$0x19000] =	vst v63  }
0x81: {  	_ =	swait.ge [sflag:s24], $0x2000  }
0x82: {  	[sflag:s24] =	ssyncset.done $0x0  }
0x83: {  	[sflag:s24] =	ssyncadd.s32 $0xFFFFE000  }
0x84: {  	[spmem:s3] =	stream.indirect.scatter.add.bf16 [tilespmem:s18], [sflag:$0x2], $0x40, s25, s17, $0xb8;
	[tilespmem:$0x19000] =	vst v63  }
0x85: {  	_ =	swait.ge [sflag:s14], $0x2000  }
0x86: {  	[sflag:s14] =	ssyncset.done $0x0  }
0x87: {  	[sflag:s14] =	ssyncadd.s32 $0xFFFFE000  }
0x88: {  	_ =	swait.ge [sflag:s24], $0x2000  }
0x89: {  	[sflag:s24] =	ssyncset.done $0x0  }
0x8a: {  	[sflag:s24] =	ssyncadd.s32 $0xFFFFE000  }
0x8b: {  	[spmem:s3] =	stream.indirect.scatter.add.bf16 [tilespmem:s19], [sflag:$0x2], $0x40, s26, s17, $0xb8;
	[tilespmem:$0x19000] =	vst v63  }
0x8c: {  	_ =	swait.ge [sflag:s14], $0x2000  }
0x8d: {  	[sflag:s14] =	ssyncset.done $0x0  }
0x8e: {  	[sflag:s14] =	ssyncadd.s32 $0xFFFFE000  }
0x8f: {  	_ =	swait.ge [sflag:s24], $0x2000  }
0x90: {  	[sflag:s24] =	ssyncset.done $0x0  }
0x91: {  	[sflag:s24] =	ssyncadd.s32 $0xFFFFE000  }
0x92: {  	[spmem:s3] =	stream.indirect.scatter.add.bf16 [tilespmem:s21], [sflag:$0x2], $0x40, s28, s17, $0xb8;
	[tilespmem:$0x19000] =	vst v63  }
0x93: {  	_ =	swait.ge [sflag:s14], $0x2000  }
0x94: {  	[sflag:s14] =	ssyncset.done $0x0  }
0x95: {  	[sflag:s14] =	ssyncadd.s32 $0xFFFFE000  }
0x96: {  	_ =	swait.ge [sflag:s24], $0x2000  }
0x97: {  	[sflag:s24] =	ssyncset.done $0x0  }
0x98: {  	[sflag:s24] =	ssyncadd.s32 $0xFFFFE000  }
0x99: {  	[spmem:s3] =	stream.indirect.scatter.add.bf16 [tilespmem:s23], [sflag:$0x2], $0x40, s29, s17, $0xb8;
	[tilespmem:$0x19000] =	vst v63  }
0x9a: {  	s0 =	stileid.u32;
	_ =	swait.ge [sflag:s14], $0x2000  }
0x9b: {  	s31 =	sshrl.u32 s7, $0x3;
	s30 =	sadd.s32 $0x1, s30;
	[sflag:s14] =	ssyncset.done $0x0  }
0x9c: {  	s0 =	sshll.u32 s0, $0x6;
	p0 =	sne.s32 s30, s13;
	[sflag:s14] =	ssyncadd.s32 $0xFFFFE000  }
.Ltmp2:
0x9d: {  	s0 =	sor.u32 $0x1C02, s0;
	[bflag:$0x0] =	sbarrier.arrive $0xFFFF;
	(pc) =	sbr.rel @p0 .LBB2_1-.Ltmp2, $4  }
0x9e: {  	[hbm:s12], [sflag:s0] =	dma.local [spmem:s31], $0x1400  }
0x9f: {  	_ =	swait.ge [sflag:s14], $0x1400  }
0xa0: {  	[sflag:s14] =	ssyncset.done $0x0  }
0xa1: {  	[sflag:s14] =	ssyncadd.s32 $0xFFFFEC00  }
0xa2: {  	_ =	sfence.sel $0x180000  }
0xa3: {  	[bflag:$0x0] =	sbarrier.arrive $0xFFFF  }
0xa4: {  	_ =	strace $0x90000047  }
0xa5: {  	s0 =	stileid.u32;
	[bflag:$0x2] =	sbarrier.arrive $0xFFFF  }
0xa6: {  	p0 =	sne.s32 s0, $0x0;
	s0 =	rddreg [dreg:$0x3]  }
0xa7: {  	s0 =	sadd.s32 @!p0 $0x100000, s0  }
0xa8: {  	[sflag:s0] =	ssyncadd.tile.s32 @!p0 $0x1;
	_ =	shalt  }
.Lfunc_end2:
_tile_overlayer_lowered:
.L_overlay_start_2:
0xa9: {  	(tag) =	ssettag $0x2  }
0xaa: {  	s0 =	rddreg [dreg:$0x0];
	s2 =	stileid.u32  }
0xab: {  	s1 =	rddreg [dreg:$0x1];
	p0 =	sne.s32 s2, $0x0  }
0xac: {  	s3 =	rddreg [dreg:$0x2];
	[bflag:$0x3] =	sbarrier.arrive $0xFFFF;
	s2 =	simm.s32 @!p0 $0x1C02  }
0xad: {  	[timem:s3], [sflag:s2] =	dma.local @!p0 [hbm:s0], s1  }
0xae: {  	s0 =	simm.s32 @!p0 $0x2  }
0xaf: {  	_ =	swait.ge @!p0 [sflag:s0], s1  }
0xb0: {  	s1 =	ssub.s32 @!p0 $0x0, s1;
	[sflag:s0] =	ssyncset.done @!p0 $0x0  }
0xb1: {  	[sflag:s0] =	ssyncadd.s32 @!p0 s1  }
0xb2: {  	[bflag:$0x3] =	sbarrier.arrive $0xFFFF  }
0xb3: {  	_ =	shalt  }

// kernel: kernel.13.cloned.1.call-start
scs
__scs_entry_jumppad:
0x0: {  	(pc) =	sbr.rel $0x88, $3  }
0x1: {  	(tag) =	ssettag $0x0;
	lr =	simm.s32 $0x1  }
0x2: {  	[smem:$0x3F98] =	sst lr;
	_ =	strace $0xD0000000  }
0x3: {  	_ = 	snop  }
0x4: {  	_ = 	snop  }
0x5: {  	_ = 	snop  }
0x6: {  	_ = 	snop  }
0x7: {  	_ = 	snop  }
__scs_overlays_trampoline_lowered:
0x8: {  	[smem:$0x3FA7] =	sst s0  }
0x9: {  	[smem:$0x3FA8] =	sst s1  }
0xa: {  	[smem:$0x3FA9] =	sst s2  }
0xb: {  	[smem:$0x3FAA] =	sst s3  }
0xc: {  	[smem:$0x3FAB] =	sst s4  }
0xd: {  	[smem:$0x3FAC] =	sst s5  }
0xe: {  	[smem:$0x3FAD] =	sst s6  }
0xf: {  	[smem:$0x3FAE] =	sst s7  }
0x10: {  	[smem:$0x3FAF] =	sst s8  }
0x11: {  	[smem:$0x3FB0] =	sst s9;
	s0 =	simm.s32 @!p0 $0x0  }
0x12: {  	s1 =	sld [smem:$0x3F96];
	s0 =	simm.s32 @p0 $0x1  }
0x13: {  	[smem:$0x3FB1] =	sst s0;
	s0 =	simm.s32 @!p1 $0x0  }
0x14: {  	s2 =	sld [smem:$0x3F95];
	s0 =	simm.s32 @p1 $0x1  }
0x15: {  	[smem:$0x3FB2] =	sst s0;
	s0 =	simm.s32 @!p2 $0x0  }
0x16: {  	s3 =	sld [smem:$0x3FDB];
	s0 =	simm.s32 @p2 $0x1  }
0x17: {  	s4 =	simm.s32 $0x1BF5;
	[smem:$0x3FB4] =	sst s0  }
0x18: {  	s0 =	sld [smem:$0x3F97];
	_ =	swait.ge [sflag:s4], $0x0  }
0x19: {  	s7 =	sld [smem:$0x3F98]  }
0x1a: {  	s8 =	sadd.s32 $0xFFFFE003, lr  }
0x1b: {  	s9 =	sadd.s32 $0xFFFFFEF7, lr;
	s5 =	simm.s32 $0xFFFFFFFF;
	p2 =	slt.u32 s8, $0xFFFFF086  }
0x1c: {  	p1 =	slt.u32 s9, $0xF7A;
	s5 =	simm.s32 @!p2 $0x0  }
0x1d: {  	s5 =	simm.s32 @p1 $0x1;
	p0 =	seq.s32 s7, s2  }
0x1e: {  	s7 =	smul.u32 @!p0 $0xF7A, s2;
	p2 =	seq.s32 @!p0 s5, $0x0  }
0x1f: {  	s9 =	smul.u32 $0xF7A, s1;
	s8 =	simm.s32 @!p0 $0x1BF5;
	p2 =	por !p2, p0  }
0x20: {  	[sflag:s8] =	ssyncset.s32 @!p0 $0xFFFFF086;
	s6 =	sadd.s32 @!p0 s3, s7;
	s7 =	simm.s32 @!p0 $0x108  }
0x21: {  	s3 =	sadd.s32 s3, s9;
	s6 =	sadd.s32 @!p0 $0x88, s6;
	s7 =	simm.s32 @p2 $0x1082  }
0x22: {  	[simem:s7], [sflag:s8] =	dma.local @!p0 [hbm:s6], $0xF7A  }
0x23: {  	s9 =	sor.u32 $0xD0000000, s2;
	s6 =	simm.s32 $0x108;
	_ =	swait.ge @!p0 [sflag:s8], $0x0  }
0x24: {  	s3 =	sadd.s32 $0x88, s3;
	s6 =	simm.s32 @!p1 $0x1082;
	[sflag:s4] =	ssyncset.s32 $0xFFFFF086  }
0x25: {  	[simem:s6], [sflag:s4] =	dma.local [hbm:s3], $0xF7A  }
0x26: {  	[smem:$0x3F98] =	sst s1;
	(tag) =	ssettag s2;
	_ =	strace s9  }
0x27: {  	s1 =	sld [smem:$0x3FA8]  }
0x28: {  	s2 =	sld [smem:$0x3FA9]  }
0x29: {  	s4 =	sld [smem:$0x3FAB]  }
0x2a: {  	p0 =	seq.s32 s5, $0x0;
	s5 =	sld [smem:$0x3FAC]  }
0x2b: {  	s6 =	sld [smem:$0x3FAD]  }
0x2c: {  	s7 =	sld [smem:$0x3FAE]  }
0x2d: {  	s3 =	simm.s32 $0x108;
	s8 =	sld [smem:$0x3FAF]  }
0x2e: {  	s3 =	simm.s32 @!p0 $0x1082;
	s9 =	sld [smem:$0x3FB0]  }
0x2f: {  	lr =	sadd.s32 s0, s3;
	s0 =	sld [smem:$0x3FA7]  }
0x30: {  	s3 =	sld [smem:$0x3FAA]  }
0x31: {  	[smem:$0x3FB3] =	sst s10  }
0x32: {  	s10 =	sld [smem:$0x3FB1];
	_ =	sdelay $0x3  }
0x33: {  	p0 =	seq.s32 s10, $0x1;
	s10 =	sld [smem:$0x3FB3];
	_ =	sdelay $0x3  }
0x34: {  	[smem:$0x3FB3] =	sst s10  }
0x35: {  	s10 =	sld [smem:$0x3FB2];
	_ =	sdelay $0x3  }
0x36: {  	p1 =	seq.s32 s10, $0x1;
	s10 =	sld [smem:$0x3FB3];
	_ =	sdelay $0x3  }
0x37: {  	[smem:$0x3FB3] =	sst s10  }
0x38: {  	s10 =	sld [smem:$0x3FB4]  }
0x39: {  	_ = 	snop;
	(pc) =	sbr.ind lr, $3  }
0x3a: {  	_ = 	snop  }
0x3b: {  	_ = 	snop  }
0x3c: {  	p2 =	seq.s32 s10, $0x1;
	s10 =	sld [smem:$0x3FB3]  }
0x3d: {  	_ =	shalt  }
0x3e: {  	_ =	shalt  }
0x3f: {  	_ =	shalt  }
0x40: {  	_ =	shalt  }
0x41: {  	_ =	shalt  }
0x42: {  	_ =	shalt  }
0x43: {  	_ =	shalt  }
0x44: {  	_ =	shalt  }
0x45: {  	_ =	shalt  }
0x46: {  	_ =	shalt  }
0x47: {  	_ =	shalt  }
0x48: {  	_ =	shalt  }
0x49: {  	_ =	shalt  }
0x4a: {  	_ =	shalt  }
0x4b: {  	_ =	shalt  }
0x4c: {  	_ =	shalt  }
0x4d: {  	_ =	shalt  }
0x4e: {  	_ =	shalt  }
0x4f: {  	_ =	shalt  }
0x50: {  	_ =	shalt  }
0x51: {  	_ =	shalt  }
0x52: {  	_ =	shalt  }
0x53: {  	_ =	shalt  }
0x54: {  	_ =	shalt  }
0x55: {  	_ =	shalt  }
0x56: {  	_ =	shalt  }
0x57: {  	_ =	shalt  }
0x58: {  	_ =	shalt  }
0x59: {  	_ =	shalt  }
0x5a: {  	_ =	shalt  }
0x5b: {  	_ =	shalt  }
0x5c: {  	_ =	shalt  }
0x5d: {  	_ =	shalt  }
0x5e: {  	_ =	shalt  }
0x5f: {  	_ =	shalt  }
0x60: {  	_ =	shalt  }
0x61: {  	_ =	shalt  }
0x62: {  	_ =	shalt  }
0x63: {  	_ =	shalt  }
0x64: {  	_ =	shalt  }
0x65: {  	_ =	shalt  }
0x66: {  	_ =	shalt  }
0x67: {  	_ =	shalt  }
0x68: {  	_ =	shalt  }
0x69: {  	_ =	shalt  }
0x6a: {  	_ =	shalt  }
0x6b: {  	_ =	shalt  }
0x6c: {  	_ =	shalt  }
0x6d: {  	_ =	shalt  }
0x6e: {  	_ =	shalt  }
0x6f: {  	_ =	shalt  }
0x70: {  	_ =	shalt  }
0x71: {  	_ =	shalt  }
0x72: {  	_ =	shalt  }
0x73: {  	_ =	shalt  }
0x74: {  	_ =	shalt  }
0x75: {  	_ =	shalt  }
0x76: {  	_ =	shalt  }
0x77: {  	_ =	shalt  }
0x78: {  	_ =	shalt  }
0x79: {  	_ =	shalt  }
0x7a: {  	_ =	shalt  }
0x7b: {  	_ =	shalt  }
0x7c: {  	_ =	shalt  }
0x7d: {  	_ =	shalt  }
0x7e: {  	_ =	shalt  }
0x7f: {  	_ =	shalt  }
0x80: {  	_ =	shalt  }
0x81: {  	_ =	shalt  }
0x82: {  	_ =	shalt  }
0x83: {  	_ =	shalt  }
0x84: {  	_ =	shalt  }
0x85: {  	_ =	shalt  }
0x86: {  	_ =	shalt  }
0x87: {  	_ =	shalt  }
.Lfunc_end0:
.L_simem_size_0:
called_computation.2_lowered:
.L_overlay_start_0:
0x88: {  	s2 =	sld [smem:$0x3FD9]  }
0x89: {  	s3 =	sld [smem:$0x3FFE];
	_ =	sdelay $0x1  }
0x8a: {  	s1 =	srdreg.scid  }
0x8b: {  	s0 =	sand.u32 $0x1, s1  }
0x8c: {  	s17 =	sshll.u32 s0, $0xA;
	s2 =	sadd.s32 s3, s2  }
0x8d: {  	s2 =	sadd.s32 s2, s17  }
0x8e: {  	[smem:$0x3FBF] =	sst s2  }
0x8f: {  	_ = 	snop  }
0x90: {  	s2 =	sld [smem:$0x3FD0];
	(tm) =	ssettm $0x1  }
0x91: {  	s18 =	sld [smem:$0x3FFB];
	_ =	sdelay $0x3  }
0x92: {  	_ =	strace s18  }
0x93: {  	s3 =	sld [smem:$0x3FFC];
	_ =	sdelay $0x3  }
0x94: {  	_ =	strace s3  }
0x95: {  	s3 =	sld [smem:$0x3FFD];
	_ =	sdelay $0x3  }
0x96: {  	_ =	strace s3  }
0x97: {  	_ =	strace $0x8FFFFFFF  }
0x98: {  	s19 =	sld [smem:$0x3FDB];
	_ =	sdelay $0x1  }
0x99: {  	s4 =	simm.s32 $_scs_section_size  }
0x9a: {  	s5 =	simm.s32 $_size__tile_overlayer_lowered;
	s6 =	simm.s32 $_tile_overlayer_lowered  }
0x9b: {  	s22 =	simm.s32 $0x1BFF;
	s21 =	sshll.u32 s6, $0x1;
	s3 =	sadd.s32 s4, s19  }
0x9c: {  	s7 =	simm.s32 $0x0;
	s20 =	sshll.u32 s5, $0x1;
	s5 =	sadd.s32 s21, s3  }
0x9d: {  	[timem:s7], [sflag:s22] =	dma.local [hbm:s5], s20  }
0x9e: {  	_ =	swait.ge [sflag:s22], s20  }
0x9f: {  	s4 =	ssub.s32 $0x0, s20;
	[sflag:s22] =	ssyncset.done $0x0  }
0xa0: {  	[sflag:s22] =	ssyncadd.s32 s4;
	_ =	sdelay $0x1  }
0xa1: {  	s23 =	simm.s32 $0x1B8B  }
0xa2: {  	_ =	swait.ge [sflag:s23], $0x1  }
0xa3: {  	[sflag:s23] =	ssyncset.done $0x0  }
0xa4: {  	s25 =	simm.s32 $0x1B8E;
	s24 =	sld [smem:$0x3FFE];
	[sflag:s23] =	ssyncadd.s32 $0xFFFFFFFF  }
0xa5: {  	s26 =	simm.s32 $execute0_lowered;
	[smem:$0x3FD2] =	sst s25  }
0xa6: {  	s5 =	sshll.u32 s26, $0x1;
	_ =	strace $0x8000004C;
	[dreg:$0x1] =	wrdreg $0xFFFFFFFF  }
0xa7: {  	s28 =	simm.s32 $_size_execute0_lowered;
	s3 =	sadd.s32 s3, s5;
	[dreg:$0x0] =	wrdreg $0x0  }
0xa8: {  	s5 =	sshll.u32 s28, $0x1;
	[dreg:$0x2] =	wrdreg s3  }
0xa9: {  	[dreg:$0x3] =	wrdreg s5  }
0xaa: {  	[dreg:$0x4] =	wrdreg $0xC0  }
0xab: {  	_ =	task [dreg:s7], $0x5FFFF  }
0xac: {  	[dreg:$0x1] =	wrdreg $0xFFFFFFFF  }
0xad: {  	[dreg:$0x0] =	wrdreg $0x60  }
0xae: {  	[dreg:$0x2] =	wrdreg s2  }
0xaf: {  	[dreg:$0x3] =	wrdreg s24  }
0xb0: {  	[dreg:$0x4] =	wrdreg $0xF0000  }
0xb1: {  	[dreg:$0x5] =	wrdreg $0x9  }
0xb2: {  	_ =	task.clear_ibuf [dreg:s7], $0x6FFFF;
	_ =	strace $0x9000004C  }
0xb3: {  	s29 =	simm.s32 $0x9;
	_ =	strace $0x8000004E  }
0xb4: {  	_ =	swait.ge [sflag:s29], $0x1  }
0xb5: {  	[sflag:s29] =	ssyncadd.s32 $0xFFFFFFFF  }
0xb6: {  	_ =	strace $0x9000004E  }
0xb7: {  	_ =	sfence  }
0xb8: {  	s30 =	sld [smem:$0x0];
	_ =	sdelay $0x2  }
0xb9: {  	s31 =	sshll.u32 s1, $0xD;
	s1 =	sshrl.u32 s1, $0x2  }
0xba: {  	s3 =	sand.u32 $0x4000, s31;
	s1 =	sadd.s32 s1, s30  }
0xbb: {  	s0 =	sor.u32 s3, s0;
	s1 =	sshll.u32 s1, $0x11  }
0xbc: {  	s0 =	sor.u32 s1, s0  }
0xbd: {  	s0 =	sadd.s32 $0x8F2B, s0  }
0xbe: {  	[sflag:s0] =	ssyncadd.remote.s32 $0x1  }
0xbf: {  	_ =	sfence.sel $0xFFFF  }
0xc0: {  	[dreg:$0x0] =	wrdreg $0xFFFFFFFF;
	(pc) =	sbr.abs _section_cstart, $3  }
0xc1: {  	[dreg:$0x1] =	wrdreg $0xFFFFFFFF  }
0xc2: {  	_ =	task.clear_ibuf [dreg:s7], $0x2FFFF;
	_ =	strace $0x9FFFFFFF  }
0xc3: {  	(tm) =	ssettm $0x7FFFFFFF  }
tec
execute0_lowered:
.L_overlay_start_1:
0x0: {  	(tag) =	ssettag $0x1  }
0x1: {  	s1 =	rddreg [dreg:$0x0]  }
0x2: {  	s0 =	srdreg.scid;
	s2 =	rddreg [dreg:$0x1]  }
0x3: {  	s25 =	stileid.u32;
	s3 =	rddreg [dreg:$0x2];
	s4 =	simm.s32 $0x0  }
0x4: {  	s14 =	simm.s32 $0x2;
	s15 =	simm.s32 $0x2800;
	s16 =	simm.s32 $0xD000  }
0x5: {  	s17 =	simm.s32 $0x80;
	s18 =	simm.s32 $0x5000;
	s19 =	simm.s32 $0x7000  }
0x6: {  	s20 =	simm.s32 $0x100;
	s21 =	simm.s32 $0x9000;
	s22 =	simm.s32 $0x180  }
0x7: {  	s23 =	simm.s32 $0xB000;
	s24 =	simm.s32 $0x1;
	s7 =	smul.u32 $0x2800, s25  }
0x8: {  	s28 =	simm.s32 $0x4F00;
	s29 =	simm.s32 $0x4F80;
	s8 =	smul.u32 $0x14000, s25  }
0x9: {  	s30 =	simm.s32 $0x0;
	s5 =	sand.u32 $0x1, s0;
	s9 =	smul.u32 $0x28000, s25  }
0xa: {  	[smem:$0x7FF] =	sst s4;
	s25 =	simm.s32 $0x4E00;
	s6 =	smul.u32 $0x28000, s5  }
0xb: {  	s26 =	smul.u32 $0x140000, s5;
	_ =	strace $0x8000004D;
	s5 =	ssub.s32 $0x2, s5  }
0xc: {  	s10 =	sshrl.u32 s5, $0x1;
	s31 =	sshrl.u32 s9, $0x2;
	s6 =	sadd.s32 s7, s6  }
0xd: {  	s7 =	sadd.s32 s8, s26;
	s13 =	ssub.s32 s5, s10;
	s8 =	sshrl.u32 s8, $0x1  }
0xe: {  	s11 =	sadd.s32 s31, s3;
	s26 =	simm.s32 $0x4E80;
	s6 =	sshrl.u32 s6, $0x3  }
0xf: {  	s7 =	sshrl.u32 s7, $0x4;
	s9 =	sadd.s32 $0x4000, s11;
	s10 =	sadd.s32 $0x6000, s11  }
0x10: {  	s13 =	smax.u32 s13, $0x1;
	s6 =	sadd.s32 s6, s2;
	s2 =	sadd.s32 s7, s2  }
0x11: {  	s7 =	sadd.s32 s8, s3;
	s8 =	sadd.s32 $0x2000, s11;
	s11 =	sadd.s32 $0x8000, s11  }
0x12: {  	v0 =	vimm.bf16 $0.0e+00;
	s5 =	sadd.s32 $0x2800, s6;
	s6 =	sadd.s32 $0xC800, s6;
	s12 =	sadd.s32 $0x16800, s2  }
.LBB2_1:
0x13: {  	[tilespmem:s4], [sflag:$0x2] =	stream.linear.gather [hbm4b:s5+s4], $0x2800, $0x38;
	[tilespmem:$0x19000] =	vst v63  }
0x14: {  	_ =	swait.ge [sflag:s14], $0x2800  }
0x15: {  	[sflag:s14] =	ssyncset.done $0x0  }
0x16: {  	[sflag:s14] =	ssyncadd.s32 $0xFFFFD800  }
0x17: {  	[tilespmem:s15], [sflag:$0x2] =	stream.linear.gather [hbm4b:s6+s4], $0x2800, $0x38;
	[tilespmem:$0x19000] =	vst v63  }
0x18: {  	_ =	swait.ge [sflag:s14], $0x2800  }
0x19: {  	[sflag:s14] =	ssyncset.done $0x0  }
0x1a: {  	s31 =	simm.s32 $0x100;
	s2 =	simm.s32 $0x0;
	[sflag:s14] =	ssyncadd.s32 $0xFFFFD800  }
.LBB2_2:
0x1b: {  	p0 =	sne.s32 s31, $0x7F00;
	[tilespmem:s2+$0xD030] =	vst v0;
	s0 =	smov.u32 s31;
	s31 =	sadd.s32 $0x100, s31  }
.Ltmp0:
0x1c: {  	[tilespmem:s2+$0xD020] =	vst v0;
	(pc) =	sbr.rel @p0 .LBB2_2-.Ltmp0, $3  }
0x1d: {  	[tilespmem:s2+$0xD000] =	vst v0  }
0x1e: {  	[tilespmem:s2+$0xD010] =	vst v0;
	_ =	sdelay $0x1  }
0x1f: {  	s2 =	sshra.s32 s0, $0x2  }
0x20: {  	[tilespmem:s2+$0xD030] =	vst v0  }
0x21: {  	[tilespmem:s2+$0xD020] =	vst v0  }
0x22: {  	[tilespmem:s2+$0xD000] =	vst v0  }
0x23: {  	[tilespmem:s2+$0xD010] =	vst v0  }
0x24: {  	[spmem:s7] =	stream.linear.scatter [tilespmem:s16], [sflag:$0x2], $0x2000, $0x38;
	[tilespmem:$0x19000] =	vst v63  }
0x25: {  	_ =	swait.ge [sflag:s14], $0x2000  }
0x26: {  	[sflag:s14] =	ssyncset.done $0x0  }
0x27: {  	[sflag:s14] =	ssyncadd.s32 $0xFFFFE000  }
0x28: {  	[spmem:s8] =	stream.linear.scatter [tilespmem:s16], [sflag:$0x2], $0x2000, $0x38;
	[tilespmem:$0x19000] =	vst v63  }
0x29: {  	_ =	swait.ge [sflag:s14], $0x2000  }
0x2a: {  	[sflag:s14] =	ssyncset.done $0x0  }
0x2b: {  	[sflag:s14] =	ssyncadd.s32 $0xFFFFE000  }
0x2c: {  	[spmem:s9] =	stream.linear.scatter [tilespmem:s16], [sflag:$0x2], $0x2000, $0x38;
	[tilespmem:$0x19000] =	vst v63  }
0x2d: {  	_ =	swait.ge [sflag:s14], $0x2000  }
0x2e: {  	[sflag:s14] =	ssyncset.done $0x0  }
0x2f: {  	[sflag:s14] =	ssyncadd.s32 $0xFFFFE000  }
0x30: {  	[spmem:s10] =	stream.linear.scatter [tilespmem:s16], [sflag:$0x2], $0x2000, $0x38;
	[tilespmem:$0x19000] =	vst v63  }
0x31: {  	_ =	swait.ge [sflag:s14], $0x2000  }
0x32: {  	[sflag:s14] =	ssyncset.done $0x0  }
0x33: {  	[sflag:s14] =	ssyncadd.s32 $0xFFFFE000  }
0x34: {  	[spmem:s11] =	stream.linear.scatter [tilespmem:s16], [sflag:$0x2], $0x2000, $0x38;
	[tilespmem:$0x19000] =	vst v63  }
0x35: {  	_ =	swait.ge [sflag:s14], $0x2000  }
0x36: {  	[sflag:s14] =	ssyncset.done $0x0  }
0x37: {  	[sflag:s14] =	ssyncadd.s32 $0xFFFFE000  }
0x38: {  	s0 =	simm.s32 $0x0;
	[bflag:$0x0] =	sbarrier.arrive $0xFFFF  }
0x39: {  	[tilespmem:s18], [sflag:$0x1] =	stream.indirect.gather [hbm4b:s1+s17], $0x40, s0, s17, $0xb8;
	[tilespmem:$0x19000] =	vst v63  }
0x3a: {  	_ = 	snop  }
0x3b: {  	[tilespmem:s19], [sflag:$0x1] =	stream.indirect.gather [hbm4b:s1+s17], $0x40, s17, s17, $0xb8;
	[tilespmem:$0x19000] =	vst v63  }
0x3c: {  	_ = 	snop  }
0x3d: {  	[tilespmem:s21], [sflag:$0x1] =	stream.indirect.gather [hbm4b:s1+s17], $0x40, s20, s17, $0xb8;
	[tilespmem:$0x19000] =	vst v63  }
0x3e: {  	_ = 	snop  }
0x3f: {  	[tilespmem:s23], [sflag:$0x1] =	stream.indirect.gather [hbm4b:s1+s17], $0x40, s22, s17, $0xb8;
	[tilespmem:$0x19000] =	vst v63  }
0x40: {  	_ =	swait.ge [sflag:s24], $0x2000  }
0x41: {  	[sflag:s24] =	ssyncset.done $0x0  }
0x42: {  	s2 =	simm.s32 $0x2800;
	[sflag:s24] =	ssyncadd.s32 $0xFFFFE000  }
0x43: {  	[spmem:s3] =	stream.indirect.scatter.add.bf16 [tilespmem:s18], [sflag:$0x2], $0x40, s2, s17, $0xb8;
	[tilespmem:$0x19000] =	vst v63  }
0x44: {  	_ =	swait.ge [sflag:s14], $0x2000  }
0x45: {  	[sflag:s14] =	ssyncset.done $0x0  }
0x46: {  	s2 =	simm.s32 $0x200;
	[sflag:s14] =	ssyncadd.s32 $0xFFFFE000  }
0x47: {  	[tilespmem:s18], [sflag:$0x1] =	stream.indirect.gather [hbm4b:s1+s17], $0x40, s2, s17, $0xb8;
	[tilespmem:$0x19000] =	vst v63  }
0x48: {  	_ =	swait.ge [sflag:s24], $0x2000  }
0x49: {  	[sflag:s24] =	ssyncset.done $0x0  }
0x4a: {  	s2 =	simm.s32 $0x2880;
	[sflag:s24] =	ssyncadd.s32 $0xFFFFE000  }
0x4b: {  	[spmem:s3] =	stream.indirect.scatter.add.bf16 [tilespmem:s19], [sflag:$0x2], $0x40, s2, s17, $0xb8;
	[tilespmem:$0x19000] =	vst v63  }
0x4c: {  	_ =	swait.ge [sflag:s14], $0x2000  }
0x4d: {  	[sflag:s14] =	ssyncset.done $0x0  }
0x4e: {  	s2 =	simm.s32 $0x280;
	[sflag:s14] =	ssyncadd.s32 $0xFFFFE000  }
0x4f: {  	[tilespmem:s19], [sflag:$0x1] =	stream.indirect.gather [hbm4b:s1+s17], $0x40, s2, s17, $0xb8;
	[tilespmem:$0x19000] =	vst v63  }
0x50: {  	_ =	swait.ge [sflag:s24], $0x2000  }
0x51: {  	[sflag:s24] =	ssyncset.done $0x0  }
0x52: {  	s2 =	simm.s32 $0x2900;
	[sflag:s24] =	ssyncadd.s32 $0xFFFFE000  }
0x53: {  	[spmem:s3] =	stream.indirect.scatter.add.bf16 [tilespmem:s21], [sflag:$0x2], $0x40, s2, s17, $0xb8;
	[tilespmem:$0x19000] =	vst v63  }
0x54: {  	_ =	swait.ge [sflag:s14], $0x2000  }
0x55: {  	[sflag:s14] =	ssyncset.done $0x0  }
0x56: {  	s2 =	simm.s32 $0x300;
	[sflag:s14] =	ssyncadd.s32 $0xFFFFE000  }
0x57: {  	[tilespmem:s21], [sflag:$0x1] =	stream.indirect.gather [hbm4b:s1+s17], $0x40, s2, s17, $0xb8;
	[tilespmem:$0x19000] =	vst v63  }
0x58: {  	_ =	swait.ge [sflag:s24], $0x2000  }
0x59: {  	[sflag:s24] =	ssyncset.done $0x0  }
0x5a: {  	s2 =	simm.s32 $0x2980;
	[sflag:s24] =	ssyncadd.s32 $0xFFFFE000  }
0x5b: {  	[spmem:s3] =	stream.indirect.scatter.add.bf16 [tilespmem:s23], [sflag:$0x2], $0x40, s2, s17, $0xb8;
	[tilespmem:$0x19000] =	vst v63  }
0x5c: {  	_ =	swait.ge [sflag:s14], $0x2000  }
0x5d: {  	[sflag:s14] =	ssyncset.done $0x0  }
0x5e: {  	s31 =	simm.s32 $0x800;
	s2 =	simm.s32 $0x380;
	[sflag:s14] =	ssyncadd.s32 $0xFFFFE000  }
.LBB2_4:
0x5f: {  	[tilespmem:s23], [sflag:$0x1] =	stream.indirect.gather [hbm4b:s1+s17], $0x40, s2, s17, $0xb8;
	[tilespmem:$0x19000] =	vst v63  }
0x60: {  	s0 =	smov.u32 s31  }
0x61: {  	p0 =	sne.s32 s31, $0x9000;
	s31 =	sadd.s32 $0x800, s31;
	_ =	swait.ge [sflag:s24], $0x2000  }
0x62: {  	s2 =	sshra.s32 s0, $0x2;
	[sflag:s24] =	ssyncset.done $0x0  }
0x63: {  	s0 =	sadd.s32 $0x2800, s2;
	[sflag:s24] =	ssyncadd.s32 $0xFFFFE000  }
0x64: {  	[spmem:s3] =	stream.indirect.scatter.add.bf16 [tilespmem:s18], [sflag:$0x2], $0x40, s0, s17, $0xb8;
	[tilespmem:$0x19000] =	vst v63  }
0x65: {  	_ =	swait.ge [sflag:s14], $0x2000  }
0x66: {  	[sflag:s14] =	ssyncset.done $0x0  }
0x67: {  	s0 =	sadd.s32 $0x200, s2;
	[sflag:s14] =	ssyncadd.s32 $0xFFFFE000  }
0x68: {  	[tilespmem:s18], [sflag:$0x1] =	stream.indirect.gather [hbm4b:s1+s17], $0x40, s0, s17, $0xb8;
	[tilespmem:$0x19000] =	vst v63  }
0x69: {  	_ =	swait.ge [sflag:s24], $0x2000  }
0x6a: {  	[sflag:s24] =	ssyncset.done $0x0  }
0x6b: {  	s0 =	sadd.s32 $0x2880, s2;
	[sflag:s24] =	ssyncadd.s32 $0xFFFFE000  }
0x6c: {  	[spmem:s3] =	stream.indirect.scatter.add.bf16 [tilespmem:s19], [sflag:$0x2], $0x40, s0, s17, $0xb8;
	[tilespmem:$0x19000] =	vst v63  }
0x6d: {  	_ =	swait.ge [sflag:s14], $0x2000  }
0x6e: {  	[sflag:s14] =	ssyncset.done $0x0  }
0x6f: {  	s0 =	sadd.s32 $0x280, s2;
	[sflag:s14] =	ssyncadd.s32 $0xFFFFE000  }
0x70: {  	[tilespmem:s19], [sflag:$0x1] =	stream.indirect.gather [hbm4b:s1+s17], $0x40, s0, s17, $0xb8;
	[tilespmem:$0x19000] =	vst v63  }
0x71: {  	_ =	swait.ge [sflag:s24], $0x2000  }
0x72: {  	[sflag:s24] =	ssyncset.done $0x0  }
0x73: {  	s0 =	sadd.s32 $0x2900, s2;
	[sflag:s24] =	ssyncadd.s32 $0xFFFFE000  }
0x74: {  	[spmem:s3] =	stream.indirect.scatter.add.bf16 [tilespmem:s21], [sflag:$0x2], $0x40, s0, s17, $0xb8;
	[tilespmem:$0x19000] =	vst v63  }
0x75: {  	_ =	swait.ge [sflag:s14], $0x2000  }
0x76: {  	[sflag:s14] =	ssyncset.done $0x0  }
0x77: {  	s0 =	sadd.s32 $0x300, s2;
	[sflag:s14] =	ssyncadd.s32 $0xFFFFE000  }
0x78: {  	[tilespmem:s21], [sflag:$0x1] =	stream.indirect.gather [hbm4b:s1+s17], $0x40, s0, s17, $0xb8;
	[tilespmem:$0x19000] =	vst v63  }
0x79: {  	_ =	swait.ge [sflag:s24], $0x2000  }
0x7a: {  	[sflag:s24] =	ssyncset.done $0x0  }
.Ltmp1:
0x7b: {  	s0 =	sadd.s32 $0x2980, s2;
	[sflag:s24] =	ssyncadd.s32 $0xFFFFE000;
	(pc) =	sbr.rel @p0 .LBB2_4-.Ltmp1, $4  }
0x7c: {  	[spmem:s3] =	stream.indirect.scatter.add.bf16 [tilespmem:s23], [sflag:$0x2], $0x40, s0, s17, $0xb8;
	[tilespmem:$0x19000] =	vst v63  }
0x7d: {  	_ =	swait.ge [sflag:s14], $0x2000  }
0x7e: {  	[sflag:s14] =	ssyncset.done $0x0  }
0x7f: {  	s2 =	sadd.s32 $0x380, s2;
	[sflag:s14] =	ssyncadd.s32 $0xFFFFE000  }
0x80: {  	[tilespmem:s23], [sflag:$0x1] =	stream.indirect.gather [hbm4b:s1+s17], $0x40, s2, s17, $0xb8;
	[tilespmem:$0x19000] =	vst v63  }
0x81: {  	_ =	swait.ge [sflag:s24], $0x2000  }
0x82: {  	[sflag:s24] =	ssyncset.done $0x0  }
0x83: {  	[sflag:s24] =	ssyncadd.s32 $0xFFFFE000  }
0x84: {  	[spmem:s3] =	stream.indirect.scatter.add.bf16 [tilespmem:s18], [sflag:$0x2], $0x40, s25, s17, $0xb8;
	[tilespmem:$0x19000] =	vst v63  }
0x85: {  	_ =	swait.ge [sflag:s14], $0x2000  }
0x86: {  	[sflag:s14] =	ssyncset.done $0x0  }
0x87: {  	[sflag:s14] =	ssyncadd.s32 $0xFFFFE000  }
0x88: {  	_ =	swait.ge [sflag:s24], $0x2000  }
0x89: {  	[sflag:s24] =	ssyncset.done $0x0  }
0x8a: {  	[sflag:s24] =	ssyncadd.s32 $0xFFFFE000  }
0x8b: {  	[spmem:s3] =	stream.indirect.scatter.add.bf16 [tilespmem:s19], [sflag:$0x2], $0x40, s26, s17, $0xb8;
	[tilespmem:$0x19000] =	vst v63  }
0x8c: {  	_ =	swait.ge [sflag:s14], $0x2000  }
0x8d: {  	[sflag:s14] =	ssyncset.done $0x0  }
0x8e: {  	[sflag:s14] =	ssyncadd.s32 $0xFFFFE000  }
0x8f: {  	_ =	swait.ge [sflag:s24], $0x2000  }
0x90: {  	[sflag:s24] =	ssyncset.done $0x0  }
0x91: {  	[sflag:s24] =	ssyncadd.s32 $0xFFFFE000  }
0x92: {  	[spmem:s3] =	stream.indirect.scatter.add.bf16 [tilespmem:s21], [sflag:$0x2], $0x40, s28, s17, $0xb8;
	[tilespmem:$0x19000] =	vst v63  }
0x93: {  	_ =	swait.ge [sflag:s14], $0x2000  }
0x94: {  	[sflag:s14] =	ssyncset.done $0x0  }
0x95: {  	[sflag:s14] =	ssyncadd.s32 $0xFFFFE000  }
0x96: {  	_ =	swait.ge [sflag:s24], $0x2000  }
0x97: {  	[sflag:s24] =	ssyncset.done $0x0  }
0x98: {  	[sflag:s24] =	ssyncadd.s32 $0xFFFFE000  }
0x99: {  	[spmem:s3] =	stream.indirect.scatter.add.bf16 [tilespmem:s23], [sflag:$0x2], $0x40, s29, s17, $0xb8;
	[tilespmem:$0x19000] =	vst v63  }
0x9a: {  	s0 =	stileid.u32;
	_ =	swait.ge [sflag:s14], $0x2000  }
0x9b: {  	s31 =	sshrl.u32 s7, $0x3;
	s30 =	sadd.s32 $0x1, s30;
	[sflag:s14] =	ssyncset.done $0x0  }
0x9c: {  	s0 =	sshll.u32 s0, $0x6;
	p0 =	sne.s32 s30, s13;
	[sflag:s14] =	ssyncadd.s32 $0xFFFFE000  }
.Ltmp2:
0x9d: {  	s0 =	sor.u32 $0x1C02, s0;
	[bflag:$0x0] =	sbarrier.arrive $0xFFFF;
	(pc) =	sbr.rel @p0 .LBB2_1-.Ltmp2, $4  }
0x9e: {  	[hbm:s12], [sflag:s0] =	dma.local [spmem:s31], $0x1400  }
0x9f: {  	_ =	swait.ge [sflag:s14], $0x1400  }
0xa0: {  	[sflag:s14] =	ssyncset.done $0x0  }
0xa1: {  	[sflag:s14] =	ssyncadd.s32 $0xFFFFEC00  }
0xa2: {  	_ =	sfence.sel $0x180000  }
0xa3: {  	[bflag:$0x0] =	sbarrier.arrive $0xFFFF  }
0xa4: {  	_ =	strace $0x9000004D  }
0xa5: {  	s0 =	stileid.u32;
	[bflag:$0x2] =	sbarrier.arrive $0xFFFF  }
0xa6: {  	p0 =	sne.s32 s0, $0x0;
	s0 =	rddreg [dreg:$0x3]  }
0xa7: {  	s0 =	sadd.s32 @!p0 $0x100000, s0  }
0xa8: {  	[sflag:s0] =	ssyncadd.tile.s32 @!p0 $0x1;
	_ =	shalt  }
.Lfunc_end2:
_tile_overlayer_lowered:
.L_overlay_start_2:
0xa9: {  	(tag) =	ssettag $0x2  }
0xaa: {  	s0 =	rddreg [dreg:$0x0];
	s2 =	stileid.u32  }
0xab: {  	s1 =	rddreg [dreg:$0x1];
	p0 =	sne.s32 s2, $0x0  }
0xac: {  	s3 =	rddreg [dreg:$0x2];
	[bflag:$0x3] =	sbarrier.arrive $0xFFFF;
	s2 =	simm.s32 @!p0 $0x1C02  }
0xad: {  	[timem:s3], [sflag:s2] =	dma.local @!p0 [hbm:s0], s1  }
0xae: {  	s0 =	simm.s32 @!p0 $0x2  }
0xaf: {  	_ =	swait.ge @!p0 [sflag:s0], s1  }
0xb0: {  	s1 =	ssub.s32 @!p0 $0x0, s1;
	[sflag:s0] =	ssyncset.done @!p0 $0x0  }
0xb1: {  	[sflag:s0] =	ssyncadd.s32 @!p0 s1  }
0xb2: {  	[bflag:$0x3] =	sbarrier.arrive $0xFFFF  }
0xb3: {  	_ =	shalt  }

// kernel: kernel.7.cloned.1.call-start
scs
__scs_entry_jumppad:
0x0: {  	(pc) =	sbr.rel $0x88, $3  }
0x1: {  	(tag) =	ssettag $0x0;
	lr =	simm.s32 $0x1  }
0x2: {  	[smem:$0x3F98] =	sst lr;
	_ =	strace $0xD0000000  }
0x3: {  	_ = 	snop  }
0x4: {  	_ = 	snop  }
0x5: {  	_ = 	snop  }
0x6: {  	_ = 	snop  }
0x7: {  	_ = 	snop  }
__scs_overlays_trampoline_lowered:
0x8: {  	[smem:$0x3FA7] =	sst s0  }
0x9: {  	[smem:$0x3FA8] =	sst s1  }
0xa: {  	[smem:$0x3FA9] =	sst s2  }
0xb: {  	[smem:$0x3FAA] =	sst s3  }
0xc: {  	[smem:$0x3FAB] =	sst s4  }
0xd: {  	[smem:$0x3FAC] =	sst s5  }
0xe: {  	[smem:$0x3FAD] =	sst s6  }
0xf: {  	[smem:$0x3FAE] =	sst s7  }
0x10: {  	[smem:$0x3FAF] =	sst s8  }
0x11: {  	[smem:$0x3FB0] =	sst s9;
	s0 =	simm.s32 @!p0 $0x0  }
0x12: {  	s1 =	sld [smem:$0x3F96];
	s0 =	simm.s32 @p0 $0x1  }
0x13: {  	[smem:$0x3FB1] =	sst s0;
	s0 =	simm.s32 @!p1 $0x0  }
0x14: {  	s2 =	sld [smem:$0x3F95];
	s0 =	simm.s32 @p1 $0x1  }
0x15: {  	[smem:$0x3FB2] =	sst s0;
	s0 =	simm.s32 @!p2 $0x0  }
0x16: {  	s3 =	sld [smem:$0x3FDB];
	s0 =	simm.s32 @p2 $0x1  }
0x17: {  	s4 =	simm.s32 $0x1BF5;
	[smem:$0x3FB4] =	sst s0  }
0x18: {  	s0 =	sld [smem:$0x3F97];
	_ =	swait.ge [sflag:s4], $0x0  }
0x19: {  	s7 =	sld [smem:$0x3F98]  }
0x1a: {  	s8 =	sadd.s32 $0xFFFFE003, lr  }
0x1b: {  	s9 =	sadd.s32 $0xFFFFFEF7, lr;
	s5 =	simm.s32 $0xFFFFFFFF;
	p2 =	slt.u32 s8, $0xFFFFF086  }
0x1c: {  	p1 =	slt.u32 s9, $0xF7A;
	s5 =	simm.s32 @!p2 $0x0  }
0x1d: {  	s5 =	simm.s32 @p1 $0x1;
	p0 =	seq.s32 s7, s2  }
0x1e: {  	s7 =	smul.u32 @!p0 $0xF7A, s2;
	p2 =	seq.s32 @!p0 s5, $0x0  }
0x1f: {  	s9 =	smul.u32 $0xF7A, s1;
	s8 =	simm.s32 @!p0 $0x1BF5;
	p2 =	por !p2, p0  }
0x20: {  	[sflag:s8] =	ssyncset.s32 @!p0 $0xFFFFF086;
	s6 =	sadd.s32 @!p0 s3, s7;
	s7 =	simm.s32 @!p0 $0x108  }
0x21: {  	s3 =	sadd.s32 s3, s9;
	s6 =	sadd.s32 @!p0 $0x88, s6;
	s7 =	simm.s32 @p2 $0x1082  }
0x22: {  	[simem:s7], [sflag:s8] =	dma.local @!p0 [hbm:s6], $0xF7A  }
0x23: {  	s9 =	sor.u32 $0xD0000000, s2;
	s6 =	simm.s32 $0x108;
	_ =	swait.ge @!p0 [sflag:s8], $0x0  }
0x24: {  	s3 =	sadd.s32 $0x88, s3;
	s6 =	simm.s32 @!p1 $0x1082;
	[sflag:s4] =	ssyncset.s32 $0xFFFFF086  }
0x25: {  	[simem:s6], [sflag:s4] =	dma.local [hbm:s3], $0xF7A  }
0x26: {  	[smem:$0x3F98] =	sst s1;
	(tag) =	ssettag s2;
	_ =	strace s9  }
0x27: {  	s1 =	sld [smem:$0x3FA8]  }
0x28: {  	s2 =	sld [smem:$0x3FA9]  }
0x29: {  	s4 =	sld [smem:$0x3FAB]  }
0x2a: {  	p0 =	seq.s32 s5, $0x0;
	s5 =	sld [smem:$0x3FAC]  }
0x2b: {  	s6 =	sld [smem:$0x3FAD]  }
0x2c: {  	s7 =	sld [smem:$0x3FAE]  }
0x2d: {  	s3 =	simm.s32 $0x108;
	s8 =	sld [smem:$0x3FAF]  }
0x2e: {  	s3 =	simm.s32 @!p0 $0x1082;
	s9 =	sld [smem:$0x3FB0]  }
0x2f: {  	lr =	sadd.s32 s0, s3;
	s0 =	sld [smem:$0x3FA7]  }
0x30: {  	s3 =	sld [smem:$0x3FAA]  }
0x31: {  	[smem:$0x3FB3] =	sst s10  }
0x32: {  	s10 =	sld [smem:$0x3FB1];
	_ =	sdelay $0x3  }
0x33: {  	p0 =	seq.s32 s10, $0x1;
	s10 =	sld [smem:$0x3FB3];
	_ =	sdelay $0x3  }
0x34: {  	[smem:$0x3FB3] =	sst s10  }
0x35: {  	s10 =	sld [smem:$0x3FB2];
	_ =	sdelay $0x3  }
0x36: {  	p1 =	seq.s32 s10, $0x1;
	s10 =	sld [smem:$0x3FB3];
	_ =	sdelay $0x3  }
0x37: {  	[smem:$0x3FB3] =	sst s10  }
0x38: {  	s10 =	sld [smem:$0x3FB4]  }
0x39: {  	_ = 	snop;
	(pc) =	sbr.ind lr, $3  }
0x3a: {  	_ = 	snop  }
0x3b: {  	_ = 	snop  }
0x3c: {  	p2 =	seq.s32 s10, $0x1;
	s10 =	sld [smem:$0x3FB3]  }
0x3d: {  	_ =	shalt  }
0x3e: {  	_ =	shalt  }
0x3f: {  	_ =	shalt  }
0x40: {  	_ =	shalt  }
0x41: {  	_ =	shalt  }
0x42: {  	_ =	shalt  }
0x43: {  	_ =	shalt  }
0x44: {  	_ =	shalt  }
0x45: {  	_ =	shalt  }
0x46: {  	_ =	shalt  }
0x47: {  	_ =	shalt  }
0x48: {  	_ =	shalt  }
0x49: {  	_ =	shalt  }
0x4a: {  	_ =	shalt  }
0x4b: {  	_ =	shalt  }
0x4c: {  	_ =	shalt  }
0x4d: {  	_ =	shalt  }
0x4e: {  	_ =	shalt  }
0x4f: {  	_ =	shalt  }
0x50: {  	_ =	shalt  }
0x51: {  	_ =	shalt  }
0x52: {  	_ =	shalt  }
0x53: {  	_ =	shalt  }
0x54: {  	_ =	shalt  }
0x55: {  	_ =	shalt  }
0x56: {  	_ =	shalt  }
0x57: {  	_ =	shalt  }
0x58: {  	_ =	shalt  }
0x59: {  	_ =	shalt  }
0x5a: {  	_ =	shalt  }
0x5b: {  	_ =	shalt  }
0x5c: {  	_ =	shalt  }
0x5d: {  	_ =	shalt  }
0x5e: {  	_ =	shalt  }
0x5f: {  	_ =	shalt  }
0x60: {  	_ =	shalt  }
0x61: {  	_ =	shalt  }
0x62: {  	_ =	shalt  }
0x63: {  	_ =	shalt  }
0x64: {  	_ =	shalt  }
0x65: {  	_ =	shalt  }
0x66: {  	_ =	shalt  }
0x67: {  	_ =	shalt  }
0x68: {  	_ =	shalt  }
0x69: {  	_ =	shalt  }
0x6a: {  	_ =	shalt  }
0x6b: {  	_ =	shalt  }
0x6c: {  	_ =	shalt  }
0x6d: {  	_ =	shalt  }
0x6e: {  	_ =	shalt  }
0x6f: {  	_ =	shalt  }
0x70: {  	_ =	shalt  }
0x71: {  	_ =	shalt  }
0x72: {  	_ =	shalt  }
0x73: {  	_ =	shalt  }
0x74: {  	_ =	shalt  }
0x75: {  	_ =	shalt  }
0x76: {  	_ =	shalt  }
0x77: {  	_ =	shalt  }
0x78: {  	_ =	shalt  }
0x79: {  	_ =	shalt  }
0x7a: {  	_ =	shalt  }
0x7b: {  	_ =	shalt  }
0x7c: {  	_ =	shalt  }
0x7d: {  	_ =	shalt  }
0x7e: {  	_ =	shalt  }
0x7f: {  	_ =	shalt  }
0x80: {  	_ =	shalt  }
0x81: {  	_ =	shalt  }
0x82: {  	_ =	shalt  }
0x83: {  	_ =	shalt  }
0x84: {  	_ =	shalt  }
0x85: {  	_ =	shalt  }
0x86: {  	_ =	shalt  }
0x87: {  	_ =	shalt  }
.Lfunc_end0:
.L_simem_size_0:
called_computation_lowered:
.L_overlay_start_0:
0x88: {  	s2 =	sld [smem:$0x3FD9]  }
0x89: {  	s3 =	sld [smem:$0x3FFE];
	_ =	sdelay $0x1  }
0x8a: {  	s1 =	srdreg.scid  }
0x8b: {  	s0 =	sand.u32 $0x1, s1  }
0x8c: {  	s17 =	sshll.u32 s0, $0xA;
	s2 =	sadd.s32 s3, s2  }
0x8d: {  	s2 =	sadd.s32 s2, s17  }
0x8e: {  	[smem:$0x3FBF] =	sst s2  }
0x8f: {  	_ = 	snop  }
0x90: {  	(tm) =	ssettm $0x1  }
0x91: {  	s18 =	sld [smem:$0x3FFB];
	_ =	sdelay $0x3  }
0x92: {  	_ =	strace s18  }
0x93: {  	s2 =	sld [smem:$0x3FFC];
	_ =	sdelay $0x3  }
0x94: {  	_ =	strace s2  }
0x95: {  	s2 =	sld [smem:$0x3FFD];
	_ =	sdelay $0x3  }
0x96: {  	_ =	strace s2  }
0x97: {  	_ =	strace $0x8FFFFFFF  }
0x98: {  	s19 =	sld [smem:$0x3FDB];
	_ =	sdelay $0x1  }
0x99: {  	s20 =	simm.s32 $_scs_section_size  }
0x9a: {  	s4 =	simm.s32 $_size__tile_overlayer_lowered;
	s5 =	simm.s32 $_tile_overlayer_lowered  }
0x9b: {  	s6 =	simm.s32 $0x1BFF;
	s21 =	sshll.u32 s5, $0x1;
	s3 =	sadd.s32 s20, s19  }
0x9c: {  	s22 =	simm.s32 $0x0;
	s4 =	sshll.u32 s4, $0x1;
	s5 =	sadd.s32 s21, s3  }
0x9d: {  	[timem:s22], [sflag:s6] =	dma.local [hbm:s5], s4  }
0x9e: {  	_ =	swait.ge [sflag:s6], s4  }
0x9f: {  	s4 =	ssub.s32 $0x0, s4;
	[sflag:s6] =	ssyncset.done $0x0  }
0xa0: {  	[sflag:s6] =	ssyncadd.s32 s4;
	_ =	sdelay $0x1  }
0xa1: {  	s23 =	simm.s32 $0x1B8B  }
0xa2: {  	_ =	swait.ge [sflag:s23], $0x1  }
0xa3: {  	[sflag:s23] =	ssyncset.done $0x0  }
0xa4: {  	[sflag:s23] =	ssyncadd.s32 $0xFFFFFFFF  }
0xa5: {  	s4 =	sld [smem:$0x0]  }
0xa6: {  	s5 =	sand.u32 $0xFFFFFFFE, s1  }
0xa7: {  	p0 =	sne.s32 s1, s5  }
0xa8: {  	s5 =	sshll.u32 @p0 s5, $0xE  }
0xa9: {  	s5 =	sadd.s32 @p0 $0x11B8D, s5;
	s6 =	sshll.u32 @p0 s4, $0x11  }
0xaa: {  	s5 =	sor.u32 @p0 s6, s5  }
0xab: {  	[sflag:s5] =	ssyncadd.remote.s32 @p0 $0x1;
	_ =	sdelay $0x1  }
0xac: {  	s5 =	simm.s32 @p0 $0x1B8D  }
0xad: {  	_ =	swait.eq @p0 [sflag:s5], $0x1  }
0xae: {  	[sflag:s5] =	ssyncadd.s32 @p0 $0xFFFFFFFF  }
0xaf: {  	s6 =	sshll.u32 @!p0 s1, $0xE  }
0xb0: {  	s6 =	sor.u32 @!p0 $0x4000, s6;
	s5 =	simm.s32 @!p0 $0x1B8D  }
0xb1: {  	s4 =	sshll.u32 @!p0 s4, $0x11;
	s6 =	sadd.s32 @!p0 $0x11B8D, s6;
	_ =	swait.eq @!p0 [sflag:s5], $0x1  }
0xb2: {  	s4 =	sor.u32 @!p0 s4, s6;
	[sflag:s5] =	ssyncadd.s32 @!p0 $0xFFFFFFFF  }
0xb3: {  	s25 =	simm.s32 $0x1B8E;
	s24 =	sld [smem:$0x3FFE];
	[sflag:s4] =	ssyncadd.remote.s32 @!p0 $0x1  }
0xb4: {  	s26 =	simm.s32 $execute0_lowered;
	[smem:$0x3FD2] =	sst s25  }
0xb5: {  	s5 =	sshll.u32 s26, $0x1;
	_ =	strace $0x80000049;
	[dreg:$0x1] =	wrdreg $0xFFFFFFFF  }
0xb6: {  	s28 =	simm.s32 $_size_execute0_lowered;
	s3 =	sadd.s32 s3, s5;
	[dreg:$0x0] =	wrdreg $0x0  }
0xb7: {  	s5 =	sshll.u32 s28, $0x1;
	[dreg:$0x2] =	wrdreg s3  }
0xb8: {  	[dreg:$0x3] =	wrdreg s5  }
0xb9: {  	[dreg:$0x4] =	wrdreg $0xC0  }
0xba: {  	_ =	task [dreg:s22], $0x5FFFF  }
0xbb: {  	[dreg:$0x1] =	wrdreg $0xFFFFFFFF  }
0xbc: {  	[dreg:$0x0] =	wrdreg $0x60  }
0xbd: {  	[dreg:$0x2] =	wrdreg s24  }
0xbe: {  	[dreg:$0x3] =	wrdreg $0x38000  }
0xbf: {  	[dreg:$0x4] =	wrdreg $0x9  }
0xc0: {  	_ =	task.clear_ibuf [dreg:s22], $0x5FFFF;
	_ =	strace $0x90000049  }
0xc1: {  	s29 =	simm.s32 $0x9;
	_ =	strace $0x8000004B  }
0xc2: {  	_ =	swait.ge [sflag:s29], $0x1  }
0xc3: {  	[sflag:s29] =	ssyncadd.s32 $0xFFFFFFFF  }
0xc4: {  	_ =	strace $0x9000004B  }
0xc5: {  	_ =	sfence  }
0xc6: {  	s30 =	sld [smem:$0x0];
	_ =	sdelay $0x2  }
0xc7: {  	s31 =	sshll.u32 s1, $0xD;
	s1 =	sshrl.u32 s1, $0x2  }
0xc8: {  	s4 =	sand.u32 $0x4000, s31;
	s1 =	sadd.s32 s1, s30  }
0xc9: {  	s0 =	sor.u32 s4, s0;
	s1 =	sshll.u32 s1, $0x11  }
0xca: {  	s0 =	sor.u32 s1, s0  }
0xcb: {  	s0 =	sadd.s32 $0x8F2B, s0  }
0xcc: {  	[sflag:s0] =	ssyncadd.remote.s32 $0x1  }
0xcd: {  	_ =	sfence.sel $0xFFFF  }
0xce: {  	[dreg:$0x0] =	wrdreg $0xFFFFFFFF;
	(pc) =	sbr.abs _section_cstart, $3  }
0xcf: {  	[dreg:$0x1] =	wrdreg $0xFFFFFFFF  }
0xd0: {  	_ =	task.clear_ibuf [dreg:s22], $0x2FFFF;
	_ =	strace $0x9FFFFFFF  }
0xd1: {  	(tm) =	ssettm $0x7FFFFFFF  }
tec
execute0_lowered:
.L_overlay_start_1:
0x0: {  	(tag) =	ssettag $0x1  }
0x1: {  	s4 =	rddreg [dreg:$0x0]  }
0x2: {  	s0 =	srdreg.scid;
	s2 =	rddreg [dreg:$0x1]  }
0x3: {  	s1 =	rddreg [dreg:$0x2];
	s3 =	simm.s32 $0x0;
	s12 =	simm.s32 $0x1  }
0x4: {  	s13 =	simm.s32 $0x3000;
	s14 =	simm.s32 $0x80;
	s5 =	sand.u32 $0x1, s0  }
0x5: {  	s15 =	simm.s32 $0x2800;
	s0 =	stileid.u32;
	s6 =	smul.u32 $0x28000, s5  }
0x6: {  	s18 =	simm.s32 $0x0;
	[smem:$0x7FF] =	sst s3;
	s7 =	smul.u32 $0x2800, s0  }
0x7: {  	s8 =	smul.u32 $0xA000, s0;
	s5 =	ssub.s32 $0x2, s5;
	s16 =	sshll.u32 s0, $0x6  }
0x8: {  	_ =	strace $0x8000004A;
	s30 =	sshrl.u32 s5, $0x1;
	s16 =	sor.u32 $0x1C01, s16  }
0x9: {  	s6 =	sadd.s32 s7, s6;
	s31 =	sshrl.u32 s8, $0x2;
	s11 =	ssub.s32 s5, s30  }
0xa: {  	s5 =	sadd.s32 s7, s2;
	s6 =	sshrl.u32 s6, $0x3;
	s9 =	sadd.s32 s31, s2  }
0xb: {  	s11 =	smax.u32 s11, $0x1;
	s17 =	sshrl.u32 s5, $0x3;
	s10 =	sadd.s32 s6, s4  }
0xc: {  	s6 =	sadd.s32 $0x800, s9;
	s7 =	sadd.s32 $0x1000, s9;
	s8 =	sadd.s32 $0x1800, s9  }
0xd: {  	v0 =	vimm.f32 $1.000000000e+00;
	v1 =	vimm.f32 $0.0e+00;
	s9 =	sadd.s32 $0x2000, s9;
	s4 =	sadd.s32 $0xC800, s10;
	s10 =	sadd.s32 $0x3E800, s10  }
.LBB2_1:
0xe: {  	[tilespmem:s3], [sflag:$0x1] =	stream.linear.gather [hbm4b:s4+s3], $0x2800, $0x38;
	[tilespmem:$0x6000] =	vst v63  }
0xf: {  	_ =	swait.ge [sflag:s12], $0x2800  }
0x10: {  	[sflag:s12] =	ssyncset.done $0x0  }
0x11: {  	s19 =	simm.s32 $0x0;
	[sflag:s12] =	ssyncadd.s32 $0xFFFFD800  }
.LBB2_2:
0x12: {  	p0 =	sne.s32 s19, $0x1FC0  }
.Ltmp0:
0x13: {  	_ = 	snop;
	(pc) =	sbr.rel @p0 .LBB2_2-.Ltmp0, $3  }
0x14: {  	_ =	sdelay $0x1  }
0x15: {  	s20 =	sshra.s32 s19, $0x2  }
0x16: {  	s19 =	sadd.s32 $0x40, s19;
	[tilespmem:s20+$0x2800] =	vst v0  }
0x17: {  	s19 =	simm.s32 $0x40;
	s20 =	simm.s32 $0x0  }
.LBB2_4:
0x18: {  	p0 =	sne.s32 s19, $0x1FC0;
	[tilespmem:s20+$0x3000] =	vst v1;
	s20 =	smov.u32 s19;
	s19 =	sadd.s32 $0x40, s19  }
.Ltmp1:
0x19: {  	(pc) =	sbr.rel @p0 .LBB2_4-.Ltmp1, $2  }
0x1a: {  	_ =	sdelay $0x2  }
0x1b: {  	s20 =	sshra.s32 s20, $0x2  }
0x1c: {  	[tilespmem:s20+$0x3000] =	vst v1  }
0x1d: {  	[spmem:s5] =	stream.linear.scatter [tilespmem:s13], [sflag:$0x1], $0x800, $0x38;
	[tilespmem:$0x6000] =	vst v63  }
0x1e: {  	_ =	swait.ge [sflag:s12], $0x800  }
0x1f: {  	[sflag:s12] =	ssyncset.done $0x0  }
0x20: {  	[sflag:s12] =	ssyncadd.s32 $0xFFFFF800  }
0x21: {  	[spmem:s6] =	stream.linear.scatter [tilespmem:s13], [sflag:$0x1], $0x800, $0x38;
	[tilespmem:$0x6000] =	vst v63  }
0x22: {  	_ =	swait.ge [sflag:s12], $0x800  }
0x23: {  	[sflag:s12] =	ssyncset.done $0x0  }
0x24: {  	[sflag:s12] =	ssyncadd.s32 $0xFFFFF800  }
0x25: {  	[spmem:s7] =	stream.linear.scatter [tilespmem:s13], [sflag:$0x1], $0x800, $0x38;
	[tilespmem:$0x6000] =	vst v63  }
0x26: {  	_ =	swait.ge [sflag:s12], $0x800  }
0x27: {  	[sflag:s12] =	ssyncset.done $0x0  }
0x28: {  	[sflag:s12] =	ssyncadd.s32 $0xFFFFF800  }
0x29: {  	[spmem:s8] =	stream.linear.scatter [tilespmem:s13], [sflag:$0x1], $0x800, $0x38;
	[tilespmem:$0x6000] =	vst v63  }
0x2a: {  	_ =	swait.ge [sflag:s12], $0x800  }
0x2b: {  	[sflag:s12] =	ssyncset.done $0x0  }
0x2c: {  	[sflag:s12] =	ssyncadd.s32 $0xFFFFF800  }
0x2d: {  	[spmem:s9] =	stream.linear.scatter [tilespmem:s13], [sflag:$0x1], $0x800, $0x38;
	[tilespmem:$0x6000] =	vst v63  }
0x2e: {  	_ =	swait.ge [sflag:s12], $0x800  }
0x2f: {  	[sflag:s12] =	ssyncset.done $0x0  }
0x30: {  	[sflag:s12] =	ssyncadd.s32 $0xFFFFF800  }
0x31: {  	s19 =	simm.s32 $0x0;
	[bflag:$0x0] =	sbarrier.arrive $0xFFFF  }
0x32: {  	[spmem:s2] =	stream.indirect.scatter.add.f32 [tilespmem:s15], [sflag:$0x1], $0x10, s19, s14, $0xb8;
	[tilespmem:$0x6000] =	vst v63  }
0x33: {  	_ =	swait.ge [sflag:s12], $0x800  }
0x34: {  	s19 =	simm.s32 $0x200;
	[sflag:s12] =	ssyncset.done $0x0  }
.LBB2_6:
0x35: {  	s20 =	sshra.s32 s19, $0x2;
	[sflag:s12] =	ssyncadd.s32 $0xFFFFF800;
	p0 =	sne.s32 s19, $0x9E00  }
0x36: {  	[spmem:s2] =	stream.indirect.scatter.add.f32 [tilespmem:s15], [sflag:$0x1], $0x10, s20, s14, $0xb8;
	[tilespmem:$0x6000] =	vst v63  }
.Ltmp2:
0x37: {  	_ = 	snop;
	(pc) =	sbr.rel @p0 .LBB2_6-.Ltmp2, $4  }
0x38: {  	_ = 	snop  }
0x39: {  	s19 =	sadd.s32 $0x200, s19  }
0x3a: {  	_ =	swait.ge [sflag:s12], $0x800  }
0x3b: {  	[sflag:s12] =	ssyncset.done $0x0  }
0x3c: {  	s18 =	sadd.s32 $0x1, s18  }
0x3d: {  	[sflag:s12] =	ssyncadd.s32 $0xFFFFF800;
	p0 =	sne.s32 s18, s11  }
.Ltmp3:
0x3e: {  	[bflag:$0x0] =	sbarrier.arrive $0xFFFF;
	(pc) =	sbr.rel @p0 .LBB2_1-.Ltmp3, $4  }
0x3f: {  	[hbm:s10], [sflag:s16] =	dma.local [spmem:s17], $0x500  }
0x40: {  	_ =	swait.ge [sflag:s12], $0x500  }
0x41: {  	[sflag:s12] =	ssyncset.done $0x0  }
0x42: {  	[sflag:s12] =	ssyncadd.s32 $0xFFFFFB00  }
0x43: {  	_ =	sfence.sel $0x180000  }
0x44: {  	[bflag:$0x0] =	sbarrier.arrive $0xFFFF  }
0x45: {  	p0 =	sne.s32 s0, $0x0;
	_ =	strace $0x9000004A  }
0x46: {  	s0 =	sadd.s32 @!p0 $0x100000, s1;
	[bflag:$0x2] =	sbarrier.arrive $0xFFFF  }
0x47: {  	[sflag:s0] =	ssyncadd.tile.s32 @!p0 $0x1;
	_ =	shalt  }
.Lfunc_end2:
_tile_overlayer_lowered:
.L_overlay_start_2:
0x48: {  	(tag) =	ssettag $0x2  }
0x49: {  	s0 =	rddreg [dreg:$0x0];
	s2 =	stileid.u32  }
0x4a: {  	s1 =	rddreg [dreg:$0x1];
	p0 =	sne.s32 s2, $0x0  }
0x4b: {  	s3 =	rddreg [dreg:$0x2];
	[bflag:$0x3] =	sbarrier.arrive $0xFFFF;
	s2 =	simm.s32 @!p0 $0x1C01  }
0x4c: {  	[timem:s3], [sflag:s2] =	dma.local @!p0 [hbm:s0], s1  }
0x4d: {  	s0 =	simm.s32 @!p0 $0x1  }
0x4e: {  	_ =	swait.ge @!p0 [sflag:s0], s1  }
0x4f: {  	s1 =	ssub.s32 @!p0 $0x0, s1;
	[sflag:s0] =	ssyncset.done @!p0 $0x0  }
0x50: {  	[sflag:s0] =	ssyncadd.s32 @!p0 s1  }
0x51: {  	[bflag:$0x3] =	sbarrier.arrive $0xFFFF  }
0x52: {  	_ =	shalt  }

</sc_bundles>
